<compile_context>
chip_gen: v7x
topology: tpu7x:2x2x1
jax: 0.10.2.dev20260603
libtpu: 0.0.44.dev20260713+nightly
codegen_flags: <defaults>
</compile_context>

<pallas_src>
import functools

import jax
import jax.numpy as jnp
from jax import lax
from jax.experimental import pallas as pl
from jax.experimental.pallas import tpu as pltpu
from jax.experimental.pallas import tpu_sc as plsc

N = 10000
NPAD = 10240
E = 320000
D = 128

NS = 16
EPT = E // NS
CHUNK = 80
NCHUNK = EPT // CHUNK
SCHUNK = 80
EPTP = EPT
INNER = 50
NPASS = EPTP // (INNER * SCHUNK)
RPT = NPAD // NS
ZROWS = 128


def _zero_fill(ref, rows, cols):
    zv = jnp.zeros((16,), jnp.float32)

    @pl.loop(0, rows)
    def _(i):
        for c in range(cols // 16):
            ref[i, pl.ds(c * 16, 16)] = zv


def _fill_ones(ref, rows, cols):
    ov = jnp.ones((16,), jnp.float32)

    @pl.loop(0, rows)
    def _(i):
        for c in range(cols // 16):
            ref[i, pl.ds(c * 16, 16)] = ov


def _make_seg_kernel():
    mesh = plsc.VectorSubcoreMesh(core_axis_name="c", subcore_axis_name="s",
                                  num_cores=2, num_subcores=NS)

    out_type = [jax.ShapeDtypeStruct((2, NPAD, D), jnp.float32)]
    scratch = [
        pltpu.VMEM((INNER, SCHUNK), jnp.int32),
        pltpu.VMEM((INNER, SCHUNK), jnp.int32),
        pltpu.VMEM((SCHUNK, D), jnp.float32),
        pltpu.VMEM((SCHUNK, D), jnp.float32),
        pltpu.VMEM((ZROWS, D), jnp.float32),
        pltpu.VMEM_SHARED((NPAD, D), jnp.float32),
        pltpu.SemaphoreType.DMA,
        pltpu.SemaphoreType.DMA,
    ]

    def body(tab, src, dst, agg_out, src_v, dst_v, rows_a, rows_b, zrow_v,
             acc_sh, sem_a, sem_g):
        cid = lax.axis_index("c")
        sid = lax.axis_index("s")

        _zero_fill(zrow_v, ZROWS, D)
        for k in range(RPT // ZROWS):
            pltpu.sync_copy(
                zrow_v, acc_sh.at[pl.ds(sid * RPT + k * ZROWS, ZROWS)])
        plsc.subcore_barrier()

        table = tab.at[cid]

        def wait_scat():
            pltpu.make_async_copy(
                rows_a, acc_sh.at[pl.ds(0, SCHUNK)], sem_a).wait()

        def wait_gath():
            pltpu.make_async_copy(
                table.at[pl.ds(0, SCHUNK)], rows_a, sem_g).wait()

        @pl.loop(0, NPASS)
        def _(p):
            pltpu.sync_copy(src.at[cid, sid, p], src_v)
            pltpu.sync_copy(dst.at[cid, sid, p], dst_v)

            pltpu.async_copy(table.at[src_v.at[0]], rows_a, sem_g)
            pltpu.async_copy(table.at[src_v.at[1]], rows_b, sem_g)

            @pl.loop(0, INNER // 2)
            def _(q):
                j0 = 2 * q
                wait_gath()
                pltpu.async_copy(rows_a, acc_sh.at[dst_v.at[j0]], sem_a,
                                 add=True)
                wait_gath()
                pltpu.async_copy(rows_b, acc_sh.at[dst_v.at[j0 + 1]], sem_a,
                                 add=True)
                j2 = jnp.minimum(j0 + 2, INNER - 1)
                j3 = jnp.minimum(j0 + 3, INNER - 1)
                wait_scat()
                pltpu.async_copy(table.at[src_v.at[j2]], rows_a, sem_g)
                wait_scat()
                pltpu.async_copy(table.at[src_v.at[j3]], rows_b, sem_g)

            wait_gath()
            wait_gath()

        plsc.subcore_barrier()
        pltpu.sync_copy(acc_sh.at[pl.ds(sid * RPT, RPT)],
                        agg_out.at[cid, pl.ds(sid * RPT, RPT)])

    return pl.kernel(
        body, out_type=out_type, mesh=mesh, scratch_types=scratch,
        compiler_params=pltpu.CompilerParams(use_tc_tiling_on_sc=False),
        name="seg_sum")


def _make_cnt_kernel():
    mesh = plsc.VectorSubcoreMesh(core_axis_name="c", subcore_axis_name="s",
                                  num_cores=2, num_subcores=NS)

    def body(dst, cnt_out, dst_v, ones_v, zcnt_v, cntacc_sh):
        cid = lax.axis_index("c")
        sid = lax.axis_index("s")

        _fill_ones(ones_v, CHUNK, 16)
        _zero_fill(zcnt_v, RPT, 16)
        pltpu.sync_copy(zcnt_v, cntacc_sh.at[pl.ds(sid * RPT, RPT)])
        plsc.subcore_barrier()

        pltpu.sync_copy(dst.at[cid, sid], dst_v)

        @pl.loop(0, NCHUNK)
        def _(j):
            pltpu.sync_copy(ones_v, cntacc_sh.at[dst_v.at[j]], add=True)

        plsc.subcore_barrier()
        pltpu.sync_copy(cntacc_sh.at[pl.ds(sid * RPT, RPT)],
                        cnt_out.at[cid, pl.ds(sid * RPT, RPT)])

    return pl.kernel(
        body,
        out_type=[jax.ShapeDtypeStruct((2, NPAD, 16), jnp.float32)],
        mesh=mesh,
        scratch_types=[
            pltpu.VMEM((NCHUNK, CHUNK), jnp.int32),
            pltpu.VMEM((CHUNK, 16), jnp.float32),
            pltpu.VMEM((RPT, 16), jnp.float32),
            pltpu.VMEM_SHARED((NPAD, 16), jnp.float32),
        ],
        compiler_params=pltpu.CompilerParams(use_tc_tiling_on_sc=False),
        name="seg_cnt")


_make_seg_kernel = functools.lru_cache(maxsize=None)(_make_seg_kernel)
_make_cnt_kernel = functools.lru_cache(maxsize=None)(_make_cnt_kernel)


def _seg_sum(tab, src, dst):
    (agg,) = _make_seg_kernel()(tab, src, dst)
    return agg


def _seg_counts(dst):
    (cnt,) = _make_cnt_kernel()(dst)
    return cnt


BLK = 1024


NT = NPAD // BLK


def _layer1_body(agg, cnt, x, Wl1, bl1, Wr1, Wl2x, Wr2x, Wres,
                 p, r2, rres):
    c = jnp.maximum(cnt[0][:, 0:1], 1.0)
    mean = agg[0] / c
    dn = (((1,), (1,)), ((), ()))
    t = (lax.dot_general(mean, Wl1[0], dn, preferred_element_type=jnp.float32)
         + bl1[0]
         + lax.dot_general(x[0], Wr1[0], dn,
                           preferred_element_type=jnp.float32))
    nrm = jnp.maximum(jnp.sqrt(jnp.sum(t * t, axis=1, keepdims=True)), 1e-12)
    x1 = jnp.maximum(t / nrm, 0.0)
    p[0] = lax.dot_general(x1, Wl2x[0], dn, preferred_element_type=jnp.float32)
    r2[0] = lax.dot_general(x1, Wr2x[0], dn,
                            preferred_element_type=jnp.float32)
    rres[0] = lax.dot_general(x1, Wres[0], dn,
                              preferred_element_type=jnp.float32)


def _layer1(agg, cnt, xs, Wl1, bl1, Wr1, Wl2x, Wr2x, Wres):
    row = lambda i: (i // NT, i % NT, 0)
    rrow = lambda i: (1 - i // NT, i % NT, 0)
    wgt = lambda i: (i // NT, 0, 0)
    return pl.pallas_call(
        _layer1_body,
        grid=2 * NT,
        in_specs=[
            pl.BlockSpec((1, BLK, D), row),
            pl.BlockSpec((1, BLK, 16), row),
            pl.BlockSpec((1, BLK, D), rrow),
            pl.BlockSpec((1, 2 * D, D), wgt),
            pl.BlockSpec((1, 1, 2 * D), wgt),
            pl.BlockSpec((1, 2 * D, D), wgt),
            pl.BlockSpec((1, D, 2 * D), wgt),
            pl.BlockSpec((1, D, 2 * D), wgt),
            pl.BlockSpec((1, D, 2 * D), wgt),
        ],
        out_specs=[
            pl.BlockSpec((1, BLK, D), rrow),
            pl.BlockSpec((1, BLK, D), row),
            pl.BlockSpec((1, BLK, D), row),
        ],
        out_shape=[jax.ShapeDtypeStruct((2, NPAD, D), jnp.float32)] * 3,
        name="sage_layer1",
    )(agg, cnt, xs, Wl1, bl1, Wr1, Wl2x, Wr2x, Wres)


def _layer2_body(agg2, cnt, r2, rres, bl2, bres, out):
    c = jnp.maximum(cnt[0][:, 0:1], 1.0)
    t = agg2[0] / c + bl2[0] + r2[0]
    nrm = jnp.maximum(jnp.sqrt(jnp.sum(t * t, axis=1, keepdims=True)), 1e-12)
    out[0] = t / nrm + rres[0] + bres[0]


def _layer2(agg2, cnt, r2, rres, bl2, bres):
    row = lambda i: (i // NT, i % NT, 0)
    wgt = lambda i: (i // NT, 0, 0)
    return pl.pallas_call(
        _layer2_body,
        grid=2 * NT,
        in_specs=[
            pl.BlockSpec((1, BLK, D), row),
            pl.BlockSpec((1, BLK, 16), row),
            pl.BlockSpec((1, BLK, D), row),
            pl.BlockSpec((1, BLK, D), row),
            pl.BlockSpec((1, 1, D), wgt),
            pl.BlockSpec((1, 1, D), wgt),
        ],
        out_specs=pl.BlockSpec((1, BLK, D), row),
        out_shape=jax.ShapeDtypeStruct((2, NPAD, D), jnp.float32),
        name="sage_layer2",
    )(agg2, cnt, r2, rres, bl2, bres)


def kernel(x_user, x_item, edge_index_ubi, edge_index_ibu,
           Wl1_ubi, bl1_ubi, Wr1_ubi, Wl1_ibu, bl1_ibu, Wr1_ibu,
           Wl2_ubi, bl2_ubi, Wr2_ubi, Wl2_ibu, bl2_ibu, Wr2_ibu,
           Wres_user, bres_user, Wres_item, bres_item):
    pad = ((0, NPAD - N), (0, 0))
    x_user_p = jnp.pad(x_user, pad)
    x_item_p = jnp.pad(x_item, pad)
    src_r = jnp.stack([edge_index_ubi[0], edge_index_ibu[0]]
                      ).reshape(2, NS, EPT)
    dst_r = jnp.stack([edge_index_ubi[1], edge_index_ibu[1]]
                      ).reshape(2, NS, EPT)
    epad = ((0, 0), (0, 0), (0, EPTP - EPT))
    src_all = jnp.pad(src_r, epad).reshape(2, NS, NPASS, INNER, SCHUNK)
    dst_all = jnp.pad(dst_r, epad, constant_values=NPAD - 1
                      ).reshape(2, NS, NPASS, INNER, SCHUNK)
    dst_flat = dst_r.reshape(2, NS, NCHUNK, CHUNK)

    xs = jnp.stack([x_user_p, x_item_p])
    cnt = _seg_counts(dst_flat)
    agg1 = _seg_sum(xs, src_all, dst_all)

    p_s, r2_s, rres_s = _layer1(
        agg1, cnt, xs,
        jnp.stack([Wl1_ubi, Wl1_ibu]),
        jnp.stack([bl1_ubi, bl1_ibu]).reshape(2, 1, 2 * D),
        jnp.stack([Wr1_ubi, Wr1_ibu]),
        jnp.stack([Wl2_ibu, Wl2_ubi]),
        jnp.stack([Wr2_ubi, Wr2_ibu]),
        jnp.stack([Wres_item, Wres_user]))

    agg2 = _seg_sum(p_s, src_all, dst_all)

    out_s = _layer2(agg2, cnt, r2_s, rres_s,
                    jnp.stack([bl2_ubi, bl2_ibu]).reshape(2, 1, D),
                    jnp.stack([bres_item, bres_user]).reshape(2, 1, D))
    return (out_s[1, :N], out_s[0, :N])

# --- scband reference (transcript-rebuilt; emitter-appended) ---
"""Pipeline reference for scband-hetero-gnn-42116449304614 (READ-ONLY COPY).

The authoritative reference and input builder live on the scoring server;
editing this copy changes nothing except your own understanding.
"""

import jax, jax.numpy as jnp
import numpy as np

N = 10000
E = 320000
DIN = 128
DH = 256
DOUT = 128


def setup_inputs(seed: int = 0) -> dict:
    key = jax.random.key(seed)
    ks = jax.random.split(key, 24)
    inp = {}
    inp['x_user'] = jax.random.normal(ks[0], (N, DIN), dtype=jnp.float32)
    inp['x_item'] = jax.random.normal(ks[1], (N, DIN), dtype=jnp.float32)
    inp['edge_index_ubi'] = jax.random.randint(ks[2], (2, E), 0, N, dtype=jnp.int32)
    inp['edge_index_ibu'] = jax.random.randint(ks[3], (2, E), 0, N, dtype=jnp.int32)
    # SAGEConv layer 1 params (per edge type): lin_l (with bias) on aggregated neighbors, lin_r (no bias) on root
    s1 = 1.0 / np.sqrt(DIN)
    s2 = 1.0 / np.sqrt(DH)
    inp['Wl1_ubi'] = jax.random.uniform(ks[4], (DH, DIN), jnp.float32, -s1, s1)
    inp['bl1_ubi'] = jax.random.uniform(ks[5], (DH,), jnp.float32, -s1, s1)
    inp['Wr1_ubi'] = jax.random.uniform(ks[6], (DH, DIN), jnp.float32, -s1, s1)
    inp['Wl1_ibu'] = jax.random.uniform(ks[7], (DH, DIN), jnp.float32, -s1, s1)
    inp['bl1_ibu'] = jax.random.uniform(ks[8], (DH,), jnp.float32, -s1, s1)
    inp['Wr1_ibu'] = jax.random.uniform(ks[9], (DH, DIN), jnp.float32, -s1, s1)
    # SAGEConv layer 2 params
    inp['Wl2_ubi'] = jax.random.uniform(ks[10], (DOUT, DH), jnp.float32, -s2, s2)
    inp['bl2_ubi'] = jax.random.uniform(ks[11], (DOUT,), jnp.float32, -s2, s2)
    inp['Wr2_ubi'] = jax.random.uniform(ks[12], (DOUT, DH), jnp.float32, -s2, s2)
    inp['Wl2_ibu'] = jax.random.uniform(ks[13], (DOUT, DH), jnp.float32, -s2, s2)
    inp['bl2_ibu'] = jax.random.uniform(ks[14], (DOUT,), jnp.float32, -s2, s2)
    inp['Wr2_ibu'] = jax.random.uniform(ks[15], (DOUT, DH), jnp.float32, -s2, s2)
    # residual projections per node type (Linear hidden->out with bias)
    inp['Wres_user'] = jax.random.uniform(ks[16], (DOUT, DH), jnp.float32, -s2, s2)
    inp['bres_user'] = jax.random.uniform(ks[17], (DOUT,), jnp.float32, -s2, s2)
    inp['Wres_item'] = jax.random.uniform(ks[18], (DOUT, DH), jnp.float32, -s2, s2)
    inp['bres_item'] = jax.random.uniform(ks[19], (DOUT,), jnp.float32, -s2, s2)
    return inp


def _sage(x_src, x_dst, ei, Wl, bl, Wr):
    src = ei[0]
    dst = ei[1]
    n_dst = x_dst.shape[0]
    msg = jnp.take(x_src, src, axis=0)
    agg = jax.ops.segment_sum(msg, dst, num_segments=n_dst)
    cnt = jax.ops.segment_sum(jnp.ones((ei.shape[1],), dtype=x_src.dtype), dst, num_segments=n_dst)
    mean = agg / jnp.maximum(cnt, 1.0)[:, None]
    out = mean @ Wl.T + bl + x_dst @ Wr.T
    nrm = jnp.maximum(jnp.linalg.norm(out, axis=-1, keepdims=True), 1e-12)
    return out / nrm


def reference(x_user, x_item, edge_index_ubi, edge_index_ibu,
              Wl1_ubi, bl1_ubi, Wr1_ubi, Wl1_ibu, bl1_ibu, Wr1_ibu,
              Wl2_ubi, bl2_ubi, Wr2_ubi, Wl2_ibu, bl2_ibu, Wr2_ibu,
              Wres_user, bres_user, Wres_item, bres_item):
    # conv1 (HeteroConv aggr='mean'; each dst type receives exactly one edge type here)
    x1_item = jax.nn.relu(_sage(x_user, x_item, edge_index_ubi, Wl1_ubi, bl1_ubi, Wr1_ubi))
    x1_user = jax.nn.relu(_sage(x_item, x_user, edge_index_ibu, Wl1_ibu, bl1_ibu, Wr1_ibu))
    # dropout p=0.0 / eval mode -> identity
    # conv2
    x2_item = _sage(x1_user, x1_item, edge_index_ubi, Wl2_ubi, bl2_ubi, Wr2_ubi)
    x2_user = _sage(x1_item, x1_user, edge_index_ibu, Wl2_ibu, bl2_ibu, Wr2_ibu)
    # residual projection
    out_user = x2_user + x1_user @ Wres_user.T + bres_user
    out_item = x2_item + x1_item @ Wres_item.T + bres_item
    return (out_user, out_item)

if __name__ == "__main__":
    import jax
    _d = setup_inputs()
    print(jax.jit(kernel)(*tuple(_d.values())))

</pallas_src>

<mosaic_0001>
#map = affine_map<(d0, d1) -> (0, 0, 0, 0)>
#map1 = affine_map<(d0, d1) -> (0, 0, 0)>
module attributes {stable_mosaic.version = 14 : i64} {
  func.func @seg_cnt(%arg0: i32, %arg1: i32, %arg2: memref<2x16x250x80xi32, #tpu.memory_space<hbm>>, %arg3: memref<2x10240x16xf32, #tpu.memory_space<hbm>>, %arg4: memref<250x80xi32, #tpu.memory_space<vmem>>, %arg5: memref<80x16xf32, #tpu.memory_space<vmem>>, %arg6: memref<640x16xf32, #tpu.memory_space<vmem>>, %arg7: memref<10240x16xf32, #tpu.memory_space<vmem_shared>>) attributes {dimension_semantics = [#tpu.dimension_semantics<core_parallel>, #tpu.dimension_semantics<subcore_parallel>], iteration_bounds = array<i64: 2, 16>, scalar_prefetch = 0 : i64, scratch_operands = 4 : i64, tpu.core_type = #tpu.core_type<sc_vector_subcore>, window_params = [{transform_indices = #map}, {transform_indices = #map1}]} {
    %broadcast_in_dim3A = arith.constant 1.000000e+00 : f32
    %broadcast_in_dim3A_0 = vector.broadcast %broadcast_in_dim3A : f32 to vector<16xf32>
    %scan3A = arith.constant 0 : i32
    %scan3A_1 = arith.constant 80 : i32
    %scan3A_2 = arith.addi %scan3A, %scan3A_1 : i32
    %scan3A_3 = arith.constant 1 : i32
    scf.for %scan3A_23 = %scan3A to %scan3A_2 step %scan3A_3  : i32 {
      %mul3A_24 = arith.constant 1 : i32
      %mul3A_25 = arith.muli %scan3A_23, %mul3A_24 : i32
      %add3A = arith.constant 0 : i32
      %add3A_26 = arith.addi %add3A, %mul3A_25 : i32
      %swap3A = arith.index_cast %add3A_26 : i32 to index
      %swap3A_27 = arith.constant 0 : index
      %swap3A_28 = tpu.vector_load %arg5[%swap3A, %swap3A_27] {strides = array<i32>} : memref<80x16xf32, #tpu.memory_space<vmem>>, vector<1x16xf32>,
      %swap3A_29 = vector.shape_cast %swap3A_28 : vector<1x16xf32> to vector<16xf32>
      %swap3A_30 = vector.shape_cast %broadcast_in_dim3A_0 : vector<16xf32> to vector<1x16xf32>
      tpu.vector_store %arg5[%swap3A, %swap3A_27], %swap3A_30 {strides = array<i32>} : memref<80x16xf32, #tpu.memory_space<vmem>>, vector<1x16xf32>,
    }
    %scan3A_4 = arith.constant 80 : i32
    %broadcast_in_dim3A_5 = arith.constant 0.000000e+00 : f32
    %broadcast_in_dim3A_6 = vector.broadcast %broadcast_in_dim3A_5 : f32 to vector<16xf32>
    %scan3A_7 = arith.constant 0 : i32
    %scan3A_8 = arith.constant 640 : i32
    %scan3A_9 = arith.addi %scan3A_7, %scan3A_8 : i32
    %scan3A_10 = arith.constant 1 : i32
    scf.for %scan3A_23 = %scan3A_7 to %scan3A_9 step %scan3A_10  : i32 {
      %mul3A_24 = arith.constant 1 : i32
      %mul3A_25 = arith.muli %scan3A_23, %mul3A_24 : i32
      %add3A = arith.constant 0 : i32
      %add3A_26 = arith.addi %add3A, %mul3A_25 : i32
      %swap3A = arith.index_cast %add3A_26 : i32 to index
      %swap3A_27 = arith.constant 0 : index
      %swap3A_28 = tpu.vector_load %arg6[%swap3A, %swap3A_27] {strides = array<i32>} : memref<640x16xf32, #tpu.memory_space<vmem>>, vector<1x16xf32>,
      %swap3A_29 = vector.shape_cast %swap3A_28 : vector<1x16xf32> to vector<16xf32>
      %swap3A_30 = vector.shape_cast %broadcast_in_dim3A_6 : vector<16xf32> to vector<1x16xf32>
      tpu.vector_store %arg6[%swap3A, %swap3A_27], %swap3A_30 {strides = array<i32>} : memref<640x16xf32, #tpu.memory_space<vmem>>, vector<1x16xf32>,
    }
    %scan3A_11 = arith.constant 640 : i32
    %mul3A = arith.constant 640 : i32
    %mul3A_12 = arith.muli %arg1, %mul3A : i32
    "tpu.region"() ({
      %run_scoped3A = tpu.sem_alloc : memref<!tpu.dma_semaphore, #tpu.memory_space<semaphore_mem>>
      %dma_start3A = arith.constant 0 : i32
      %dma_start3A_23 = tpu.memref_slice %arg7[%mul3A_12, %dma_start3A] : memref<10240x16xf32, #tpu.memory_space<vmem_shared>> -> memref<640x16xf32, #tpu.memory_space<vmem_shared>>
      %dma_start3A_24 = arith.constant 0 : i32
      %dma_start3A_25 = tpu.memref_slice %arg7[%mul3A_12, %dma_start3A_24] : memref<10240x16xf32, #tpu.memory_space<vmem_shared>> -> memref<640x16xf32, #tpu.memory_space<vmem_shared>>
      tpu.enqueue_dma source(%arg6 : memref<640x16xf32, #tpu.memory_space<vmem>>) target(%dma_start3A_25 : memref<640x16xf32, #tpu.memory_space<vmem_shared>>) target_semaphore(%run_scoped3A : memref<!tpu.dma_semaphore, #tpu.memory_space<semaphore_mem>>)
      %dma_wait3A = arith.constant 0 : i32
      %dma_wait3A_26 = tpu.memref_slice %arg7[%mul3A_12, %dma_wait3A] : memref<10240x16xf32, #tpu.memory_space<vmem_shared>> -> memref<640x16xf32, #tpu.memory_space<vmem_shared>>
      %dma_wait3A_27 = arith.constant 0 : i32
      %dma_wait3A_28 = tpu.memref_slice %arg7[%mul3A_12, %dma_wait3A_27] : memref<10240x16xf32, #tpu.memory_space<vmem_shared>> -> memref<640x16xf32, #tpu.memory_space<vmem_shared>>
      tpu.wait_dma2 semaphore(%run_scoped3A : memref<!tpu.dma_semaphore, #tpu.memory_space<semaphore_mem>>) src(%arg6 : memref<640x16xf32, #tpu.memory_space<vmem>>) dst(%dma_wait3A_28 : memref<640x16xf32, #tpu.memory_space<vmem_shared>>)
      tpu.yield
    }) : () -> ()
    %barrier3A = arith.constant 0 : index
    tpu.barrier barrier_id(%barrier3A)
    "tpu.region"() ({
      %run_scoped3A = tpu.sem_alloc : memref<!tpu.dma_semaphore, #tpu.memory_space<semaphore_mem>>
      %dma_start3A = arith.constant 0 : i32
      %dma_start3A_23 = arith.constant 0 : i32
      %dma_start3A_24 = tpu.memref_slice %arg2[%arg0, %arg1, %dma_start3A, %dma_start3A_23] : memref<2x16x250x80xi32, #tpu.memory_space<hbm>> -> memref<1x1x250x80xi32, #tpu.memory_space<hbm>>
      %dma_start3A_25 = tpu.memref_squeeze %dma_start3A_24 : memref<1x1x250x80xi32, #tpu.memory_space<hbm>> -> memref<250x80xi32, #tpu.memory_space<hbm>>
      %dma_start3A_26 = arith.constant 0 : i32
      %dma_start3A_27 = arith.constant 0 : i32
      %dma_start3A_28 = tpu.memref_slice %arg2[%arg0, %arg1, %dma_start3A_26, %dma_start3A_27] : memref<2x16x250x80xi32, #tpu.memory_space<hbm>> -> memref<1x1x250x80xi32, #tpu.memory_space<hbm>>
      %dma_start3A_29 = tpu.memref_squeeze %dma_start3A_28 : memref<1x1x250x80xi32, #tpu.memory_space<hbm>> -> memref<250x80xi32, #tpu.memory_space<hbm>>
      tpu.enqueue_dma source(%dma_start3A_29 : memref<250x80xi32, #tpu.memory_space<hbm>>) target(%arg4 : memref<250x80xi32, #tpu.memory_space<vmem>>) target_semaphore(%run_scoped3A : memref<!tpu.dma_semaphore, #tpu.memory_space<semaphore_mem>>)
      %dma_wait3A = arith.constant 0 : i32
      %dma_wait3A_30 = arith.constant 0 : i32
      %dma_wait3A_31 = tpu.memref_slice %arg2[%arg0, %arg1, %dma_wait3A, %dma_wait3A_30] : memref<2x16x250x80xi32, #tpu.memory_space<hbm>> -> memref<1x1x250x80xi32, #tpu.memory_space<hbm>>
      %dma_wait3A_32 = tpu.memref_squeeze %dma_wait3A_31 : memref<1x1x250x80xi32, #tpu.memory_space<hbm>> -> memref<250x80xi32, #tpu.memory_space<hbm>>
      %dma_wait3A_33 = arith.constant 0 : i32
      %dma_wait3A_34 = arith.constant 0 : i32
      %dma_wait3A_35 = tpu.memref_slice %arg2[%arg0, %arg1, %dma_wait3A_33, %dma_wait3A_34] : memref<2x16x250x80xi32, #tpu.memory_space<hbm>> -> memref<1x1x250x80xi32, #tpu.memory_space<hbm>>
      %dma_wait3A_36 = tpu.memref_squeeze %dma_wait3A_35 : memref<1x1x250x80xi32, #tpu.memory_space<hbm>> -> memref<250x80xi32, #tpu.memory_space<hbm>>
      tpu.wait_dma2 semaphore(%run_scoped3A : memref<!tpu.dma_semaphore, #tpu.memory_space<semaphore_mem>>) src(%dma_wait3A_36 : memref<250x80xi32, #tpu.memory_space<hbm>>) dst(%arg4 : memref<250x80xi32, #tpu.memory_space<vmem>>)
      tpu.yield
    }) : () -> ()
    %scan3A_13 = arith.constant 0 : i32
    %scan3A_14 = arith.constant 250 : i32
    %scan3A_15 = arith.addi %scan3A_13, %scan3A_14 : i32
    %scan3A_16 = arith.constant 1 : i32
    scf.for %scan3A_23 = %scan3A_13 to %scan3A_15 step %scan3A_16  : i32 {
      %mul3A_24 = arith.constant 1 : i32
      %mul3A_25 = arith.muli %scan3A_23, %mul3A_24 : i32
      %add3A = arith.constant 0 : i32
      %add3A_26 = arith.addi %add3A, %mul3A_25 : i32
      "tpu.region"() ({
        %run_scoped3A = tpu.sem_alloc : memref<!tpu.dma_semaphore, #tpu.memory_space<semaphore_mem>>
        %dma_start3A = arith.constant 0 : i32
        %dma_start3A_27 = tpu.memref_slice %arg4[%add3A_26, %dma_start3A] : memref<250x80xi32, #tpu.memory_space<vmem>> -> memref<1x80xi32, #tpu.memory_space<vmem>>
        %dma_start3A_28 = tpu.memref_squeeze %dma_start3A_27 : memref<1x80xi32, #tpu.memory_space<vmem>> -> memref<80xi32, #tpu.memory_space<vmem>>
        %dma_start3A_29 = arith.constant 0 : i32
        %dma_start3A_30 = arith.constant 0 : i32
        %dma_start3A_31 = tpu.memref_slice %arg7[%dma_start3A_29, %dma_start3A_30] : memref<10240x16xf32, #tpu.memory_space<vmem_shared>> -> memref<10240x16xf32, #tpu.memory_space<vmem_shared>>
        tpu.enqueue_indirect_dma source(%arg5 : memref<80x16xf32, #tpu.memory_space<vmem>>) target(%dma_start3A_31 : memref<10240x16xf32, #tpu.memory_space<vmem_shared>>) offsets(%dma_start3A_28 : memref<80xi32, #tpu.memory_space<vmem>>) semaphore(%run_scoped3A : memref<!tpu.dma_semaphore, #tpu.memory_space<semaphore_mem>>) {add = true}
        %dma_wait3A = arith.constant 0 : i32
        %dma_wait3A_32 = tpu.memref_slice %arg4[%add3A_26, %dma_wait3A] : memref<250x80xi32, #tpu.memory_space<vmem>> -> memref<1x80xi32, #tpu.memory_space<vmem>>
        %dma_wait3A_33 = tpu.memref_squeeze %dma_wait3A_32 : memref<1x80xi32, #tpu.memory_space<vmem>> -> memref<80xi32, #tpu.memory_space<vmem>>
        %dma_wait3A_34 = arith.constant 0 : i32
        %dma_wait3A_35 = arith.constant 0 : i32
        %dma_wait3A_36 = tpu.memref_slice %arg7[%dma_wait3A_34, %dma_wait3A_35] : memref<10240x16xf32, #tpu.memory_space<vmem_shared>> -> memref<10240x16xf32, #tpu.memory_space<vmem_shared>>
        tpu.wait_indirect_dma semaphore(%run_scoped3A : memref<!tpu.dma_semaphore, #tpu.memory_space<semaphore_mem>>) src(%arg5 : memref<80x16xf32, #tpu.memory_space<vmem>>) dst(%dma_wait3A_36 : memref<10240x16xf32, #tpu.memory_space<vmem_shared>>)
        tpu.yield
      }) : () -> ()
    }
    %scan3A_17 = arith.constant 250 : i32
    %barrier3A_18 = arith.constant 0 : index
    tpu.barrier barrier_id(%barrier3A_18)
    %mul3A_19 = arith.constant 640 : i32
    %mul3A_20 = arith.muli %arg1, %mul3A_19 : i32
    %mul3A_21 = arith.constant 640 : i32
    %mul3A_22 = arith.muli %arg1, %mul3A_21 : i32
    "tpu.region"() ({
      %run_scoped3A = tpu.sem_alloc : memref<!tpu.dma_semaphore, #tpu.memory_space<semaphore_mem>>
      %dma_start3A = arith.constant 0 : i32
      %dma_start3A_23 = tpu.memref_slice %arg3[%arg0, %mul3A_22, %dma_start3A] : memref<2x10240x16xf32, #tpu.memory_space<hbm>> -> memref<1x640x16xf32, #tpu.memory_space<hbm>>
      %dma_start3A_24 = tpu.memref_squeeze %dma_start3A_23 : memref<1x640x16xf32, #tpu.memory_space<hbm>> -> memref<640x16xf32, #tpu.memory_space<hbm>>
      %dma_start3A_25 = arith.constant 0 : i32
      %dma_start3A_26 = tpu.memref_slice %arg7[%mul3A_20, %dma_start3A_25] : memref<10240x16xf32, #tpu.memory_space<vmem_shared>> -> memref<640x16xf32, #tpu.memory_space<vmem_shared>>
      tpu.enqueue_dma source(%dma_start3A_26 : memref<640x16xf32, #tpu.memory_space<vmem_shared>>) target(%dma_start3A_24 : memref<640x16xf32, #tpu.memory_space<hbm>>) target_semaphore(%run_scoped3A : memref<!tpu.dma_semaphore, #tpu.memory_space<semaphore_mem>>)
      %dma_wait3A = arith.constant 0 : i32
      %dma_wait3A_27 = tpu.memref_slice %arg3[%arg0, %mul3A_22, %dma_wait3A] : memref<2x10240x16xf32, #tpu.memory_space<hbm>> -> memref<1x640x16xf32, #tpu.memory_space<hbm>>
      %dma_wait3A_28 = tpu.memref_squeeze %dma_wait3A_27 : memref<1x640x16xf32, #tpu.memory_space<hbm>> -> memref<640x16xf32, #tpu.memory_space<hbm>>
      %dma_wait3A_29 = arith.constant 0 : i32
      %dma_wait3A_30 = tpu.memref_slice %arg7[%mul3A_20, %dma_wait3A_29] : memref<10240x16xf32, #tpu.memory_space<vmem_shared>> -> memref<640x16xf32, #tpu.memory_space<vmem_shared>>
      tpu.wait_dma2 semaphore(%run_scoped3A : memref<!tpu.dma_semaphore, #tpu.memory_space<semaphore_mem>>) src(%dma_wait3A_30 : memref<640x16xf32, #tpu.memory_space<vmem_shared>>) dst(%dma_wait3A_28 : memref<640x16xf32, #tpu.memory_space<hbm>>)
      tpu.yield
    }) : () -> ()
    return
  }
}

#map = affine_map<(d0, d1) -> (0, 0, 0)>
#map1 = affine_map<(d0, d1) -> (0, 0, 0, 0, 0)>
module attributes {stable_mosaic.version = 14 : i64} {
  func.func @seg_sum(%arg0: i32, %arg1: i32, %arg2: memref<2x10240x128xf32, #tpu.memory_space<hbm>>, %arg3: memref<2x16x5x50x80xi32, #tpu.memory_space<hbm>>, %arg4: memref<2x16x5x50x80xi32, #tpu.memory_space<hbm>>, %arg5: memref<2x10240x128xf32, #tpu.memory_space<hbm>>, %arg6: memref<50x80xi32, #tpu.memory_space<vmem>>, %arg7: memref<50x80xi32, #tpu.memory_space<vmem>>, %arg8: memref<80x128xf32, #tpu.memory_space<vmem>>, %arg9: memref<80x128xf32, #tpu.memory_space<vmem>>, %arg10: memref<128x128xf32, #tpu.memory_space<vmem>>, %arg11: memref<10240x128xf32, #tpu.memory_space<vmem_shared>>, %arg12: memref<!tpu.dma_semaphore, #tpu.memory_space<semaphore_mem>>, %arg13: memref<!tpu.dma_semaphore, #tpu.memory_space<semaphore_mem>>) attributes {dimension_semantics = [#tpu.dimension_semantics<core_parallel>, #tpu.dimension_semantics<subcore_parallel>], iteration_bounds = array<i64: 2, 16>, scalar_prefetch = 0 : i64, scratch_operands = 8 : i64, tpu.core_type = #tpu.core_type<sc_vector_subcore>, window_params = [{transform_indices = #map}, {transform_indices = #map1}, {transform_indices = #map1}, {transform_indices = #map}]} {
    %broadcast_in_dim3A = arith.constant 0.000000e+00 : f32
    %broadcast_in_dim3A_0 = vector.broadcast %broadcast_in_dim3A : f32 to vector<16xf32>
    %scan3A = arith.constant 0 : i32
    %scan3A_1 = arith.constant 128 : i32
    %scan3A_2 = arith.addi %scan3A, %scan3A_1 : i32
    %scan3A_3 = arith.constant 1 : i32
    scf.for %scan3A_33 = %scan3A to %scan3A_2 step %scan3A_3  : i32 {
      %mul3A_34 = arith.constant 1 : i32
      %mul3A_35 = arith.muli %scan3A_33, %mul3A_34 : i32
      %add3A_36 = arith.constant 0 : i32
      %add3A_37 = arith.addi %add3A_36, %mul3A_35 : i32
      %swap3A = arith.index_cast %add3A_37 : i32 to index
      %swap3A_38 = arith.constant 0 : index
      %swap3A_39 = tpu.vector_load %arg10[%swap3A, %swap3A_38] {strides = array<i32>} : memref<128x128xf32, #tpu.memory_space<vmem>>, vector<1x16xf32>,
      %swap3A_40 = vector.shape_cast %swap3A_39 : vector<1x16xf32> to vector<16xf32>
      %swap3A_41 = vector.shape_cast %broadcast_in_dim3A_0 : vector<16xf32> to vector<1x16xf32>
      tpu.vector_store %arg10[%swap3A, %swap3A_38], %swap3A_41 {strides = array<i32>} : memref<128x128xf32, #tpu.memory_space<vmem>>, vector<1x16xf32>,
      %swap3A_42 = arith.index_cast %add3A_37 : i32 to index
      %swap3A_43 = arith.constant 16 : index
      %swap3A_44 = tpu.vector_load %arg10[%swap3A_42, %swap3A_43] {strides = array<i32>} : memref<128x128xf32, #tpu.memory_space<vmem>>, vector<1x16xf32>,
      %swap3A_45 = vector.shape_cast %swap3A_44 : vector<1x16xf32> to vector<16xf32>
      %swap3A_46 = vector.shape_cast %broadcast_in_dim3A_0 : vector<16xf32> to vector<1x16xf32>
      tpu.vector_store %arg10[%swap3A_42, %swap3A_43], %swap3A_46 {strides = array<i32>} : memref<128x128xf32, #tpu.memory_space<vmem>>, vector<1x16xf32>,
      %swap3A_47 = arith.index_cast %add3A_37 : i32 to index
      %swap3A_48 = arith.constant 32 : index
      %swap3A_49 = tpu.vector_load %arg10[%swap3A_47, %swap3A_48] {strides = array<i32>} : memref<128x128xf32, #tpu.memory_space<vmem>>, vector<1x16xf32>,
      %swap3A_50 = vector.shape_cast %swap3A_49 : vector<1x16xf32> to vector<16xf32>
      %swap3A_51 = vector.shape_cast %broadcast_in_dim3A_0 : vector<16xf32> to vector<1x16xf32>
      tpu.vector_store %arg10[%swap3A_47, %swap3A_48], %swap3A_51 {strides = array<i32>} : memref<128x128xf32, #tpu.memory_space<vmem>>, vector<1x16xf32>,
      %swap3A_52 = arith.index_cast %add3A_37 : i32 to index
      %swap3A_53 = arith.constant 48 : index
      %swap3A_54 = tpu.vector_load %arg10[%swap3A_52, %swap3A_53] {strides = array<i32>} : memref<128x128xf32, #tpu.memory_space<vmem>>, vector<1x16xf32>,
      %swap3A_55 = vector.shape_cast %swap3A_54 : vector<1x16xf32> to vector<16xf32>
      %swap3A_56 = vector.shape_cast %broadcast_in_dim3A_0 : vector<16xf32> to vector<1x16xf32>
      tpu.vector_store %arg10[%swap3A_52, %swap3A_53], %swap3A_56 {strides = array<i32>} : memref<128x128xf32, #tpu.memory_space<vmem>>, vector<1x16xf32>,
      %swap3A_57 = arith.index_cast %add3A_37 : i32 to index
      %swap3A_58 = arith.constant 64 : index
      %swap3A_59 = tpu.vector_load %arg10[%swap3A_57, %swap3A_58] {strides = array<i32>} : memref<128x128xf32, #tpu.memory_space<vmem>>, vector<1x16xf32>,
      %swap3A_60 = vector.shape_cast %swap3A_59 : vector<1x16xf32> to vector<16xf32>
      %swap3A_61 = vector.shape_cast %broadcast_in_dim3A_0 : vector<16xf32> to vector<1x16xf32>
      tpu.vector_store %arg10[%swap3A_57, %swap3A_58], %swap3A_61 {strides = array<i32>} : memref<128x128xf32, #tpu.memory_space<vmem>>, vector<1x16xf32>,
      %swap3A_62 = arith.index_cast %add3A_37 : i32 to index
      %swap3A_63 = arith.constant 80 : index
      %swap3A_64 = tpu.vector_load %arg10[%swap3A_62, %swap3A_63] {strides = array<i32>} : memref<128x128xf32, #tpu.memory_space<vmem>>, vector<1x16xf32>,
      %swap3A_65 = vector.shape_cast %swap3A_64 : vector<1x16xf32> to vector<16xf32>
      %swap3A_66 = vector.shape_cast %broadcast_in_dim3A_0 : vector<16xf32> to vector<1x16xf32>
      tpu.vector_store %arg10[%swap3A_62, %swap3A_63], %swap3A_66 {strides = array<i32>} : memref<128x128xf32, #tpu.memory_space<vmem>>, vector<1x16xf32>,
      %swap3A_67 = arith.index_cast %add3A_37 : i32 to index
      %swap3A_68 = arith.constant 96 : index
      %swap3A_69 = tpu.vector_load %arg10[%swap3A_67, %swap3A_68] {strides = array<i32>} : memref<128x128xf32, #tpu.memory_space<vmem>>, vector<1x16xf32>,
      %swap3A_70 = vector.shape_cast %swap3A_69 : vector<1x16xf32> to vector<16xf32>
      %swap3A_71 = vector.shape_cast %broadcast_in_dim3A_0 : vector<16xf32> to vector<1x16xf32>
      tpu.vector_store %arg10[%swap3A_67, %swap3A_68], %swap3A_71 {strides = array<i32>} : memref<128x128xf32, #tpu.memory_space<vmem>>, vector<1x16xf32>,
      %swap3A_72 = arith.index_cast %add3A_37 : i32 to index
      %swap3A_73 = arith.constant 112 : index
      %swap3A_74 = tpu.vector_load %arg10[%swap3A_72, %swap3A_73] {strides = array<i32>} : memref<128x128xf32, #tpu.memory_space<vmem>>, vector<1x16xf32>,
      %swap3A_75 = vector.shape_cast %swap3A_74 : vector<1x16xf32> to vector<16xf32>
      %swap3A_76 = vector.shape_cast %broadcast_in_dim3A_0 : vector<16xf32> to vector<1x16xf32>
      tpu.vector_store %arg10[%swap3A_72, %swap3A_73], %swap3A_76 {strides = array<i32>} : memref<128x128xf32, #tpu.memory_space<vmem>>, vector<1x16xf32>,
    }
    %scan3A_4 = arith.constant 128 : i32
    %mul3A = arith.constant 640 : i32
    %mul3A_5 = arith.muli %arg1, %mul3A : i32
    %add3A = arith.constant 0 : i32
    %add3A_6 = arith.addi %mul3A_5, %add3A : i32
    "tpu.region"() ({
      %run_scoped3A = tpu.sem_alloc : memref<!tpu.dma_semaphore, #tpu.memory_space<semaphore_mem>>
      %dma_start3A = arith.constant 0 : i32
      %dma_start3A_33 = tpu.memref_slice %arg11[%add3A_6, %dma_start3A] : memref<10240x128xf32, #tpu.memory_space<vmem_shared>> -> memref<128x128xf32, #tpu.memory_space<vmem_shared>>
      %dma_start3A_34 = arith.constant 0 : i32
      %dma_start3A_35 = tpu.memref_slice %arg11[%add3A_6, %dma_start3A_34] : memref<10240x128xf32, #tpu.memory_space<vmem_shared>> -> memref<128x128xf32, #tpu.memory_space<vmem_shared>>
      tpu.enqueue_dma source(%arg10 : memref<128x128xf32, #tpu.memory_space<vmem>>) target(%dma_start3A_35 : memref<128x128xf32, #tpu.memory_space<vmem_shared>>) target_semaphore(%run_scoped3A : memref<!tpu.dma_semaphore, #tpu.memory_space<semaphore_mem>>)
      %dma_wait3A = arith.constant 0 : i32
      %dma_wait3A_36 = tpu.memref_slice %arg11[%add3A_6, %dma_wait3A] : memref<10240x128xf32, #tpu.memory_space<vmem_shared>> -> memref<128x128xf32, #tpu.memory_space<vmem_shared>>
      %dma_wait3A_37 = arith.constant 0 : i32
      %dma_wait3A_38 = tpu.memref_slice %arg11[%add3A_6, %dma_wait3A_37] : memref<10240x128xf32, #tpu.memory_space<vmem_shared>> -> memref<128x128xf32, #tpu.memory_space<vmem_shared>>
      tpu.wait_dma2 semaphore(%run_scoped3A : memref<!tpu.dma_semaphore, #tpu.memory_space<semaphore_mem>>) src(%arg10 : memref<128x128xf32, #tpu.memory_space<vmem>>) dst(%dma_wait3A_38 : memref<128x128xf32, #tpu.memory_space<vmem_shared>>)
      tpu.yield
    }) : () -> ()
    %mul3A_7 = arith.constant 640 : i32
    %mul3A_8 = arith.muli %arg1, %mul3A_7 : i32
    %add3A_9 = arith.constant 128 : i32
    %add3A_10 = arith.addi %mul3A_8, %add3A_9 : i32
    "tpu.region"() ({
      %run_scoped3A = tpu.sem_alloc : memref<!tpu.dma_semaphore, #tpu.memory_space<semaphore_mem>>
      %dma_start3A = arith.constant 0 : i32
      %dma_start3A_33 = tpu.memref_slice %arg11[%add3A_10, %dma_start3A] : memref<10240x128xf32, #tpu.memory_space<vmem_shared>> -> memref<128x128xf32, #tpu.memory_space<vmem_shared>>
      %dma_start3A_34 = arith.constant 0 : i32
      %dma_start3A_35 = tpu.memref_slice %arg11[%add3A_10, %dma_start3A_34] : memref<10240x128xf32, #tpu.memory_space<vmem_shared>> -> memref<128x128xf32, #tpu.memory_space<vmem_shared>>
      tpu.enqueue_dma source(%arg10 : memref<128x128xf32, #tpu.memory_space<vmem>>) target(%dma_start3A_35 : memref<128x128xf32, #tpu.memory_space<vmem_shared>>) target_semaphore(%run_scoped3A : memref<!tpu.dma_semaphore, #tpu.memory_space<semaphore_mem>>)
      %dma_wait3A = arith.constant 0 : i32
      %dma_wait3A_36 = tpu.memref_slice %arg11[%add3A_10, %dma_wait3A] : memref<10240x128xf32, #tpu.memory_space<vmem_shared>> -> memref<128x128xf32, #tpu.memory_space<vmem_shared>>
      %dma_wait3A_37 = arith.constant 0 : i32
      %dma_wait3A_38 = tpu.memref_slice %arg11[%add3A_10, %dma_wait3A_37] : memref<10240x128xf32, #tpu.memory_space<vmem_shared>> -> memref<128x128xf32, #tpu.memory_space<vmem_shared>>
      tpu.wait_dma2 semaphore(%run_scoped3A : memref<!tpu.dma_semaphore, #tpu.memory_space<semaphore_mem>>) src(%arg10 : memref<128x128xf32, #tpu.memory_space<vmem>>) dst(%dma_wait3A_38 : memref<128x128xf32, #tpu.memory_space<vmem_shared>>)
      tpu.yield
    }) : () -> ()
    %mul3A_11 = arith.constant 640 : i32
    %mul3A_12 = arith.muli %arg1, %mul3A_11 : i32
    %add3A_13 = arith.constant 256 : i32
    %add3A_14 = arith.addi %mul3A_12, %add3A_13 : i32
    "tpu.region"() ({
      %run_scoped3A = tpu.sem_alloc : memref<!tpu.dma_semaphore, #tpu.memory_space<semaphore_mem>>
      %dma_start3A = arith.constant 0 : i32
      %dma_start3A_33 = tpu.memref_slice %arg11[%add3A_14, %dma_start3A] : memref<10240x128xf32, #tpu.memory_space<vmem_shared>> -> memref<128x128xf32, #tpu.memory_space<vmem_shared>>
      %dma_start3A_34 = arith.constant 0 : i32
      %dma_start3A_35 = tpu.memref_slice %arg11[%add3A_14, %dma_start3A_34] : memref<10240x128xf32, #tpu.memory_space<vmem_shared>> -> memref<128x128xf32, #tpu.memory_space<vmem_shared>>
      tpu.enqueue_dma source(%arg10 : memref<128x128xf32, #tpu.memory_space<vmem>>) target(%dma_start3A_35 : memref<128x128xf32, #tpu.memory_space<vmem_shared>>) target_semaphore(%run_scoped3A : memref<!tpu.dma_semaphore, #tpu.memory_space<semaphore_mem>>)
      %dma_wait3A = arith.constant 0 : i32
      %dma_wait3A_36 = tpu.memref_slice %arg11[%add3A_14, %dma_wait3A] : memref<10240x128xf32, #tpu.memory_space<vmem_shared>> -> memref<128x128xf32, #tpu.memory_space<vmem_shared>>
      %dma_wait3A_37 = arith.constant 0 : i32
      %dma_wait3A_38 = tpu.memref_slice %arg11[%add3A_14, %dma_wait3A_37] : memref<10240x128xf32, #tpu.memory_space<vmem_shared>> -> memref<128x128xf32, #tpu.memory_space<vmem_shared>>
      tpu.wait_dma2 semaphore(%run_scoped3A : memref<!tpu.dma_semaphore, #tpu.memory_space<semaphore_mem>>) src(%arg10 : memref<128x128xf32, #tpu.memory_space<vmem>>) dst(%dma_wait3A_38 : memref<128x128xf32, #tpu.memory_space<vmem_shared>>)
      tpu.yield
    }) : () -> ()
    %mul3A_15 = arith.constant 640 : i32
    %mul3A_16 = arith.muli %arg1, %mul3A_15 : i32
    %add3A_17 = arith.constant 384 : i32
    %add3A_18 = arith.addi %mul3A_16, %add3A_17 : i32
    "tpu.region"() ({
      %run_scoped3A = tpu.sem_alloc : memref<!tpu.dma_semaphore, #tpu.memory_space<semaphore_mem>>
      %dma_start3A = arith.constant 0 : i32
      %dma_start3A_33 = tpu.memref_slice %arg11[%add3A_18, %dma_start3A] : memref<10240x128xf32, #tpu.memory_space<vmem_shared>> -> memref<128x128xf32, #tpu.memory_space<vmem_shared>>
      %dma_start3A_34 = arith.constant 0 : i32
      %dma_start3A_35 = tpu.memref_slice %arg11[%add3A_18, %dma_start3A_34] : memref<10240x128xf32, #tpu.memory_space<vmem_shared>> -> memref<128x128xf32, #tpu.memory_space<vmem_shared>>
      tpu.enqueue_dma source(%arg10 : memref<128x128xf32, #tpu.memory_space<vmem>>) target(%dma_start3A_35 : memref<128x128xf32, #tpu.memory_space<vmem_shared>>) target_semaphore(%run_scoped3A : memref<!tpu.dma_semaphore, #tpu.memory_space<semaphore_mem>>)
      %dma_wait3A = arith.constant 0 : i32
      %dma_wait3A_36 = tpu.memref_slice %arg11[%add3A_18, %dma_wait3A] : memref<10240x128xf32, #tpu.memory_space<vmem_shared>> -> memref<128x128xf32, #tpu.memory_space<vmem_shared>>
      %dma_wait3A_37 = arith.constant 0 : i32
      %dma_wait3A_38 = tpu.memref_slice %arg11[%add3A_18, %dma_wait3A_37] : memref<10240x128xf32, #tpu.memory_space<vmem_shared>> -> memref<128x128xf32, #tpu.memory_space<vmem_shared>>
      tpu.wait_dma2 semaphore(%run_scoped3A : memref<!tpu.dma_semaphore, #tpu.memory_space<semaphore_mem>>) src(%arg10 : memref<128x128xf32, #tpu.memory_space<vmem>>) dst(%dma_wait3A_38 : memref<128x128xf32, #tpu.memory_space<vmem_shared>>)
      tpu.yield
    }) : () -> ()
    %mul3A_19 = arith.constant 640 : i32
    %mul3A_20 = arith.muli %arg1, %mul3A_19 : i32
    %add3A_21 = arith.constant 512 : i32
    %add3A_22 = arith.addi %mul3A_20, %add3A_21 : i32
    "tpu.region"() ({
      %run_scoped3A = tpu.sem_alloc : memref<!tpu.dma_semaphore, #tpu.memory_space<semaphore_mem>>
      %dma_start3A = arith.constant 0 : i32
      %dma_start3A_33 = tpu.memref_slice %arg11[%add3A_22, %dma_start3A] : memref<10240x128xf32, #tpu.memory_space<vmem_shared>> -> memref<128x128xf32, #tpu.memory_space<vmem_shared>>
      %dma_start3A_34 = arith.constant 0 : i32
      %dma_start3A_35 = tpu.memref_slice %arg11[%add3A_22, %dma_start3A_34] : memref<10240x128xf32, #tpu.memory_space<vmem_shared>> -> memref<128x128xf32, #tpu.memory_space<vmem_shared>>
      tpu.enqueue_dma source(%arg10 : memref<128x128xf32, #tpu.memory_space<vmem>>) target(%dma_start3A_35 : memref<128x128xf32, #tpu.memory_space<vmem_shared>>) target_semaphore(%run_scoped3A : memref<!tpu.dma_semaphore, #tpu.memory_space<semaphore_mem>>)
      %dma_wait3A = arith.constant 0 : i32
      %dma_wait3A_36 = tpu.memref_slice %arg11[%add3A_22, %dma_wait3A] : memref<10240x128xf32, #tpu.memory_space<vmem_shared>> -> memref<128x128xf32, #tpu.memory_space<vmem_shared>>
      %dma_wait3A_37 = arith.constant 0 : i32
      %dma_wait3A_38 = tpu.memref_slice %arg11[%add3A_22, %dma_wait3A_37] : memref<10240x128xf32, #tpu.memory_space<vmem_shared>> -> memref<128x128xf32, #tpu.memory_space<vmem_shared>>
      tpu.wait_dma2 semaphore(%run_scoped3A : memref<!tpu.dma_semaphore, #tpu.memory_space<semaphore_mem>>) src(%arg10 : memref<128x128xf32, #tpu.memory_space<vmem>>) dst(%dma_wait3A_38 : memref<128x128xf32, #tpu.memory_space<vmem_shared>>)
      tpu.yield
    }) : () -> ()
    %barrier3A = arith.constant 0 : index
    tpu.barrier barrier_id(%barrier3A)
    %scan3A_23 = arith.constant 0 : i32
    %scan3A_24 = arith.constant 5 : i32
    %scan3A_25 = arith.addi %scan3A_23, %scan3A_24 : i32
    %scan3A_26 = arith.constant 1 : i32
    scf.for %scan3A_33 = %scan3A_23 to %scan3A_25 step %scan3A_26  : i32 {
      %mul3A_34 = arith.constant 1 : i32
      %mul3A_35 = arith.muli %scan3A_33, %mul3A_34 : i32
      %add3A_36 = arith.constant 0 : i32
      %add3A_37 = arith.addi %add3A_36, %mul3A_35 : i32
      "tpu.region"() ({
        %run_scoped3A = tpu.sem_alloc : memref<!tpu.dma_semaphore, #tpu.memory_space<semaphore_mem>>
        %dma_start3A_91 = arith.constant 0 : i32
        %dma_start3A_92 = arith.constant 0 : i32
        %dma_start3A_93 = tpu.memref_slice %arg3[%arg0, %arg1, %add3A_37, %dma_start3A_91, %dma_start3A_92] : memref<2x16x5x50x80xi32, #tpu.memory_space<hbm>> -> memref<1x1x1x50x80xi32, #tpu.memory_space<hbm>>
        %dma_start3A_94 = tpu.memref_squeeze %dma_start3A_93 : memref<1x1x1x50x80xi32, #tpu.memory_space<hbm>> -> memref<50x80xi32, #tpu.memory_space<hbm>>
        %dma_start3A_95 = arith.constant 0 : i32
        %dma_start3A_96 = arith.constant 0 : i32
        %dma_start3A_97 = tpu.memref_slice %arg3[%arg0, %arg1, %add3A_37, %dma_start3A_95, %dma_start3A_96] : memref<2x16x5x50x80xi32, #tpu.memory_space<hbm>> -> memref<1x1x1x50x80xi32, #tpu.memory_space<hbm>>
        %dma_start3A_98 = tpu.memref_squeeze %dma_start3A_97 : memref<1x1x1x50x80xi32, #tpu.memory_space<hbm>> -> memref<50x80xi32, #tpu.memory_space<hbm>>
        tpu.enqueue_dma source(%dma_start3A_98 : memref<50x80xi32, #tpu.memory_space<hbm>>) target(%arg6 : memref<50x80xi32, #tpu.memory_space<vmem>>) target_semaphore(%run_scoped3A : memref<!tpu.dma_semaphore, #tpu.memory_space<semaphore_mem>>)
        %dma_wait3A_99 = arith.constant 0 : i32
        %dma_wait3A_100 = arith.constant 0 : i32
        %dma_wait3A_101 = tpu.memref_slice %arg3[%arg0, %arg1, %add3A_37, %dma_wait3A_99, %dma_wait3A_100] : memref<2x16x5x50x80xi32, #tpu.memory_space<hbm>> -> memref<1x1x1x50x80xi32, #tpu.memory_space<hbm>>
        %dma_wait3A_102 = tpu.memref_squeeze %dma_wait3A_101 : memref<1x1x1x50x80xi32, #tpu.memory_space<hbm>> -> memref<50x80xi32, #tpu.memory_space<hbm>>
        %dma_wait3A_103 = arith.constant 0 : i32
        %dma_wait3A_104 = arith.constant 0 : i32
        %dma_wait3A_105 = tpu.memref_slice %arg3[%arg0, %arg1, %add3A_37, %dma_wait3A_103, %dma_wait3A_104] : memref<2x16x5x50x80xi32, #tpu.memory_space<hbm>> -> memref<1x1x1x50x80xi32, #tpu.memory_space<hbm>>
        %dma_wait3A_106 = tpu.memref_squeeze %dma_wait3A_105 : memref<1x1x1x50x80xi32, #tpu.memory_space<hbm>> -> memref<50x80xi32, #tpu.memory_space<hbm>>
        tpu.wait_dma2 semaphore(%run_scoped3A : memref<!tpu.dma_semaphore, #tpu.memory_space<semaphore_mem>>) src(%dma_wait3A_106 : memref<50x80xi32, #tpu.memory_space<hbm>>) dst(%arg6 : memref<50x80xi32, #tpu.memory_space<vmem>>)
        tpu.yield
      }) : () -> ()
      "tpu.region"() ({
        %run_scoped3A = tpu.sem_alloc : memref<!tpu.dma_semaphore, #tpu.memory_space<semaphore_mem>>
        %dma_start3A_91 = arith.constant 0 : i32
        %dma_start3A_92 = arith.constant 0 : i32
        %dma_start3A_93 = tpu.memref_slice %arg4[%arg0, %arg1, %add3A_37, %dma_start3A_91, %dma_start3A_92] : memref<2x16x5x50x80xi32, #tpu.memory_space<hbm>> -> memref<1x1x1x50x80xi32, #tpu.memory_space<hbm>>
        %dma_start3A_94 = tpu.memref_squeeze %dma_start3A_93 : memref<1x1x1x50x80xi32, #tpu.memory_space<hbm>> -> memref<50x80xi32, #tpu.memory_space<hbm>>
        %dma_start3A_95 = arith.constant 0 : i32
        %dma_start3A_96 = arith.constant 0 : i32
        %dma_start3A_97 = tpu.memref_slice %arg4[%arg0, %arg1, %add3A_37, %dma_start3A_95, %dma_start3A_96] : memref<2x16x5x50x80xi32, #tpu.memory_space<hbm>> -> memref<1x1x1x50x80xi32, #tpu.memory_space<hbm>>
        %dma_start3A_98 = tpu.memref_squeeze %dma_start3A_97 : memref<1x1x1x50x80xi32, #tpu.memory_space<hbm>> -> memref<50x80xi32, #tpu.memory_space<hbm>>
        tpu.enqueue_dma source(%dma_start3A_98 : memref<50x80xi32, #tpu.memory_space<hbm>>) target(%arg7 : memref<50x80xi32, #tpu.memory_space<vmem>>) target_semaphore(%run_scoped3A : memref<!tpu.dma_semaphore, #tpu.memory_space<semaphore_mem>>)
        %dma_wait3A_99 = arith.constant 0 : i32
        %dma_wait3A_100 = arith.constant 0 : i32
        %dma_wait3A_101 = tpu.memref_slice %arg4[%arg0, %arg1, %add3A_37, %dma_wait3A_99, %dma_wait3A_100] : memref<2x16x5x50x80xi32, #tpu.memory_space<hbm>> -> memref<1x1x1x50x80xi32, #tpu.memory_space<hbm>>
        %dma_wait3A_102 = tpu.memref_squeeze %dma_wait3A_101 : memref<1x1x1x50x80xi32, #tpu.memory_space<hbm>> -> memref<50x80xi32, #tpu.memory_space<hbm>>
        %dma_wait3A_103 = arith.constant 0 : i32
        %dma_wait3A_104 = arith.constant 0 : i32
        %dma_wait3A_105 = tpu.memref_slice %arg4[%arg0, %arg1, %add3A_37, %dma_wait3A_103, %dma_wait3A_104] : memref<2x16x5x50x80xi32, #tpu.memory_space<hbm>> -> memref<1x1x1x50x80xi32, #tpu.memory_space<hbm>>
        %dma_wait3A_106 = tpu.memref_squeeze %dma_wait3A_105 : memref<1x1x1x50x80xi32, #tpu.memory_space<hbm>> -> memref<50x80xi32, #tpu.memory_space<hbm>>
        tpu.wait_dma2 semaphore(%run_scoped3A : memref<!tpu.dma_semaphore, #tpu.memory_space<semaphore_mem>>) src(%dma_wait3A_106 : memref<50x80xi32, #tpu.memory_space<hbm>>) dst(%arg7 : memref<50x80xi32, #tpu.memory_space<vmem>>)
        tpu.yield
      }) : () -> ()
      %dma_start3A = arith.constant 0 : i32
      %dma_start3A_38 = arith.constant 0 : i32
      %dma_start3A_39 = tpu.memref_slice %arg6[%dma_start3A, %dma_start3A_38] : memref<50x80xi32, #tpu.memory_space<vmem>> -> memref<1x80xi32, #tpu.memory_space<vmem>>
      %dma_start3A_40 = tpu.memref_squeeze %dma_start3A_39 : memref<1x80xi32, #tpu.memory_space<vmem>> -> memref<80xi32, #tpu.memory_space<vmem>>
      %dma_start3A_41 = arith.constant 0 : i32
      %dma_start3A_42 = arith.constant 0 : i32
      %dma_start3A_43 = tpu.memref_slice %arg2[%arg0, %dma_start3A_41, %dma_start3A_42] : memref<2x10240x128xf32, #tpu.memory_space<hbm>> -> memref<1x10240x128xf32, #tpu.memory_space<hbm>>
      %dma_start3A_44 = tpu.memref_squeeze %dma_start3A_43 : memref<1x10240x128xf32, #tpu.memory_space<hbm>> -> memref<10240x128xf32, #tpu.memory_space<hbm>>
      %dma_start3A_45 = arith.constant 0 : i32
      %dma_start3A_46 = arith.constant 0 : i32
      %dma_start3A_47 = tpu.memref_slice %dma_start3A_44[%dma_start3A_45, %dma_start3A_46] : memref<10240x128xf32, #tpu.memory_space<hbm>> -> memref<10240x128xf32, #tpu.memory_space<hbm>>
      tpu.enqueue_indirect_dma source(%dma_start3A_47 : memref<10240x128xf32, #tpu.memory_space<hbm>>) target(%arg8 : memref<80x128xf32, #tpu.memory_space<vmem>>) offsets(%dma_start3A_40 : memref<80xi32, #tpu.memory_space<vmem>>) semaphore(%arg13 : memref<!tpu.dma_semaphore, #tpu.memory_space<semaphore_mem>>)
      %dma_start3A_48 = arith.constant 1 : i32
      %dma_start3A_49 = arith.constant 0 : i32
      %dma_start3A_50 = tpu.memref_slice %arg6[%dma_start3A_48, %dma_start3A_49] : memref<50x80xi32, #tpu.memory_space<vmem>> -> memref<1x80xi32, #tpu.memory_space<vmem>>
      %dma_start3A_51 = tpu.memref_squeeze %dma_start3A_50 : memref<1x80xi32, #tpu.memory_space<vmem>> -> memref<80xi32, #tpu.memory_space<vmem>>
      %dma_start3A_52 = arith.constant 0 : i32
      %dma_start3A_53 = arith.constant 0 : i32
      %dma_start3A_54 = tpu.memref_slice %arg2[%arg0, %dma_start3A_52, %dma_start3A_53] : memref<2x10240x128xf32, #tpu.memory_space<hbm>> -> memref<1x10240x128xf32, #tpu.memory_space<hbm>>
      %dma_start3A_55 = tpu.memref_squeeze %dma_start3A_54 : memref<1x10240x128xf32, #tpu.memory_space<hbm>> -> memref<10240x128xf32, #tpu.memory_space<hbm>>
      %dma_start3A_56 = arith.constant 0 : i32
      %dma_start3A_57 = arith.constant 0 : i32
      %dma_start3A_58 = tpu.memref_slice %dma_start3A_55[%dma_start3A_56, %dma_start3A_57] : memref<10240x128xf32, #tpu.memory_space<hbm>> -> memref<10240x128xf32, #tpu.memory_space<hbm>>
      tpu.enqueue_indirect_dma source(%dma_start3A_58 : memref<10240x128xf32, #tpu.memory_space<hbm>>) target(%arg9 : memref<80x128xf32, #tpu.memory_space<vmem>>) offsets(%dma_start3A_51 : memref<80xi32, #tpu.memory_space<vmem>>) semaphore(%arg13 : memref<!tpu.dma_semaphore, #tpu.memory_space<semaphore_mem>>)
      %scan3A_59 = arith.constant 0 : i32
      %scan3A_60 = arith.constant 25 : i32
      %scan3A_61 = arith.addi %scan3A_59, %scan3A_60 : i32
      %scan3A_62 = arith.constant 1 : i32
      scf.for %scan3A_91 = %scan3A_59 to %scan3A_61 step %scan3A_62  : i32 {
        %mul3A_92 = arith.constant 1 : i32
        %mul3A_93 = arith.muli %scan3A_91, %mul3A_92 : i32
        %add3A_94 = arith.constant 0 : i32
        %add3A_95 = arith.addi %add3A_94, %mul3A_93 : i32
        %mul3A_96 = arith.constant 2 : i32
        %mul3A_97 = arith.muli %mul3A_96, %add3A_95 : i32
        %dma_wait3A_98 = arith.constant 0 : i32
        %dma_wait3A_99 = arith.constant 0 : i32
        %dma_wait3A_100 = tpu.memref_slice %arg2[%arg0, %dma_wait3A_98, %dma_wait3A_99] : memref<2x10240x128xf32, #tpu.memory_space<hbm>> -> memref<1x10240x128xf32, #tpu.memory_space<hbm>>
        %dma_wait3A_101 = tpu.memref_squeeze %dma_wait3A_100 : memref<1x10240x128xf32, #tpu.memory_space<hbm>> -> memref<10240x128xf32, #tpu.memory_space<hbm>>
        %dma_wait3A_102 = arith.constant 0 : i32
        %dma_wait3A_103 = arith.constant 0 : i32
        %dma_wait3A_104 = tpu.memref_slice %dma_wait3A_101[%dma_wait3A_102, %dma_wait3A_103] : memref<10240x128xf32, #tpu.memory_space<hbm>> -> memref<80x128xf32, #tpu.memory_space<hbm>>
        %dma_wait3A_105 = arith.constant 0 : i32
        %dma_wait3A_106 = arith.constant 0 : i32
        %dma_wait3A_107 = tpu.memref_slice %arg2[%arg0, %dma_wait3A_105, %dma_wait3A_106] : memref<2x10240x128xf32, #tpu.memory_space<hbm>> -> memref<1x10240x128xf32, #tpu.memory_space<hbm>>
        %dma_wait3A_108 = tpu.memref_squeeze %dma_wait3A_107 : memref<1x10240x128xf32, #tpu.memory_space<hbm>> -> memref<10240x128xf32, #tpu.memory_space<hbm>>
        %dma_wait3A_109 = arith.constant 0 : i32
        %dma_wait3A_110 = arith.constant 0 : i32
        %dma_wait3A_111 = tpu.memref_slice %dma_wait3A_108[%dma_wait3A_109, %dma_wait3A_110] : memref<10240x128xf32, #tpu.memory_space<hbm>> -> memref<80x128xf32, #tpu.memory_space<hbm>>
        tpu.wait_dma2 semaphore(%arg13 : memref<!tpu.dma_semaphore, #tpu.memory_space<semaphore_mem>>) src(%dma_wait3A_111 : memref<80x128xf32, #tpu.memory_space<hbm>>) dst(%arg8 : memref<80x128xf32, #tpu.memory_space<vmem>>)
        %dma_start3A_112 = arith.constant 0 : i32
        %dma_start3A_113 = tpu.memref_slice %arg7[%mul3A_97, %dma_start3A_112] : memref<50x80xi32, #tpu.memory_space<vmem>> -> memref<1x80xi32, #tpu.memory_space<vmem>>
        %dma_start3A_114 = tpu.memref_squeeze %dma_start3A_113 : memref<1x80xi32, #tpu.memory_space<vmem>> -> memref<80xi32, #tpu.memory_space<vmem>>
        %dma_start3A_115 = arith.constant 0 : i32
        %dma_start3A_116 = arith.constant 0 : i32
        %dma_start3A_117 = tpu.memref_slice %arg11[%dma_start3A_115, %dma_start3A_116] : memref<10240x128xf32, #tpu.memory_space<vmem_shared>> -> memref<10240x128xf32, #tpu.memory_space<vmem_shared>>
        tpu.enqueue_indirect_dma source(%arg8 : memref<80x128xf32, #tpu.memory_space<vmem>>) target(%dma_start3A_117 : memref<10240x128xf32, #tpu.memory_space<vmem_shared>>) offsets(%dma_start3A_114 : memref<80xi32, #tpu.memory_space<vmem>>) semaphore(%arg12 : memref<!tpu.dma_semaphore, #tpu.memory_space<semaphore_mem>>) {add = true}
        %dma_wait3A_118 = arith.constant 0 : i32
        %dma_wait3A_119 = arith.constant 0 : i32
        %dma_wait3A_120 = tpu.memref_slice %arg2[%arg0, %dma_wait3A_118, %dma_wait3A_119] : memref<2x10240x128xf32, #tpu.memory_space<hbm>> -> memref<1x10240x128xf32, #tpu.memory_space<hbm>>
        %dma_wait3A_121 = tpu.memref_squeeze %dma_wait3A_120 : memref<1x10240x128xf32, #tpu.memory_space<hbm>> -> memref<10240x128xf32, #tpu.memory_space<hbm>>
        %dma_wait3A_122 = arith.constant 0 : i32
        %dma_wait3A_123 = arith.constant 0 : i32
        %dma_wait3A_124 = tpu.memref_slice %dma_wait3A_121[%dma_wait3A_122, %dma_wait3A_123] : memref<10240x128xf32, #tpu.memory_space<hbm>> -> memref<80x128xf32, #tpu.memory_space<hbm>>
        %dma_wait3A_125 = arith.constant 0 : i32
        %dma_wait3A_126 = arith.constant 0 : i32
        %dma_wait3A_127 = tpu.memref_slice %arg2[%arg0, %dma_wait3A_125, %dma_wait3A_126] : memref<2x10240x128xf32, #tpu.memory_space<hbm>> -> memref<1x10240x128xf32, #tpu.memory_space<hbm>>
        %dma_wait3A_128 = tpu.memref_squeeze %dma_wait3A_127 : memref<1x10240x128xf32, #tpu.memory_space<hbm>> -> memref<10240x128xf32, #tpu.memory_space<hbm>>
        %dma_wait3A_129 = arith.constant 0 : i32
        %dma_wait3A_130 = arith.constant 0 : i32
        %dma_wait3A_131 = tpu.memref_slice %dma_wait3A_128[%dma_wait3A_129, %dma_wait3A_130] : memref<10240x128xf32, #tpu.memory_space<hbm>> -> memref<80x128xf32, #tpu.memory_space<hbm>>
        tpu.wait_dma2 semaphore(%arg13 : memref<!tpu.dma_semaphore, #tpu.memory_space<semaphore_mem>>) src(%dma_wait3A_131 : memref<80x128xf32, #tpu.memory_space<hbm>>) dst(%arg8 : memref<80x128xf32, #tpu.memory_space<vmem>>)
        %add3A_132 = arith.constant 1 : i32
        %add3A_133 = arith.addi %mul3A_97, %add3A_132 : i32
        %dma_start3A_134 = arith.constant 0 : i32
        %dma_start3A_135 = tpu.memref_slice %arg7[%add3A_133, %dma_start3A_134] : memref<50x80xi32, #tpu.memory_space<vmem>> -> memref<1x80xi32, #tpu.memory_space<vmem>>
        %dma_start3A_136 = tpu.memref_squeeze %dma_start3A_135 : memref<1x80xi32, #tpu.memory_space<vmem>> -> memref<80xi32, #tpu.memory_space<vmem>>
        %dma_start3A_137 = arith.constant 0 : i32
        %dma_start3A_138 = arith.constant 0 : i32
        %dma_start3A_139 = tpu.memref_slice %arg11[%dma_start3A_137, %dma_start3A_138] : memref<10240x128xf32, #tpu.memory_space<vmem_shared>> -> memref<10240x128xf32, #tpu.memory_space<vmem_shared>>
        tpu.enqueue_indirect_dma source(%arg9 : memref<80x128xf32, #tpu.memory_space<vmem>>) target(%dma_start3A_139 : memref<10240x128xf32, #tpu.memory_space<vmem_shared>>) offsets(%dma_start3A_136 : memref<80xi32, #tpu.memory_space<vmem>>) semaphore(%arg12 : memref<!tpu.dma_semaphore, #tpu.memory_space<semaphore_mem>>) {add = true}
        %add3A_140 = arith.constant 2 : i32
        %add3A_141 = arith.addi %mul3A_97, %add3A_140 : i32
        %min3A = arith.constant 49 : i32
        %min3A_142 = arith.minsi %add3A_141, %min3A : i32
        %add3A_143 = arith.constant 3 : i32
        %add3A_144 = arith.addi %mul3A_97, %add3A_143 : i32
        %min3A_145 = arith.constant 49 : i32
        %min3A_146 = arith.minsi %add3A_144, %min3A_145 : i32
        %dma_wait3A_147 = arith.constant 0 : i32
        %dma_wait3A_148 = arith.constant 0 : i32
        %dma_wait3A_149 = tpu.memref_slice %arg11[%dma_wait3A_147, %dma_wait3A_148] : memref<10240x128xf32, #tpu.memory_space<vmem_shared>> -> memref<80x128xf32, #tpu.memory_space<vmem_shared>>
        %dma_wait3A_150 = arith.constant 0 : i32
        %dma_wait3A_151 = arith.constant 0 : i32
        %dma_wait3A_152 = tpu.memref_slice %arg11[%dma_wait3A_150, %dma_wait3A_151] : memref<10240x128xf32, #tpu.memory_space<vmem_shared>> -> memref<80x128xf32, #tpu.memory_space<vmem_shared>>
        tpu.wait_dma2 semaphore(%arg12 : memref<!tpu.dma_semaphore, #tpu.memory_space<semaphore_mem>>) src(%arg8 : memref<80x128xf32, #tpu.memory_space<vmem>>) dst(%dma_wait3A_152 : memref<80x128xf32, #tpu.memory_space<vmem_shared>>)
        %dma_start3A_153 = arith.constant 0 : i32
        %dma_start3A_154 = tpu.memref_slice %arg6[%min3A_142, %dma_start3A_153] : memref<50x80xi32, #tpu.memory_space<vmem>> -> memref<1x80xi32, #tpu.memory_space<vmem>>
        %dma_start3A_155 = tpu.memref_squeeze %dma_start3A_154 : memref<1x80xi32, #tpu.memory_space<vmem>> -> memref<80xi32, #tpu.memory_space<vmem>>
        %dma_start3A_156 = arith.constant 0 : i32
        %dma_start3A_157 = arith.constant 0 : i32
        %dma_start3A_158 = tpu.memref_slice %arg2[%arg0, %dma_start3A_156, %dma_start3A_157] : memref<2x10240x128xf32, #tpu.memory_space<hbm>> -> memref<1x10240x128xf32, #tpu.memory_space<hbm>>
        %dma_start3A_159 = tpu.memref_squeeze %dma_start3A_158 : memref<1x10240x128xf32, #tpu.memory_space<hbm>> -> memref<10240x128xf32, #tpu.memory_space<hbm>>
        %dma_start3A_160 = arith.constant 0 : i32
        %dma_start3A_161 = arith.constant 0 : i32
        %dma_start3A_162 = tpu.memref_slice %dma_start3A_159[%dma_start3A_160, %dma_start3A_161] : memref<10240x128xf32, #tpu.memory_space<hbm>> -> memref<10240x128xf32, #tpu.memory_space<hbm>>
        tpu.enqueue_indirect_dma source(%dma_start3A_162 : memref<10240x128xf32, #tpu.memory_space<hbm>>) target(%arg8 : memref<80x128xf32, #tpu.memory_space<vmem>>) offsets(%dma_start3A_155 : memref<80xi32, #tpu.memory_space<vmem>>) semaphore(%arg13 : memref<!tpu.dma_semaphore, #tpu.memory_space<semaphore_mem>>)
        %dma_wait3A_163 = arith.constant 0 : i32
        %dma_wait3A_164 = arith.constant 0 : i32
        %dma_wait3A_165 = tpu.memref_slice %arg11[%dma_wait3A_163, %dma_wait3A_164] : memref<10240x128xf32, #tpu.memory_space<vmem_shared>> -> memref<80x128xf32, #tpu.memory_space<vmem_shared>>
        %dma_wait3A_166 = arith.constant 0 : i32
        %dma_wait3A_167 = arith.constant 0 : i32
        %dma_wait3A_168 = tpu.memref_slice %arg11[%dma_wait3A_166, %dma_wait3A_167] : memref<10240x128xf32, #tpu.memory_space<vmem_shared>> -> memref<80x128xf32, #tpu.memory_space<vmem_shared>>
        tpu.wait_dma2 semaphore(%arg12 : memref<!tpu.dma_semaphore, #tpu.memory_space<semaphore_mem>>) src(%arg8 : memref<80x128xf32, #tpu.memory_space<vmem>>) dst(%dma_wait3A_168 : memref<80x128xf32, #tpu.memory_space<vmem_shared>>)
        %dma_start3A_169 = arith.constant 0 : i32
        %dma_start3A_170 = tpu.memref_slice %arg6[%min3A_146, %dma_start3A_169] : memref<50x80xi32, #tpu.memory_space<vmem>> -> memref<1x80xi32, #tpu.memory_space<vmem>>
        %dma_start3A_171 = tpu.memref_squeeze %dma_start3A_170 : memref<1x80xi32, #tpu.memory_space<vmem>> -> memref<80xi32, #tpu.memory_space<vmem>>
        %dma_start3A_172 = arith.constant 0 : i32
        %dma_start3A_173 = arith.constant 0 : i32
        %dma_start3A_174 = tpu.memref_slice %arg2[%arg0, %dma_start3A_172, %dma_start3A_173] : memref<2x10240x128xf32, #tpu.memory_space<hbm>> -> memref<1x10240x128xf32, #tpu.memory_space<hbm>>
        %dma_start3A_175 = tpu.memref_squeeze %dma_start3A_174 : memref<1x10240x128xf32, #tpu.memory_space<hbm>> -> memref<10240x128xf32, #tpu.memory_space<hbm>>
        %dma_start3A_176 = arith.constant 0 : i32
        %dma_start3A_177 = arith.constant 0 : i32
        %dma_start3A_178 = tpu.memref_slice %dma_start3A_175[%dma_start3A_176, %dma_start3A_177] : memref<10240x128xf32, #tpu.memory_space<hbm>> -> memref<10240x128xf32, #tpu.memory_space<hbm>>
        tpu.enqueue_indirect_dma source(%dma_start3A_178 : memref<10240x128xf32, #tpu.memory_space<hbm>>) target(%arg9 : memref<80x128xf32, #tpu.memory_space<vmem>>) offsets(%dma_start3A_171 : memref<80xi32, #tpu.memory_space<vmem>>) semaphore(%arg13 : memref<!tpu.dma_semaphore, #tpu.memory_space<semaphore_mem>>)
      }
      %scan3A_63 = arith.constant 25 : i32
      %dma_wait3A = arith.constant 0 : i32
      %dma_wait3A_64 = arith.constant 0 : i32
      %dma_wait3A_65 = tpu.memref_slice %arg2[%arg0, %dma_wait3A, %dma_wait3A_64] : memref<2x10240x128xf32, #tpu.memory_space<hbm>> -> memref<1x10240x128xf32, #tpu.memory_space<hbm>>
      %dma_wait3A_66 = tpu.memref_squeeze %dma_wait3A_65 : memref<1x10240x128xf32, #tpu.memory_space<hbm>> -> memref<10240x128xf32, #tpu.memory_space<hbm>>
      %dma_wait3A_67 = arith.constant 0 : i32
      %dma_wait3A_68 = arith.constant 0 : i32
      %dma_wait3A_69 = tpu.memref_slice %dma_wait3A_66[%dma_wait3A_67, %dma_wait3A_68] : memref<10240x128xf32, #tpu.memory_space<hbm>> -> memref<80x128xf32, #tpu.memory_space<hbm>>
      %dma_wait3A_70 = arith.constant 0 : i32
      %dma_wait3A_71 = arith.constant 0 : i32
      %dma_wait3A_72 = tpu.memref_slice %arg2[%arg0, %dma_wait3A_70, %dma_wait3A_71] : memref<2x10240x128xf32, #tpu.memory_space<hbm>> -> memref<1x10240x128xf32, #tpu.memory_space<hbm>>
      %dma_wait3A_73 = tpu.memref_squeeze %dma_wait3A_72 : memref<1x10240x128xf32, #tpu.memory_space<hbm>> -> memref<10240x128xf32, #tpu.memory_space<hbm>>
      %dma_wait3A_74 = arith.constant 0 : i32
      %dma_wait3A_75 = arith.constant 0 : i32
      %dma_wait3A_76 = tpu.memref_slice %dma_wait3A_73[%dma_wait3A_74, %dma_wait3A_75] : memref<10240x128xf32, #tpu.memory_space<hbm>> -> memref<80x128xf32, #tpu.memory_space<hbm>>
      tpu.wait_dma2 semaphore(%arg13 : memref<!tpu.dma_semaphore, #tpu.memory_space<semaphore_mem>>) src(%dma_wait3A_76 : memref<80x128xf32, #tpu.memory_space<hbm>>) dst(%arg8 : memref<80x128xf32, #tpu.memory_space<vmem>>)
      %dma_wait3A_77 = arith.constant 0 : i32
      %dma_wait3A_78 = arith.constant 0 : i32
      %dma_wait3A_79 = tpu.memref_slice %arg2[%arg0, %dma_wait3A_77, %dma_wait3A_78] : memref<2x10240x128xf32, #tpu.memory_space<hbm>> -> memref<1x10240x128xf32, #tpu.memory_space<hbm>>
      %dma_wait3A_80 = tpu.memref_squeeze %dma_wait3A_79 : memref<1x10240x128xf32, #tpu.memory_space<hbm>> -> memref<10240x128xf32, #tpu.memory_space<hbm>>
      %dma_wait3A_81 = arith.constant 0 : i32
      %dma_wait3A_82 = arith.constant 0 : i32
      %dma_wait3A_83 = tpu.memref_slice %dma_wait3A_80[%dma_wait3A_81, %dma_wait3A_82] : memref<10240x128xf32, #tpu.memory_space<hbm>> -> memref<80x128xf32, #tpu.memory_space<hbm>>
      %dma_wait3A_84 = arith.constant 0 : i32
      %dma_wait3A_85 = arith.constant 0 : i32
      %dma_wait3A_86 = tpu.memref_slice %arg2[%arg0, %dma_wait3A_84, %dma_wait3A_85] : memref<2x10240x128xf32, #tpu.memory_space<hbm>> -> memref<1x10240x128xf32, #tpu.memory_space<hbm>>
      %dma_wait3A_87 = tpu.memref_squeeze %dma_wait3A_86 : memref<1x10240x128xf32, #tpu.memory_space<hbm>> -> memref<10240x128xf32, #tpu.memory_space<hbm>>
      %dma_wait3A_88 = arith.constant 0 : i32
      %dma_wait3A_89 = arith.constant 0 : i32
      %dma_wait3A_90 = tpu.memref_slice %dma_wait3A_87[%dma_wait3A_88, %dma_wait3A_89] : memref<10240x128xf32, #tpu.memory_space<hbm>> -> memref<80x128xf32, #tpu.memory_space<hbm>>
      tpu.wait_dma2 semaphore(%arg13 : memref<!tpu.dma_semaphore, #tpu.memory_space<semaphore_mem>>) src(%dma_wait3A_90 : memref<80x128xf32, #tpu.memory_space<hbm>>) dst(%arg8 : memref<80x128xf32, #tpu.memory_space<vmem>>)
    }
    %scan3A_27 = arith.constant 5 : i32
    %barrier3A_28 = arith.constant 0 : index
    tpu.barrier barrier_id(%barrier3A_28)
    %mul3A_29 = arith.constant 640 : i32
    %mul3A_30 = arith.muli %arg1, %mul3A_29 : i32
    %mul3A_31 = arith.constant 640 : i32
    %mul3A_32 = arith.muli %arg1, %mul3A_31 : i32
    "tpu.region"() ({
      %run_scoped3A = tpu.sem_alloc : memref<!tpu.dma_semaphore, #tpu.memory_space<semaphore_mem>>
      %dma_start3A = arith.constant 0 : i32
      %dma_start3A_33 = tpu.memref_slice %arg5[%arg0, %mul3A_32, %dma_start3A] : memref<2x10240x128xf32, #tpu.memory_space<hbm>> -> memref<1x640x128xf32, #tpu.memory_space<hbm>>
      %dma_start3A_34 = tpu.memref_squeeze %dma_start3A_33 : memref<1x640x128xf32, #tpu.memory_space<hbm>> -> memref<640x128xf32, #tpu.memory_space<hbm>>
      %dma_start3A_35 = arith.constant 0 : i32
      %dma_start3A_36 = tpu.memref_slice %arg11[%mul3A_30, %dma_start3A_35] : memref<10240x128xf32, #tpu.memory_space<vmem_shared>> -> memref<640x128xf32, #tpu.memory_space<vmem_shared>>
      tpu.enqueue_dma source(%dma_start3A_36 : memref<640x128xf32, #tpu.memory_space<vmem_shared>>) target(%dma_start3A_34 : memref<640x128xf32, #tpu.memory_space<hbm>>) target_semaphore(%run_scoped3A : memref<!tpu.dma_semaphore, #tpu.memory_space<semaphore_mem>>)
      %dma_wait3A = arith.constant 0 : i32
      %dma_wait3A_37 = tpu.memref_slice %arg5[%arg0, %mul3A_32, %dma_wait3A] : memref<2x10240x128xf32, #tpu.memory_space<hbm>> -> memref<1x640x128xf32, #tpu.memory_space<hbm>>
      %dma_wait3A_38 = tpu.memref_squeeze %dma_wait3A_37 : memref<1x640x128xf32, #tpu.memory_space<hbm>> -> memref<640x128xf32, #tpu.memory_space<hbm>>
      %dma_wait3A_39 = arith.constant 0 : i32
      %dma_wait3A_40 = tpu.memref_slice %arg11[%mul3A_30, %dma_wait3A_39] : memref<10240x128xf32, #tpu.memory_space<vmem_shared>> -> memref<640x128xf32, #tpu.memory_space<vmem_shared>>
      tpu.wait_dma2 semaphore(%run_scoped3A : memref<!tpu.dma_semaphore, #tpu.memory_space<semaphore_mem>>) src(%dma_wait3A_40 : memref<640x128xf32, #tpu.memory_space<vmem_shared>>) dst(%dma_wait3A_38 : memref<640x128xf32, #tpu.memory_space<hbm>>)
      tpu.yield
    }) : () -> ()
    return
  }
}

#map = affine_map<(d0, d1) -> (0, 0, 0)>
#map1 = affine_map<(d0, d1) -> (0, 0, 0, 0, 0)>
module attributes {stable_mosaic.version = 14 : i64} {
  func.func @seg_sum(%arg0: i32, %arg1: i32, %arg2: memref<2x10240x128xf32, #tpu.memory_space<hbm>>, %arg3: memref<2x16x5x50x80xi32, #tpu.memory_space<hbm>>, %arg4: memref<2x16x5x50x80xi32, #tpu.memory_space<hbm>>, %arg5: memref<2x10240x128xf32, #tpu.memory_space<hbm>>, %arg6: memref<50x80xi32, #tpu.memory_space<vmem>>, %arg7: memref<50x80xi32, #tpu.memory_space<vmem>>, %arg8: memref<80x128xf32, #tpu.memory_space<vmem>>, %arg9: memref<80x128xf32, #tpu.memory_space<vmem>>, %arg10: memref<128x128xf32, #tpu.memory_space<vmem>>, %arg11: memref<10240x128xf32, #tpu.memory_space<vmem_shared>>, %arg12: memref<!tpu.dma_semaphore, #tpu.memory_space<semaphore_mem>>, %arg13: memref<!tpu.dma_semaphore, #tpu.memory_space<semaphore_mem>>) attributes {dimension_semantics = [#tpu.dimension_semantics<core_parallel>, #tpu.dimension_semantics<subcore_parallel>], iteration_bounds = array<i64: 2, 16>, scalar_prefetch = 0 : i64, scratch_operands = 8 : i64, tpu.core_type = #tpu.core_type<sc_vector_subcore>, window_params = [{transform_indices = #map}, {transform_indices = #map1}, {transform_indices = #map1}, {transform_indices = #map}]} {
    %broadcast_in_dim3A = arith.constant 0.000000e+00 : f32
    %broadcast_in_dim3A_0 = vector.broadcast %broadcast_in_dim3A : f32 to vector<16xf32>
    %scan3A = arith.constant 0 : i32
    %scan3A_1 = arith.constant 128 : i32
    %scan3A_2 = arith.addi %scan3A, %scan3A_1 : i32
    %scan3A_3 = arith.constant 1 : i32
    scf.for %scan3A_33 = %scan3A to %scan3A_2 step %scan3A_3  : i32 {
      %mul3A_34 = arith.constant 1 : i32
      %mul3A_35 = arith.muli %scan3A_33, %mul3A_34 : i32
      %add3A_36 = arith.constant 0 : i32
      %add3A_37 = arith.addi %add3A_36, %mul3A_35 : i32
      %swap3A = arith.index_cast %add3A_37 : i32 to index
      %swap3A_38 = arith.constant 0 : index
      %swap3A_39 = tpu.vector_load %arg10[%swap3A, %swap3A_38] {strides = array<i32>} : memref<128x128xf32, #tpu.memory_space<vmem>>, vector<1x16xf32>,
      %swap3A_40 = vector.shape_cast %swap3A_39 : vector<1x16xf32> to vector<16xf32>
      %swap3A_41 = vector.shape_cast %broadcast_in_dim3A_0 : vector<16xf32> to vector<1x16xf32>
      tpu.vector_store %arg10[%swap3A, %swap3A_38], %swap3A_41 {strides = array<i32>} : memref<128x128xf32, #tpu.memory_space<vmem>>, vector<1x16xf32>,
      %swap3A_42 = arith.index_cast %add3A_37 : i32 to index
      %swap3A_43 = arith.constant 16 : index
      %swap3A_44 = tpu.vector_load %arg10[%swap3A_42, %swap3A_43] {strides = array<i32>} : memref<128x128xf32, #tpu.memory_space<vmem>>, vector<1x16xf32>,
      %swap3A_45 = vector.shape_cast %swap3A_44 : vector<1x16xf32> to vector<16xf32>
      %swap3A_46 = vector.shape_cast %broadcast_in_dim3A_0 : vector<16xf32> to vector<1x16xf32>
      tpu.vector_store %arg10[%swap3A_42, %swap3A_43], %swap3A_46 {strides = array<i32>} : memref<128x128xf32, #tpu.memory_space<vmem>>, vector<1x16xf32>,
      %swap3A_47 = arith.index_cast %add3A_37 : i32 to index
      %swap3A_48 = arith.constant 32 : index
      %swap3A_49 = tpu.vector_load %arg10[%swap3A_47, %swap3A_48] {strides = array<i32>} : memref<128x128xf32, #tpu.memory_space<vmem>>, vector<1x16xf32>,
      %swap3A_50 = vector.shape_cast %swap3A_49 : vector<1x16xf32> to vector<16xf32>
      %swap3A_51 = vector.shape_cast %broadcast_in_dim3A_0 : vector<16xf32> to vector<1x16xf32>
      tpu.vector_store %arg10[%swap3A_47, %swap3A_48], %swap3A_51 {strides = array<i32>} : memref<128x128xf32, #tpu.memory_space<vmem>>, vector<1x16xf32>,
      %swap3A_52 = arith.index_cast %add3A_37 : i32 to index
      %swap3A_53 = arith.constant 48 : index
      %swap3A_54 = tpu.vector_load %arg10[%swap3A_52, %swap3A_53] {strides = array<i32>} : memref<128x128xf32, #tpu.memory_space<vmem>>, vector<1x16xf32>,
      %swap3A_55 = vector.shape_cast %swap3A_54 : vector<1x16xf32> to vector<16xf32>
      %swap3A_56 = vector.shape_cast %broadcast_in_dim3A_0 : vector<16xf32> to vector<1x16xf32>
      tpu.vector_store %arg10[%swap3A_52, %swap3A_53], %swap3A_56 {strides = array<i32>} : memref<128x128xf32, #tpu.memory_space<vmem>>, vector<1x16xf32>,
      %swap3A_57 = arith.index_cast %add3A_37 : i32 to index
      %swap3A_58 = arith.constant 64 : index
      %swap3A_59 = tpu.vector_load %arg10[%swap3A_57, %swap3A_58] {strides = array<i32>} : memref<128x128xf32, #tpu.memory_space<vmem>>, vector<1x16xf32>,
      %swap3A_60 = vector.shape_cast %swap3A_59 : vector<1x16xf32> to vector<16xf32>
      %swap3A_61 = vector.shape_cast %broadcast_in_dim3A_0 : vector<16xf32> to vector<1x16xf32>
      tpu.vector_store %arg10[%swap3A_57, %swap3A_58], %swap3A_61 {strides = array<i32>} : memref<128x128xf32, #tpu.memory_space<vmem>>, vector<1x16xf32>,
      %swap3A_62 = arith.index_cast %add3A_37 : i32 to index
      %swap3A_63 = arith.constant 80 : index
      %swap3A_64 = tpu.vector_load %arg10[%swap3A_62, %swap3A_63] {strides = array<i32>} : memref<128x128xf32, #tpu.memory_space<vmem>>, vector<1x16xf32>,
      %swap3A_65 = vector.shape_cast %swap3A_64 : vector<1x16xf32> to vector<16xf32>
      %swap3A_66 = vector.shape_cast %broadcast_in_dim3A_0 : vector<16xf32> to vector<1x16xf32>
      tpu.vector_store %arg10[%swap3A_62, %swap3A_63], %swap3A_66 {strides = array<i32>} : memref<128x128xf32, #tpu.memory_space<vmem>>, vector<1x16xf32>,
      %swap3A_67 = arith.index_cast %add3A_37 : i32 to index
      %swap3A_68 = arith.constant 96 : index
      %swap3A_69 = tpu.vector_load %arg10[%swap3A_67, %swap3A_68] {strides = array<i32>} : memref<128x128xf32, #tpu.memory_space<vmem>>, vector<1x16xf32>,
      %swap3A_70 = vector.shape_cast %swap3A_69 : vector<1x16xf32> to vector<16xf32>
      %swap3A_71 = vector.shape_cast %broadcast_in_dim3A_0 : vector<16xf32> to vector<1x16xf32>
      tpu.vector_store %arg10[%swap3A_67, %swap3A_68], %swap3A_71 {strides = array<i32>} : memref<128x128xf32, #tpu.memory_space<vmem>>, vector<1x16xf32>,
      %swap3A_72 = arith.index_cast %add3A_37 : i32 to index
      %swap3A_73 = arith.constant 112 : index
      %swap3A_74 = tpu.vector_load %arg10[%swap3A_72, %swap3A_73] {strides = array<i32>} : memref<128x128xf32, #tpu.memory_space<vmem>>, vector<1x16xf32>,
      %swap3A_75 = vector.shape_cast %swap3A_74 : vector<1x16xf32> to vector<16xf32>
      %swap3A_76 = vector.shape_cast %broadcast_in_dim3A_0 : vector<16xf32> to vector<1x16xf32>
      tpu.vector_store %arg10[%swap3A_72, %swap3A_73], %swap3A_76 {strides = array<i32>} : memref<128x128xf32, #tpu.memory_space<vmem>>, vector<1x16xf32>,
    }
    %scan3A_4 = arith.constant 128 : i32
    %mul3A = arith.constant 640 : i32
    %mul3A_5 = arith.muli %arg1, %mul3A : i32
    %add3A = arith.constant 0 : i32
    %add3A_6 = arith.addi %mul3A_5, %add3A : i32
    "tpu.region"() ({
      %run_scoped3A = tpu.sem_alloc : memref<!tpu.dma_semaphore, #tpu.memory_space<semaphore_mem>>
      %dma_start3A = arith.constant 0 : i32
      %dma_start3A_33 = tpu.memref_slice %arg11[%add3A_6, %dma_start3A] : memref<10240x128xf32, #tpu.memory_space<vmem_shared>> -> memref<128x128xf32, #tpu.memory_space<vmem_shared>>
      %dma_start3A_34 = arith.constant 0 : i32
      %dma_start3A_35 = tpu.memref_slice %arg11[%add3A_6, %dma_start3A_34] : memref<10240x128xf32, #tpu.memory_space<vmem_shared>> -> memref<128x128xf32, #tpu.memory_space<vmem_shared>>
      tpu.enqueue_dma source(%arg10 : memref<128x128xf32, #tpu.memory_space<vmem>>) target(%dma_start3A_35 : memref<128x128xf32, #tpu.memory_space<vmem_shared>>) target_semaphore(%run_scoped3A : memref<!tpu.dma_semaphore, #tpu.memory_space<semaphore_mem>>)
      %dma_wait3A = arith.constant 0 : i32
      %dma_wait3A_36 = tpu.memref_slice %arg11[%add3A_6, %dma_wait3A] : memref<10240x128xf32, #tpu.memory_space<vmem_shared>> -> memref<128x128xf32, #tpu.memory_space<vmem_shared>>
      %dma_wait3A_37 = arith.constant 0 : i32
      %dma_wait3A_38 = tpu.memref_slice %arg11[%add3A_6, %dma_wait3A_37] : memref<10240x128xf32, #tpu.memory_space<vmem_shared>> -> memref<128x128xf32, #tpu.memory_space<vmem_shared>>
      tpu.wait_dma2 semaphore(%run_scoped3A : memref<!tpu.dma_semaphore, #tpu.memory_space<semaphore_mem>>) src(%arg10 : memref<128x128xf32, #tpu.memory_space<vmem>>) dst(%dma_wait3A_38 : memref<128x128xf32, #tpu.memory_space<vmem_shared>>)
      tpu.yield
    }) : () -> ()
    %mul3A_7 = arith.constant 640 : i32
    %mul3A_8 = arith.muli %arg1, %mul3A_7 : i32
    %add3A_9 = arith.constant 128 : i32
    %add3A_10 = arith.addi %mul3A_8, %add3A_9 : i32
    "tpu.region"() ({
      %run_scoped3A = tpu.sem_alloc : memref<!tpu.dma_semaphore, #tpu.memory_space<semaphore_mem>>
      %dma_start3A = arith.constant 0 : i32
      %dma_start3A_33 = tpu.memref_slice %arg11[%add3A_10, %dma_start3A] : memref<10240x128xf32, #tpu.memory_space<vmem_shared>> -> memref<128x128xf32, #tpu.memory_space<vmem_shared>>
      %dma_start3A_34 = arith.constant 0 : i32
      %dma_start3A_35 = tpu.memref_slice %arg11[%add3A_10, %dma_start3A_34] : memref<10240x128xf32, #tpu.memory_space<vmem_shared>> -> memref<128x128xf32, #tpu.memory_space<vmem_shared>>
      tpu.enqueue_dma source(%arg10 : memref<128x128xf32, #tpu.memory_space<vmem>>) target(%dma_start3A_35 : memref<128x128xf32, #tpu.memory_space<vmem_shared>>) target_semaphore(%run_scoped3A : memref<!tpu.dma_semaphore, #tpu.memory_space<semaphore_mem>>)
      %dma_wait3A = arith.constant 0 : i32
      %dma_wait3A_36 = tpu.memref_slice %arg11[%add3A_10, %dma_wait3A] : memref<10240x128xf32, #tpu.memory_space<vmem_shared>> -> memref<128x128xf32, #tpu.memory_space<vmem_shared>>
      %dma_wait3A_37 = arith.constant 0 : i32
      %dma_wait3A_38 = tpu.memref_slice %arg11[%add3A_10, %dma_wait3A_37] : memref<10240x128xf32, #tpu.memory_space<vmem_shared>> -> memref<128x128xf32, #tpu.memory_space<vmem_shared>>
      tpu.wait_dma2 semaphore(%run_scoped3A : memref<!tpu.dma_semaphore, #tpu.memory_space<semaphore_mem>>) src(%arg10 : memref<128x128xf32, #tpu.memory_space<vmem>>) dst(%dma_wait3A_38 : memref<128x128xf32, #tpu.memory_space<vmem_shared>>)
      tpu.yield
    }) : () -> ()
    %mul3A_11 = arith.constant 640 : i32
    %mul3A_12 = arith.muli %arg1, %mul3A_11 : i32
    %add3A_13 = arith.constant 256 : i32
    %add3A_14 = arith.addi %mul3A_12, %add3A_13 : i32
    "tpu.region"() ({
      %run_scoped3A = tpu.sem_alloc : memref<!tpu.dma_semaphore, #tpu.memory_space<semaphore_mem>>
      %dma_start3A = arith.constant 0 : i32
      %dma_start3A_33 = tpu.memref_slice %arg11[%add3A_14, %dma_start3A] : memref<10240x128xf32, #tpu.memory_space<vmem_shared>> -> memref<128x128xf32, #tpu.memory_space<vmem_shared>>
      %dma_start3A_34 = arith.constant 0 : i32
      %dma_start3A_35 = tpu.memref_slice %arg11[%add3A_14, %dma_start3A_34] : memref<10240x128xf32, #tpu.memory_space<vmem_shared>> -> memref<128x128xf32, #tpu.memory_space<vmem_shared>>
      tpu.enqueue_dma source(%arg10 : memref<128x128xf32, #tpu.memory_space<vmem>>) target(%dma_start3A_35 : memref<128x128xf32, #tpu.memory_space<vmem_shared>>) target_semaphore(%run_scoped3A : memref<!tpu.dma_semaphore, #tpu.memory_space<semaphore_mem>>)
      %dma_wait3A = arith.constant 0 : i32
      %dma_wait3A_36 = tpu.memref_slice %arg11[%add3A_14, %dma_wait3A] : memref<10240x128xf32, #tpu.memory_space<vmem_shared>> -> memref<128x128xf32, #tpu.memory_space<vmem_shared>>
      %dma_wait3A_37 = arith.constant 0 : i32
      %dma_wait3A_38 = tpu.memref_slice %arg11[%add3A_14, %dma_wait3A_37] : memref<10240x128xf32, #tpu.memory_space<vmem_shared>> -> memref<128x128xf32, #tpu.memory_space<vmem_shared>>
      tpu.wait_dma2 semaphore(%run_scoped3A : memref<!tpu.dma_semaphore, #tpu.memory_space<semaphore_mem>>) src(%arg10 : memref<128x128xf32, #tpu.memory_space<vmem>>) dst(%dma_wait3A_38 : memref<128x128xf32, #tpu.memory_space<vmem_shared>>)
      tpu.yield
    }) : () -> ()
    %mul3A_15 = arith.constant 640 : i32
    %mul3A_16 = arith.muli %arg1, %mul3A_15 : i32
    %add3A_17 = arith.constant 384 : i32
    %add3A_18 = arith.addi %mul3A_16, %add3A_17 : i32
    "tpu.region"() ({
      %run_scoped3A = tpu.sem_alloc : memref<!tpu.dma_semaphore, #tpu.memory_space<semaphore_mem>>
      %dma_start3A = arith.constant 0 : i32
      %dma_start3A_33 = tpu.memref_slice %arg11[%add3A_18, %dma_start3A] : memref<10240x128xf32, #tpu.memory_space<vmem_shared>> -> memref<128x128xf32, #tpu.memory_space<vmem_shared>>
      %dma_start3A_34 = arith.constant 0 : i32
      %dma_start3A_35 = tpu.memref_slice %arg11[%add3A_18, %dma_start3A_34] : memref<10240x128xf32, #tpu.memory_space<vmem_shared>> -> memref<128x128xf32, #tpu.memory_space<vmem_shared>>
      tpu.enqueue_dma source(%arg10 : memref<128x128xf32, #tpu.memory_space<vmem>>) target(%dma_start3A_35 : memref<128x128xf32, #tpu.memory_space<vmem_shared>>) target_semaphore(%run_scoped3A : memref<!tpu.dma_semaphore, #tpu.memory_space<semaphore_mem>>)
      %dma_wait3A = arith.constant 0 : i32
      %dma_wait3A_36 = tpu.memref_slice %arg11[%add3A_18, %dma_wait3A] : memref<10240x128xf32, #tpu.memory_space<vmem_shared>> -> memref<128x128xf32, #tpu.memory_space<vmem_shared>>
      %dma_wait3A_37 = arith.constant 0 : i32
      %dma_wait3A_38 = tpu.memref_slice %arg11[%add3A_18, %dma_wait3A_37] : memref<10240x128xf32, #tpu.memory_space<vmem_shared>> -> memref<128x128xf32, #tpu.memory_space<vmem_shared>>
      tpu.wait_dma2 semaphore(%run_scoped3A : memref<!tpu.dma_semaphore, #tpu.memory_space<semaphore_mem>>) src(%arg10 : memref<128x128xf32, #tpu.memory_space<vmem>>) dst(%dma_wait3A_38 : memref<128x128xf32, #tpu.memory_space<vmem_shared>>)
      tpu.yield
    }) : () -> ()
    %mul3A_19 = arith.constant 640 : i32
    %mul3A_20 = arith.muli %arg1, %mul3A_19 : i32
    %add3A_21 = arith.constant 512 : i32
    %add3A_22 = arith.addi %mul3A_20, %add3A_21 : i32
    "tpu.region"() ({
      %run_scoped3A = tpu.sem_alloc : memref<!tpu.dma_semaphore, #tpu.memory_space<semaphore_mem>>
      %dma_start3A = arith.constant 0 : i32
      %dma_start3A_33 = tpu.memref_slice %arg11[%add3A_22, %dma_start3A] : memref<10240x128xf32, #tpu.memory_space<vmem_shared>> -> memref<128x128xf32, #tpu.memory_space<vmem_shared>>
      %dma_start3A_34 = arith.constant 0 : i32
      %dma_start3A_35 = tpu.memref_slice %arg11[%add3A_22, %dma_start3A_34] : memref<10240x128xf32, #tpu.memory_space<vmem_shared>> -> memref<128x128xf32, #tpu.memory_space<vmem_shared>>
      tpu.enqueue_dma source(%arg10 : memref<128x128xf32, #tpu.memory_space<vmem>>) target(%dma_start3A_35 : memref<128x128xf32, #tpu.memory_space<vmem_shared>>) target_semaphore(%run_scoped3A : memref<!tpu.dma_semaphore, #tpu.memory_space<semaphore_mem>>)
      %dma_wait3A = arith.constant 0 : i32
      %dma_wait3A_36 = tpu.memref_slice %arg11[%add3A_22, %dma_wait3A] : memref<10240x128xf32, #tpu.memory_space<vmem_shared>> -> memref<128x128xf32, #tpu.memory_space<vmem_shared>>
      %dma_wait3A_37 = arith.constant 0 : i32
      %dma_wait3A_38 = tpu.memref_slice %arg11[%add3A_22, %dma_wait3A_37] : memref<10240x128xf32, #tpu.memory_space<vmem_shared>> -> memref<128x128xf32, #tpu.memory_space<vmem_shared>>
      tpu.wait_dma2 semaphore(%run_scoped3A : memref<!tpu.dma_semaphore, #tpu.memory_space<semaphore_mem>>) src(%arg10 : memref<128x128xf32, #tpu.memory_space<vmem>>) dst(%dma_wait3A_38 : memref<128x128xf32, #tpu.memory_space<vmem_shared>>)
      tpu.yield
    }) : () -> ()
    %barrier3A = arith.constant 0 : index
    tpu.barrier barrier_id(%barrier3A)
    %scan3A_23 = arith.constant 0 : i32
    %scan3A_24 = arith.constant 5 : i32
    %scan3A_25 = arith.addi %scan3A_23, %scan3A_24 : i32
    %scan3A_26 = arith.constant 1 : i32
    scf.for %scan3A_33 = %scan3A_23 to %scan3A_25 step %scan3A_26  : i32 {
      %mul3A_34 = arith.constant 1 : i32
      %mul3A_35 = arith.muli %scan3A_33, %mul3A_34 : i32
      %add3A_36 = arith.constant 0 : i32
      %add3A_37 = arith.addi %add3A_36, %mul3A_35 : i32
      "tpu.region"() ({
        %run_scoped3A = tpu.sem_alloc : memref<!tpu.dma_semaphore, #tpu.memory_space<semaphore_mem>>
        %dma_start3A_91 = arith.constant 0 : i32
        %dma_start3A_92 = arith.constant 0 : i32
        %dma_start3A_93 = tpu.memref_slice %arg3[%arg0, %arg1, %add3A_37, %dma_start3A_91, %dma_start3A_92] : memref<2x16x5x50x80xi32, #tpu.memory_space<hbm>> -> memref<1x1x1x50x80xi32, #tpu.memory_space<hbm>>
        %dma_start3A_94 = tpu.memref_squeeze %dma_start3A_93 : memref<1x1x1x50x80xi32, #tpu.memory_space<hbm>> -> memref<50x80xi32, #tpu.memory_space<hbm>>
        %dma_start3A_95 = arith.constant 0 : i32
        %dma_start3A_96 = arith.constant 0 : i32
        %dma_start3A_97 = tpu.memref_slice %arg3[%arg0, %arg1, %add3A_37, %dma_start3A_95, %dma_start3A_96] : memref<2x16x5x50x80xi32, #tpu.memory_space<hbm>> -> memref<1x1x1x50x80xi32, #tpu.memory_space<hbm>>
        %dma_start3A_98 = tpu.memref_squeeze %dma_start3A_97 : memref<1x1x1x50x80xi32, #tpu.memory_space<hbm>> -> memref<50x80xi32, #tpu.memory_space<hbm>>
        tpu.enqueue_dma source(%dma_start3A_98 : memref<50x80xi32, #tpu.memory_space<hbm>>) target(%arg6 : memref<50x80xi32, #tpu.memory_space<vmem>>) target_semaphore(%run_scoped3A : memref<!tpu.dma_semaphore, #tpu.memory_space<semaphore_mem>>)
        %dma_wait3A_99 = arith.constant 0 : i32
        %dma_wait3A_100 = arith.constant 0 : i32
        %dma_wait3A_101 = tpu.memref_slice %arg3[%arg0, %arg1, %add3A_37, %dma_wait3A_99, %dma_wait3A_100] : memref<2x16x5x50x80xi32, #tpu.memory_space<hbm>> -> memref<1x1x1x50x80xi32, #tpu.memory_space<hbm>>
        %dma_wait3A_102 = tpu.memref_squeeze %dma_wait3A_101 : memref<1x1x1x50x80xi32, #tpu.memory_space<hbm>> -> memref<50x80xi32, #tpu.memory_space<hbm>>
        %dma_wait3A_103 = arith.constant 0 : i32
        %dma_wait3A_104 = arith.constant 0 : i32
        %dma_wait3A_105 = tpu.memref_slice %arg3[%arg0, %arg1, %add3A_37, %dma_wait3A_103, %dma_wait3A_104] : memref<2x16x5x50x80xi32, #tpu.memory_space<hbm>> -> memref<1x1x1x50x80xi32, #tpu.memory_space<hbm>>
        %dma_wait3A_106 = tpu.memref_squeeze %dma_wait3A_105 : memref<1x1x1x50x80xi32, #tpu.memory_space<hbm>> -> memref<50x80xi32, #tpu.memory_space<hbm>>
        tpu.wait_dma2 semaphore(%run_scoped3A : memref<!tpu.dma_semaphore, #tpu.memory_space<semaphore_mem>>) src(%dma_wait3A_106 : memref<50x80xi32, #tpu.memory_space<hbm>>) dst(%arg6 : memref<50x80xi32, #tpu.memory_space<vmem>>)
        tpu.yield
      }) : () -> ()
      "tpu.region"() ({
        %run_scoped3A = tpu.sem_alloc : memref<!tpu.dma_semaphore, #tpu.memory_space<semaphore_mem>>
        %dma_start3A_91 = arith.constant 0 : i32
        %dma_start3A_92 = arith.constant 0 : i32
        %dma_start3A_93 = tpu.memref_slice %arg4[%arg0, %arg1, %add3A_37, %dma_start3A_91, %dma_start3A_92] : memref<2x16x5x50x80xi32, #tpu.memory_space<hbm>> -> memref<1x1x1x50x80xi32, #tpu.memory_space<hbm>>
        %dma_start3A_94 = tpu.memref_squeeze %dma_start3A_93 : memref<1x1x1x50x80xi32, #tpu.memory_space<hbm>> -> memref<50x80xi32, #tpu.memory_space<hbm>>
        %dma_start3A_95 = arith.constant 0 : i32
        %dma_start3A_96 = arith.constant 0 : i32
        %dma_start3A_97 = tpu.memref_slice %arg4[%arg0, %arg1, %add3A_37, %dma_start3A_95, %dma_start3A_96] : memref<2x16x5x50x80xi32, #tpu.memory_space<hbm>> -> memref<1x1x1x50x80xi32, #tpu.memory_space<hbm>>
        %dma_start3A_98 = tpu.memref_squeeze %dma_start3A_97 : memref<1x1x1x50x80xi32, #tpu.memory_space<hbm>> -> memref<50x80xi32, #tpu.memory_space<hbm>>
        tpu.enqueue_dma source(%dma_start3A_98 : memref<50x80xi32, #tpu.memory_space<hbm>>) target(%arg7 : memref<50x80xi32, #tpu.memory_space<vmem>>) target_semaphore(%run_scoped3A : memref<!tpu.dma_semaphore, #tpu.memory_space<semaphore_mem>>)
        %dma_wait3A_99 = arith.constant 0 : i32
        %dma_wait3A_100 = arith.constant 0 : i32
        %dma_wait3A_101 = tpu.memref_slice %arg4[%arg0, %arg1, %add3A_37, %dma_wait3A_99, %dma_wait3A_100] : memref<2x16x5x50x80xi32, #tpu.memory_space<hbm>> -> memref<1x1x1x50x80xi32, #tpu.memory_space<hbm>>
        %dma_wait3A_102 = tpu.memref_squeeze %dma_wait3A_101 : memref<1x1x1x50x80xi32, #tpu.memory_space<hbm>> -> memref<50x80xi32, #tpu.memory_space<hbm>>
        %dma_wait3A_103 = arith.constant 0 : i32
        %dma_wait3A_104 = arith.constant 0 : i32
        %dma_wait3A_105 = tpu.memref_slice %arg4[%arg0, %arg1, %add3A_37, %dma_wait3A_103, %dma_wait3A_104] : memref<2x16x5x50x80xi32, #tpu.memory_space<hbm>> -> memref<1x1x1x50x80xi32, #tpu.memory_space<hbm>>
        %dma_wait3A_106 = tpu.memref_squeeze %dma_wait3A_105 : memref<1x1x1x50x80xi32, #tpu.memory_space<hbm>> -> memref<50x80xi32, #tpu.memory_space<hbm>>
        tpu.wait_dma2 semaphore(%run_scoped3A : memref<!tpu.dma_semaphore, #tpu.memory_space<semaphore_mem>>) src(%dma_wait3A_106 : memref<50x80xi32, #tpu.memory_space<hbm>>) dst(%arg7 : memref<50x80xi32, #tpu.memory_space<vmem>>)
        tpu.yield
      }) : () -> ()
      %dma_start3A = arith.constant 0 : i32
      %dma_start3A_38 = arith.constant 0 : i32
      %dma_start3A_39 = tpu.memref_slice %arg6[%dma_start3A, %dma_start3A_38] : memref<50x80xi32, #tpu.memory_space<vmem>> -> memref<1x80xi32, #tpu.memory_space<vmem>>
      %dma_start3A_40 = tpu.memref_squeeze %dma_start3A_39 : memref<1x80xi32, #tpu.memory_space<vmem>> -> memref<80xi32, #tpu.memory_space<vmem>>
      %dma_start3A_41 = arith.constant 0 : i32
      %dma_start3A_42 = arith.constant 0 : i32
      %dma_start3A_43 = tpu.memref_slice %arg2[%arg0, %dma_start3A_41, %dma_start3A_42] : memref<2x10240x128xf32, #tpu.memory_space<hbm>> -> memref<1x10240x128xf32, #tpu.memory_space<hbm>>
      %dma_start3A_44 = tpu.memref_squeeze %dma_start3A_43 : memref<1x10240x128xf32, #tpu.memory_space<hbm>> -> memref<10240x128xf32, #tpu.memory_space<hbm>>
      %dma_start3A_45 = arith.constant 0 : i32
      %dma_start3A_46 = arith.constant 0 : i32
      %dma_start3A_47 = tpu.memref_slice %dma_start3A_44[%dma_start3A_45, %dma_start3A_46] : memref<10240x128xf32, #tpu.memory_space<hbm>> -> memref<10240x128xf32, #tpu.memory_space<hbm>>
      tpu.enqueue_indirect_dma source(%dma_start3A_47 : memref<10240x128xf32, #tpu.memory_space<hbm>>) target(%arg8 : memref<80x128xf32, #tpu.memory_space<vmem>>) offsets(%dma_start3A_40 : memref<80xi32, #tpu.memory_space<vmem>>) semaphore(%arg13 : memref<!tpu.dma_semaphore, #tpu.memory_space<semaphore_mem>>)
      %dma_start3A_48 = arith.constant 1 : i32
      %dma_start3A_49 = arith.constant 0 : i32
      %dma_start3A_50 = tpu.memref_slice %arg6[%dma_start3A_48, %dma_start3A_49] : memref<50x80xi32, #tpu.memory_space<vmem>> -> memref<1x80xi32, #tpu.memory_space<vmem>>
      %dma_start3A_51 = tpu.memref_squeeze %dma_start3A_50 : memref<1x80xi32, #tpu.memory_space<vmem>> -> memref<80xi32, #tpu.memory_space<vmem>>
      %dma_start3A_52 = arith.constant 0 : i32
      %dma_start3A_53 = arith.constant 0 : i32
      %dma_start3A_54 = tpu.memref_slice %arg2[%arg0, %dma_start3A_52, %dma_start3A_53] : memref<2x10240x128xf32, #tpu.memory_space<hbm>> -> memref<1x10240x128xf32, #tpu.memory_space<hbm>>
      %dma_start3A_55 = tpu.memref_squeeze %dma_start3A_54 : memref<1x10240x128xf32, #tpu.memory_space<hbm>> -> memref<10240x128xf32, #tpu.memory_space<hbm>>
      %dma_start3A_56 = arith.constant 0 : i32
      %dma_start3A_57 = arith.constant 0 : i32
      %dma_start3A_58 = tpu.memref_slice %dma_start3A_55[%dma_start3A_56, %dma_start3A_57] : memref<10240x128xf32, #tpu.memory_space<hbm>> -> memref<10240x128xf32, #tpu.memory_space<hbm>>
      tpu.enqueue_indirect_dma source(%dma_start3A_58 : memref<10240x128xf32, #tpu.memory_space<hbm>>) target(%arg9 : memref<80x128xf32, #tpu.memory_space<vmem>>) offsets(%dma_start3A_51 : memref<80xi32, #tpu.memory_space<vmem>>) semaphore(%arg13 : memref<!tpu.dma_semaphore, #tpu.memory_space<semaphore_mem>>)
      %scan3A_59 = arith.constant 0 : i32
      %scan3A_60 = arith.constant 25 : i32
      %scan3A_61 = arith.addi %scan3A_59, %scan3A_60 : i32
      %scan3A_62 = arith.constant 1 : i32
      scf.for %scan3A_91 = %scan3A_59 to %scan3A_61 step %scan3A_62  : i32 {
        %mul3A_92 = arith.constant 1 : i32
        %mul3A_93 = arith.muli %scan3A_91, %mul3A_92 : i32
        %add3A_94 = arith.constant 0 : i32
        %add3A_95 = arith.addi %add3A_94, %mul3A_93 : i32
        %mul3A_96 = arith.constant 2 : i32
        %mul3A_97 = arith.muli %mul3A_96, %add3A_95 : i32
        %dma_wait3A_98 = arith.constant 0 : i32
        %dma_wait3A_99 = arith.constant 0 : i32
        %dma_wait3A_100 = tpu.memref_slice %arg2[%arg0, %dma_wait3A_98, %dma_wait3A_99] : memref<2x10240x128xf32, #tpu.memory_space<hbm>> -> memref<1x10240x128xf32, #tpu.memory_space<hbm>>
        %dma_wait3A_101 = tpu.memref_squeeze %dma_wait3A_100 : memref<1x10240x128xf32, #tpu.memory_space<hbm>> -> memref<10240x128xf32, #tpu.memory_space<hbm>>
        %dma_wait3A_102 = arith.constant 0 : i32
        %dma_wait3A_103 = arith.constant 0 : i32
        %dma_wait3A_104 = tpu.memref_slice %dma_wait3A_101[%dma_wait3A_102, %dma_wait3A_103] : memref<10240x128xf32, #tpu.memory_space<hbm>> -> memref<80x128xf32, #tpu.memory_space<hbm>>
        %dma_wait3A_105 = arith.constant 0 : i32
        %dma_wait3A_106 = arith.constant 0 : i32
        %dma_wait3A_107 = tpu.memref_slice %arg2[%arg0, %dma_wait3A_105, %dma_wait3A_106] : memref<2x10240x128xf32, #tpu.memory_space<hbm>> -> memref<1x10240x128xf32, #tpu.memory_space<hbm>>
        %dma_wait3A_108 = tpu.memref_squeeze %dma_wait3A_107 : memref<1x10240x128xf32, #tpu.memory_space<hbm>> -> memref<10240x128xf32, #tpu.memory_space<hbm>>
        %dma_wait3A_109 = arith.constant 0 : i32
        %dma_wait3A_110 = arith.constant 0 : i32
        %dma_wait3A_111 = tpu.memref_slice %dma_wait3A_108[%dma_wait3A_109, %dma_wait3A_110] : memref<10240x128xf32, #tpu.memory_space<hbm>> -> memref<80x128xf32, #tpu.memory_space<hbm>>
        tpu.wait_dma2 semaphore(%arg13 : memref<!tpu.dma_semaphore, #tpu.memory_space<semaphore_mem>>) src(%dma_wait3A_111 : memref<80x128xf32, #tpu.memory_space<hbm>>) dst(%arg8 : memref<80x128xf32, #tpu.memory_space<vmem>>)
        %dma_start3A_112 = arith.constant 0 : i32
        %dma_start3A_113 = tpu.memref_slice %arg7[%mul3A_97, %dma_start3A_112] : memref<50x80xi32, #tpu.memory_space<vmem>> -> memref<1x80xi32, #tpu.memory_space<vmem>>
        %dma_start3A_114 = tpu.memref_squeeze %dma_start3A_113 : memref<1x80xi32, #tpu.memory_space<vmem>> -> memref<80xi32, #tpu.memory_space<vmem>>
        %dma_start3A_115 = arith.constant 0 : i32
        %dma_start3A_116 = arith.constant 0 : i32
        %dma_start3A_117 = tpu.memref_slice %arg11[%dma_start3A_115, %dma_start3A_116] : memref<10240x128xf32, #tpu.memory_space<vmem_shared>> -> memref<10240x128xf32, #tpu.memory_space<vmem_shared>>
        tpu.enqueue_indirect_dma source(%arg8 : memref<80x128xf32, #tpu.memory_space<vmem>>) target(%dma_start3A_117 : memref<10240x128xf32, #tpu.memory_space<vmem_shared>>) offsets(%dma_start3A_114 : memref<80xi32, #tpu.memory_space<vmem>>) semaphore(%arg12 : memref<!tpu.dma_semaphore, #tpu.memory_space<semaphore_mem>>) {add = true}
        %dma_wait3A_118 = arith.constant 0 : i32
        %dma_wait3A_119 = arith.constant 0 : i32
        %dma_wait3A_120 = tpu.memref_slice %arg2[%arg0, %dma_wait3A_118, %dma_wait3A_119] : memref<2x10240x128xf32, #tpu.memory_space<hbm>> -> memref<1x10240x128xf32, #tpu.memory_space<hbm>>
        %dma_wait3A_121 = tpu.memref_squeeze %dma_wait3A_120 : memref<1x10240x128xf32, #tpu.memory_space<hbm>> -> memref<10240x128xf32, #tpu.memory_space<hbm>>
        %dma_wait3A_122 = arith.constant 0 : i32
        %dma_wait3A_123 = arith.constant 0 : i32
        %dma_wait3A_124 = tpu.memref_slice %dma_wait3A_121[%dma_wait3A_122, %dma_wait3A_123] : memref<10240x128xf32, #tpu.memory_space<hbm>> -> memref<80x128xf32, #tpu.memory_space<hbm>>
        %dma_wait3A_125 = arith.constant 0 : i32
        %dma_wait3A_126 = arith.constant 0 : i32
        %dma_wait3A_127 = tpu.memref_slice %arg2[%arg0, %dma_wait3A_125, %dma_wait3A_126] : memref<2x10240x128xf32, #tpu.memory_space<hbm>> -> memref<1x10240x128xf32, #tpu.memory_space<hbm>>
        %dma_wait3A_128 = tpu.memref_squeeze %dma_wait3A_127 : memref<1x10240x128xf32, #tpu.memory_space<hbm>> -> memref<10240x128xf32, #tpu.memory_space<hbm>>
        %dma_wait3A_129 = arith.constant 0 : i32
        %dma_wait3A_130 = arith.constant 0 : i32
        %dma_wait3A_131 = tpu.memref_slice %dma_wait3A_128[%dma_wait3A_129, %dma_wait3A_130] : memref<10240x128xf32, #tpu.memory_space<hbm>> -> memref<80x128xf32, #tpu.memory_space<hbm>>
        tpu.wait_dma2 semaphore(%arg13 : memref<!tpu.dma_semaphore, #tpu.memory_space<semaphore_mem>>) src(%dma_wait3A_131 : memref<80x128xf32, #tpu.memory_space<hbm>>) dst(%arg8 : memref<80x128xf32, #tpu.memory_space<vmem>>)
        %add3A_132 = arith.constant 1 : i32
        %add3A_133 = arith.addi %mul3A_97, %add3A_132 : i32
        %dma_start3A_134 = arith.constant 0 : i32
        %dma_start3A_135 = tpu.memref_slice %arg7[%add3A_133, %dma_start3A_134] : memref<50x80xi32, #tpu.memory_space<vmem>> -> memref<1x80xi32, #tpu.memory_space<vmem>>
        %dma_start3A_136 = tpu.memref_squeeze %dma_start3A_135 : memref<1x80xi32, #tpu.memory_space<vmem>> -> memref<80xi32, #tpu.memory_space<vmem>>
        %dma_start3A_137 = arith.constant 0 : i32
        %dma_start3A_138 = arith.constant 0 : i32
        %dma_start3A_139 = tpu.memref_slice %arg11[%dma_start3A_137, %dma_start3A_138] : memref<10240x128xf32, #tpu.memory_space<vmem_shared>> -> memref<10240x128xf32, #tpu.memory_space<vmem_shared>>
        tpu.enqueue_indirect_dma source(%arg9 : memref<80x128xf32, #tpu.memory_space<vmem>>) target(%dma_start3A_139 : memref<10240x128xf32, #tpu.memory_space<vmem_shared>>) offsets(%dma_start3A_136 : memref<80xi32, #tpu.memory_space<vmem>>) semaphore(%arg12 : memref<!tpu.dma_semaphore, #tpu.memory_space<semaphore_mem>>) {add = true}
        %add3A_140 = arith.constant 2 : i32
        %add3A_141 = arith.addi %mul3A_97, %add3A_140 : i32
        %min3A = arith.constant 49 : i32
        %min3A_142 = arith.minsi %add3A_141, %min3A : i32
        %add3A_143 = arith.constant 3 : i32
        %add3A_144 = arith.addi %mul3A_97, %add3A_143 : i32
        %min3A_145 = arith.constant 49 : i32
        %min3A_146 = arith.minsi %add3A_144, %min3A_145 : i32
        %dma_wait3A_147 = arith.constant 0 : i32
        %dma_wait3A_148 = arith.constant 0 : i32
        %dma_wait3A_149 = tpu.memref_slice %arg11[%dma_wait3A_147, %dma_wait3A_148] : memref<10240x128xf32, #tpu.memory_space<vmem_shared>> -> memref<80x128xf32, #tpu.memory_space<vmem_shared>>
        %dma_wait3A_150 = arith.constant 0 : i32
        %dma_wait3A_151 = arith.constant 0 : i32
        %dma_wait3A_152 = tpu.memref_slice %arg11[%dma_wait3A_150, %dma_wait3A_151] : memref<10240x128xf32, #tpu.memory_space<vmem_shared>> -> memref<80x128xf32, #tpu.memory_space<vmem_shared>>
        tpu.wait_dma2 semaphore(%arg12 : memref<!tpu.dma_semaphore, #tpu.memory_space<semaphore_mem>>) src(%arg8 : memref<80x128xf32, #tpu.memory_space<vmem>>) dst(%dma_wait3A_152 : memref<80x128xf32, #tpu.memory_space<vmem_shared>>)
        %dma_start3A_153 = arith.constant 0 : i32
        %dma_start3A_154 = tpu.memref_slice %arg6[%min3A_142, %dma_start3A_153] : memref<50x80xi32, #tpu.memory_space<vmem>> -> memref<1x80xi32, #tpu.memory_space<vmem>>
        %dma_start3A_155 = tpu.memref_squeeze %dma_start3A_154 : memref<1x80xi32, #tpu.memory_space<vmem>> -> memref<80xi32, #tpu.memory_space<vmem>>
        %dma_start3A_156 = arith.constant 0 : i32
        %dma_start3A_157 = arith.constant 0 : i32
        %dma_start3A_158 = tpu.memref_slice %arg2[%arg0, %dma_start3A_156, %dma_start3A_157] : memref<2x10240x128xf32, #tpu.memory_space<hbm>> -> memref<1x10240x128xf32, #tpu.memory_space<hbm>>
        %dma_start3A_159 = tpu.memref_squeeze %dma_start3A_158 : memref<1x10240x128xf32, #tpu.memory_space<hbm>> -> memref<10240x128xf32, #tpu.memory_space<hbm>>
        %dma_start3A_160 = arith.constant 0 : i32
        %dma_start3A_161 = arith.constant 0 : i32
        %dma_start3A_162 = tpu.memref_slice %dma_start3A_159[%dma_start3A_160, %dma_start3A_161] : memref<10240x128xf32, #tpu.memory_space<hbm>> -> memref<10240x128xf32, #tpu.memory_space<hbm>>
        tpu.enqueue_indirect_dma source(%dma_start3A_162 : memref<10240x128xf32, #tpu.memory_space<hbm>>) target(%arg8 : memref<80x128xf32, #tpu.memory_space<vmem>>) offsets(%dma_start3A_155 : memref<80xi32, #tpu.memory_space<vmem>>) semaphore(%arg13 : memref<!tpu.dma_semaphore, #tpu.memory_space<semaphore_mem>>)
        %dma_wait3A_163 = arith.constant 0 : i32
        %dma_wait3A_164 = arith.constant 0 : i32
        %dma_wait3A_165 = tpu.memref_slice %arg11[%dma_wait3A_163, %dma_wait3A_164] : memref<10240x128xf32, #tpu.memory_space<vmem_shared>> -> memref<80x128xf32, #tpu.memory_space<vmem_shared>>
        %dma_wait3A_166 = arith.constant 0 : i32
        %dma_wait3A_167 = arith.constant 0 : i32
        %dma_wait3A_168 = tpu.memref_slice %arg11[%dma_wait3A_166, %dma_wait3A_167] : memref<10240x128xf32, #tpu.memory_space<vmem_shared>> -> memref<80x128xf32, #tpu.memory_space<vmem_shared>>
        tpu.wait_dma2 semaphore(%arg12 : memref<!tpu.dma_semaphore, #tpu.memory_space<semaphore_mem>>) src(%arg8 : memref<80x128xf32, #tpu.memory_space<vmem>>) dst(%dma_wait3A_168 : memref<80x128xf32, #tpu.memory_space<vmem_shared>>)
        %dma_start3A_169 = arith.constant 0 : i32
        %dma_start3A_170 = tpu.memref_slice %arg6[%min3A_146, %dma_start3A_169] : memref<50x80xi32, #tpu.memory_space<vmem>> -> memref<1x80xi32, #tpu.memory_space<vmem>>
        %dma_start3A_171 = tpu.memref_squeeze %dma_start3A_170 : memref<1x80xi32, #tpu.memory_space<vmem>> -> memref<80xi32, #tpu.memory_space<vmem>>
        %dma_start3A_172 = arith.constant 0 : i32
        %dma_start3A_173 = arith.constant 0 : i32
        %dma_start3A_174 = tpu.memref_slice %arg2[%arg0, %dma_start3A_172, %dma_start3A_173] : memref<2x10240x128xf32, #tpu.memory_space<hbm>> -> memref<1x10240x128xf32, #tpu.memory_space<hbm>>
        %dma_start3A_175 = tpu.memref_squeeze %dma_start3A_174 : memref<1x10240x128xf32, #tpu.memory_space<hbm>> -> memref<10240x128xf32, #tpu.memory_space<hbm>>
        %dma_start3A_176 = arith.constant 0 : i32
        %dma_start3A_177 = arith.constant 0 : i32
        %dma_start3A_178 = tpu.memref_slice %dma_start3A_175[%dma_start3A_176, %dma_start3A_177] : memref<10240x128xf32, #tpu.memory_space<hbm>> -> memref<10240x128xf32, #tpu.memory_space<hbm>>
        tpu.enqueue_indirect_dma source(%dma_start3A_178 : memref<10240x128xf32, #tpu.memory_space<hbm>>) target(%arg9 : memref<80x128xf32, #tpu.memory_space<vmem>>) offsets(%dma_start3A_171 : memref<80xi32, #tpu.memory_space<vmem>>) semaphore(%arg13 : memref<!tpu.dma_semaphore, #tpu.memory_space<semaphore_mem>>)
      }
      %scan3A_63 = arith.constant 25 : i32
      %dma_wait3A = arith.constant 0 : i32
      %dma_wait3A_64 = arith.constant 0 : i32
      %dma_wait3A_65 = tpu.memref_slice %arg2[%arg0, %dma_wait3A, %dma_wait3A_64] : memref<2x10240x128xf32, #tpu.memory_space<hbm>> -> memref<1x10240x128xf32, #tpu.memory_space<hbm>>
      %dma_wait3A_66 = tpu.memref_squeeze %dma_wait3A_65 : memref<1x10240x128xf32, #tpu.memory_space<hbm>> -> memref<10240x128xf32, #tpu.memory_space<hbm>>
      %dma_wait3A_67 = arith.constant 0 : i32
      %dma_wait3A_68 = arith.constant 0 : i32
      %dma_wait3A_69 = tpu.memref_slice %dma_wait3A_66[%dma_wait3A_67, %dma_wait3A_68] : memref<10240x128xf32, #tpu.memory_space<hbm>> -> memref<80x128xf32, #tpu.memory_space<hbm>>
      %dma_wait3A_70 = arith.constant 0 : i32
      %dma_wait3A_71 = arith.constant 0 : i32
      %dma_wait3A_72 = tpu.memref_slice %arg2[%arg0, %dma_wait3A_70, %dma_wait3A_71] : memref<2x10240x128xf32, #tpu.memory_space<hbm>> -> memref<1x10240x128xf32, #tpu.memory_space<hbm>>
      %dma_wait3A_73 = tpu.memref_squeeze %dma_wait3A_72 : memref<1x10240x128xf32, #tpu.memory_space<hbm>> -> memref<10240x128xf32, #tpu.memory_space<hbm>>
      %dma_wait3A_74 = arith.constant 0 : i32
      %dma_wait3A_75 = arith.constant 0 : i32
      %dma_wait3A_76 = tpu.memref_slice %dma_wait3A_73[%dma_wait3A_74, %dma_wait3A_75] : memref<10240x128xf32, #tpu.memory_space<hbm>> -> memref<80x128xf32, #tpu.memory_space<hbm>>
      tpu.wait_dma2 semaphore(%arg13 : memref<!tpu.dma_semaphore, #tpu.memory_space<semaphore_mem>>) src(%dma_wait3A_76 : memref<80x128xf32, #tpu.memory_space<hbm>>) dst(%arg8 : memref<80x128xf32, #tpu.memory_space<vmem>>)
      %dma_wait3A_77 = arith.constant 0 : i32
      %dma_wait3A_78 = arith.constant 0 : i32
      %dma_wait3A_79 = tpu.memref_slice %arg2[%arg0, %dma_wait3A_77, %dma_wait3A_78] : memref<2x10240x128xf32, #tpu.memory_space<hbm>> -> memref<1x10240x128xf32, #tpu.memory_space<hbm>>
      %dma_wait3A_80 = tpu.memref_squeeze %dma_wait3A_79 : memref<1x10240x128xf32, #tpu.memory_space<hbm>> -> memref<10240x128xf32, #tpu.memory_space<hbm>>
      %dma_wait3A_81 = arith.constant 0 : i32
      %dma_wait3A_82 = arith.constant 0 : i32
      %dma_wait3A_83 = tpu.memref_slice %dma_wait3A_80[%dma_wait3A_81, %dma_wait3A_82] : memref<10240x128xf32, #tpu.memory_space<hbm>> -> memref<80x128xf32, #tpu.memory_space<hbm>>
      %dma_wait3A_84 = arith.constant 0 : i32
      %dma_wait3A_85 = arith.constant 0 : i32
      %dma_wait3A_86 = tpu.memref_slice %arg2[%arg0, %dma_wait3A_84, %dma_wait3A_85] : memref<2x10240x128xf32, #tpu.memory_space<hbm>> -> memref<1x10240x128xf32, #tpu.memory_space<hbm>>
      %dma_wait3A_87 = tpu.memref_squeeze %dma_wait3A_86 : memref<1x10240x128xf32, #tpu.memory_space<hbm>> -> memref<10240x128xf32, #tpu.memory_space<hbm>>
      %dma_wait3A_88 = arith.constant 0 : i32
      %dma_wait3A_89 = arith.constant 0 : i32
      %dma_wait3A_90 = tpu.memref_slice %dma_wait3A_87[%dma_wait3A_88, %dma_wait3A_89] : memref<10240x128xf32, #tpu.memory_space<hbm>> -> memref<80x128xf32, #tpu.memory_space<hbm>>
      tpu.wait_dma2 semaphore(%arg13 : memref<!tpu.dma_semaphore, #tpu.memory_space<semaphore_mem>>) src(%dma_wait3A_90 : memref<80x128xf32, #tpu.memory_space<hbm>>) dst(%arg8 : memref<80x128xf32, #tpu.memory_space<vmem>>)
    }
    %scan3A_27 = arith.constant 5 : i32
    %barrier3A_28 = arith.constant 0 : index
    tpu.barrier barrier_id(%barrier3A_28)
    %mul3A_29 = arith.constant 640 : i32
    %mul3A_30 = arith.muli %arg1, %mul3A_29 : i32
    %mul3A_31 = arith.constant 640 : i32
    %mul3A_32 = arith.muli %arg1, %mul3A_31 : i32
    "tpu.region"() ({
      %run_scoped3A = tpu.sem_alloc : memref<!tpu.dma_semaphore, #tpu.memory_space<semaphore_mem>>
      %dma_start3A = arith.constant 0 : i32
      %dma_start3A_33 = tpu.memref_slice %arg5[%arg0, %mul3A_32, %dma_start3A] : memref<2x10240x128xf32, #tpu.memory_space<hbm>> -> memref<1x640x128xf32, #tpu.memory_space<hbm>>
      %dma_start3A_34 = tpu.memref_squeeze %dma_start3A_33 : memref<1x640x128xf32, #tpu.memory_space<hbm>> -> memref<640x128xf32, #tpu.memory_space<hbm>>
      %dma_start3A_35 = arith.constant 0 : i32
      %dma_start3A_36 = tpu.memref_slice %arg11[%mul3A_30, %dma_start3A_35] : memref<10240x128xf32, #tpu.memory_space<vmem_shared>> -> memref<640x128xf32, #tpu.memory_space<vmem_shared>>
      tpu.enqueue_dma source(%dma_start3A_36 : memref<640x128xf32, #tpu.memory_space<vmem_shared>>) target(%dma_start3A_34 : memref<640x128xf32, #tpu.memory_space<hbm>>) target_semaphore(%run_scoped3A : memref<!tpu.dma_semaphore, #tpu.memory_space<semaphore_mem>>)
      %dma_wait3A = arith.constant 0 : i32
      %dma_wait3A_37 = tpu.memref_slice %arg5[%arg0, %mul3A_32, %dma_wait3A] : memref<2x10240x128xf32, #tpu.memory_space<hbm>> -> memref<1x640x128xf32, #tpu.memory_space<hbm>>
      %dma_wait3A_38 = tpu.memref_squeeze %dma_wait3A_37 : memref<1x640x128xf32, #tpu.memory_space<hbm>> -> memref<640x128xf32, #tpu.memory_space<hbm>>
      %dma_wait3A_39 = arith.constant 0 : i32
      %dma_wait3A_40 = tpu.memref_slice %arg11[%mul3A_30, %dma_wait3A_39] : memref<10240x128xf32, #tpu.memory_space<vmem_shared>> -> memref<640x128xf32, #tpu.memory_space<vmem_shared>>
      tpu.wait_dma2 semaphore(%run_scoped3A : memref<!tpu.dma_semaphore, #tpu.memory_space<semaphore_mem>>) src(%dma_wait3A_40 : memref<640x128xf32, #tpu.memory_space<vmem_shared>>) dst(%dma_wait3A_38 : memref<640x128xf32, #tpu.memory_space<hbm>>)
      tpu.yield
    }) : () -> ()
    return
  }
}

module attributes {stable_mosaic.version = 14 : i64} {
  func.func @sage_layer1(%arg0: i32, %arg1: memref<1x1024x128xf32, #tpu.memory_space<vmem>>, %arg2: memref<1x1024x16xf32, #tpu.memory_space<vmem>>, %arg3: memref<1x1024x128xf32, #tpu.memory_space<vmem>>, %arg4: memref<1x256x128xf32, #tpu.memory_space<vmem>>, %arg5: memref<1x1x256xf32, #tpu.memory_space<vmem>>, %arg6: memref<1x256x128xf32, #tpu.memory_space<vmem>>, %arg7: memref<1x128x256xf32, #tpu.memory_space<vmem>>, %arg8: memref<1x128x256xf32, #tpu.memory_space<vmem>>, %arg9: memref<1x128x256xf32, #tpu.memory_space<vmem>>, %arg10: memref<1x1024x128xf32, #tpu.memory_space<vmem>>, %arg11: memref<1x1024x128xf32, #tpu.memory_space<vmem>>, %arg12: memref<1x1024x128xf32, #tpu.memory_space<vmem>>) attributes {dimension_semantics = [#tpu.dimension_semantics<arbitrary>], iteration_bounds = array<i64: 20>, scalar_prefetch = 0 : i64, scratch_operands = 0 : i64, tpu.core_type = #tpu.core_type<tc>, window_params = [{transform_indices = @transform_0, window_bounds = array<i64: 1, 1024, 128>}, {transform_indices = @transform_1, window_bounds = array<i64: 1, 1024, 16>}, {transform_indices = @transform_2, window_bounds = array<i64: 1, 1024, 128>}, {transform_indices = @transform_3, window_bounds = array<i64: 1, 256, 128>}, {transform_indices = @transform_4, window_bounds = array<i64: 1, 1, 256>}, {transform_indices = @transform_5, window_bounds = array<i64: 1, 256, 128>}, {transform_indices = @transform_6, window_bounds = array<i64: 1, 128, 256>}, {transform_indices = @transform_7, window_bounds = array<i64: 1, 128, 256>}, {transform_indices = @transform_8, window_bounds = array<i64: 1, 128, 256>}, {transform_indices = @transform_9, window_bounds = array<i64: 1, 1024, 128>}, {transform_indices = @transform_10, window_bounds = array<i64: 1, 1024, 128>}, {transform_indices = @transform_11, window_bounds = array<i64: 1, 1024, 128>}]} {
    %get3A = arith.constant 0 : index
    %get3A_0 = arith.constant 0 : index
    %get3A_1 = arith.constant 0 : index
    %get3A_2 = vector.load %arg2[%get3A, %get3A_0, %get3A_1] : memref<1x1024x16xf32, #tpu.memory_space<vmem>>, vector<1x1024x16xf32>
    %get3A_3 = vector.shape_cast %get3A_2 : vector<1x1024x16xf32> to vector<1024x16xf32>
    %slice3A = vector.extract_strided_slice %get3A_3 {offsets = [0, 0], sizes = [1024, 1], strides = [1, 1]} : vector<1024x16xf32> to vector<1024x1xf32>
    %max3A = arith.constant 1.000000e+00 : f32
    %max3A_4 = vector.broadcast %max3A : f32 to vector<1024x1xf32>
    %max3A_5 = arith.maximumf %slice3A, %max3A_4 : vector<1024x1xf32>
    %get3A_6 = arith.constant 0 : index
    %get3A_7 = arith.constant 0 : index
    %get3A_8 = arith.constant 0 : index
    %get3A_9 = vector.load %arg1[%get3A_6, %get3A_7, %get3A_8] : memref<1x1024x128xf32, #tpu.memory_space<vmem>>, vector<1x1024x128xf32>
    %get3A_10 = vector.shape_cast %get3A_9 : vector<1x1024x128xf32> to vector<1024x128xf32>
    %div3A = vector.broadcast %max3A_5 : vector<1024x1xf32> to vector<1024x128xf32>
    %div3A_11 = arith.divf %get3A_10, %div3A : vector<1024x128xf32>
    %get3A_12 = arith.constant 0 : index
    %get3A_13 = arith.constant 0 : index
    %get3A_14 = arith.constant 0 : index
    %get3A_15 = vector.load %arg4[%get3A_12, %get3A_13, %get3A_14] : memref<1x256x128xf32, #tpu.memory_space<vmem>>, vector<1x256x128xf32>
    %get3A_16 = vector.shape_cast %get3A_15 : vector<1x256x128xf32> to vector<256x128xf32>
    %dot_general3A = arith.constant dense<0.000000e+00> : vector<1024x256xf32>
    %dot_general3A_17 = tpu.matmul %div3A_11, %get3A_16, %dot_general3A {dimension_numbers = #tpu.dot_dimension_numbers<[1], [1], [0], [0], [0, 0, 1, 0], [], []>, transpose_lhs_hint = false} : vector<1024x128xf32>, vector<256x128xf32>, vector<1024x256xf32> -> vector<1024x256xf32>
    %get3A_18 = arith.constant 0 : index
    %get3A_19 = arith.constant 0 : index
    %get3A_20 = arith.constant 0 : index
    %get3A_21 = vector.load %arg5[%get3A_18, %get3A_19, %get3A_20] : memref<1x1x256xf32, #tpu.memory_space<vmem>>, vector<1x1x256xf32>
    %get3A_22 = vector.shape_cast %get3A_21 : vector<1x1x256xf32> to vector<1x256xf32>
    %add3A = vector.broadcast %get3A_22 : vector<1x256xf32> to vector<1024x256xf32>
    %add3A_23 = arith.addf %dot_general3A_17, %add3A : vector<1024x256xf32>
    %get3A_24 = arith.constant 0 : index
    %get3A_25 = arith.constant 0 : index
    %get3A_26 = arith.constant 0 : index
    %get3A_27 = vector.load %arg3[%get3A_24, %get3A_25, %get3A_26] : memref<1x1024x128xf32, #tpu.memory_space<vmem>>, vector<1x1024x128xf32>
    %get3A_28 = vector.shape_cast %get3A_27 : vector<1x1024x128xf32> to vector<1024x128xf32>
    %get3A_29 = arith.constant 0 : index
    %get3A_30 = arith.constant 0 : index
    %get3A_31 = arith.constant 0 : index
    %get3A_32 = vector.load %arg6[%get3A_29, %get3A_30, %get3A_31] : memref<1x256x128xf32, #tpu.memory_space<vmem>>, vector<1x256x128xf32>
    %get3A_33 = vector.shape_cast %get3A_32 : vector<1x256x128xf32> to vector<256x128xf32>
    %dot_general3A_34 = arith.constant dense<0.000000e+00> : vector<1024x256xf32>
    %dot_general3A_35 = tpu.matmul %get3A_28, %get3A_33, %dot_general3A_34 {dimension_numbers = #tpu.dot_dimension_numbers<[1], [1], [0], [0], [0, 0, 1, 0], [], []>, transpose_lhs_hint = false} : vector<1024x128xf32>, vector<256x128xf32>, vector<1024x256xf32> -> vector<1024x256xf32>
    %add3A_36 = arith.addf %add3A_23, %dot_general3A_35 : vector<1024x256xf32>
    %mul3A = arith.mulf %add3A_36, %add3A_36 : vector<1024x256xf32>
    %reduce_sum3A = arith.constant dense<0.000000e+00> : vector<1024xf32>
    %reduce_sum3A_37 = vector.multi_reduction <add>, %mul3A, %reduce_sum3A [1] : vector<1024x256xf32> to vector<1024xf32>
    %broadcast_in_dim3A = vector.shape_cast %reduce_sum3A_37 : vector<1024xf32> to vector<1024x1xf32>
    %sqrt3A = math.sqrt %broadcast_in_dim3A : vector<1024x1xf32>
    %max3A_38 = arith.constant 9.99999996E-13 : f32
    %max3A_39 = vector.broadcast %max3A_38 : f32 to vector<1024x1xf32>
    %max3A_40 = arith.maximumf %sqrt3A, %max3A_39 : vector<1024x1xf32>
    %div3A_41 = vector.broadcast %max3A_40 : vector<1024x1xf32> to vector<1024x256xf32>
    %div3A_42 = arith.divf %add3A_36, %div3A_41 : vector<1024x256xf32>
    %max3A_43 = arith.constant 0.000000e+00 : f32
    %max3A_44 = vector.broadcast %max3A_43 : f32 to vector<1024x256xf32>
    %max3A_45 = arith.maximumf %div3A_42, %max3A_44 : vector<1024x256xf32>
    %get3A_46 = arith.constant 0 : index
    %get3A_47 = arith.constant 0 : index
    %get3A_48 = arith.constant 0 : index
    %get3A_49 = vector.load %arg7[%get3A_46, %get3A_47, %get3A_48] : memref<1x128x256xf32, #tpu.memory_space<vmem>>, vector<1x128x256xf32>
    %get3A_50 = vector.shape_cast %get3A_49 : vector<1x128x256xf32> to vector<128x256xf32>
    %dot_general3A_51 = arith.constant dense<0.000000e+00> : vector<1024x128xf32>
    %dot_general3A_52 = tpu.matmul %max3A_45, %get3A_50, %dot_general3A_51 {dimension_numbers = #tpu.dot_dimension_numbers<[1], [1], [0], [0], [0, 0, 1, 0], [], []>, transpose_lhs_hint = false} : vector<1024x256xf32>, vector<128x256xf32>, vector<1024x128xf32> -> vector<1024x128xf32>
    %swap3A = arith.constant 0 : index
    %swap3A_53 = arith.constant 0 : index
    %swap3A_54 = arith.constant 0 : index
    %swap3A_55 = vector.load %arg10[%swap3A, %swap3A_53, %swap3A_54] : memref<1x1024x128xf32, #tpu.memory_space<vmem>>, vector<1x1024x128xf32>
    %swap3A_56 = vector.shape_cast %swap3A_55 : vector<1x1024x128xf32> to vector<1024x128xf32>
    %swap3A_57 = vector.shape_cast %dot_general3A_52 : vector<1024x128xf32> to vector<1x1024x128xf32>
    tpu.vector_store %arg10[%swap3A, %swap3A_53, %swap3A_54], %swap3A_57 {strides = array<i32>} : memref<1x1024x128xf32, #tpu.memory_space<vmem>>, vector<1x1024x128xf32>,
    %get3A_58 = arith.constant 0 : index
    %get3A_59 = arith.constant 0 : index
    %get3A_60 = arith.constant 0 : index
    %get3A_61 = vector.load %arg8[%get3A_58, %get3A_59, %get3A_60] : memref<1x128x256xf32, #tpu.memory_space<vmem>>, vector<1x128x256xf32>
    %get3A_62 = vector.shape_cast %get3A_61 : vector<1x128x256xf32> to vector<128x256xf32>
    %dot_general3A_63 = arith.constant dense<0.000000e+00> : vector<1024x128xf32>
    %dot_general3A_64 = tpu.matmul %max3A_45, %get3A_62, %dot_general3A_63 {dimension_numbers = #tpu.dot_dimension_numbers<[1], [1], [0], [0], [0, 0, 1, 0], [], []>, transpose_lhs_hint = false} : vector<1024x256xf32>, vector<128x256xf32>, vector<1024x128xf32> -> vector<1024x128xf32>
    %swap3A_65 = arith.constant 0 : index
    %swap3A_66 = arith.constant 0 : index
    %swap3A_67 = arith.constant 0 : index
    %swap3A_68 = vector.load %arg11[%swap3A_65, %swap3A_66, %swap3A_67] : memref<1x1024x128xf32, #tpu.memory_space<vmem>>, vector<1x1024x128xf32>
    %swap3A_69 = vector.shape_cast %swap3A_68 : vector<1x1024x128xf32> to vector<1024x128xf32>
    %swap3A_70 = vector.shape_cast %dot_general3A_64 : vector<1024x128xf32> to vector<1x1024x128xf32>
    tpu.vector_store %arg11[%swap3A_65, %swap3A_66, %swap3A_67], %swap3A_70 {strides = array<i32>} : memref<1x1024x128xf32, #tpu.memory_space<vmem>>, vector<1x1024x128xf32>,
    %get3A_71 = arith.constant 0 : index
    %get3A_72 = arith.constant 0 : index
    %get3A_73 = arith.constant 0 : index
    %get3A_74 = vector.load %arg9[%get3A_71, %get3A_72, %get3A_73] : memref<1x128x256xf32, #tpu.memory_space<vmem>>, vector<1x128x256xf32>
    %get3A_75 = vector.shape_cast %get3A_74 : vector<1x128x256xf32> to vector<128x256xf32>
    %dot_general3A_76 = arith.constant dense<0.000000e+00> : vector<1024x128xf32>
    %dot_general3A_77 = tpu.matmul %max3A_45, %get3A_75, %dot_general3A_76 {dimension_numbers = #tpu.dot_dimension_numbers<[1], [1], [0], [0], [0, 0, 1, 0], [], []>, transpose_lhs_hint = false} : vector<1024x256xf32>, vector<128x256xf32>, vector<1024x128xf32> -> vector<1024x128xf32>
    %swap3A_78 = arith.constant 0 : index
    %swap3A_79 = arith.constant 0 : index
    %swap3A_80 = arith.constant 0 : index
    %swap3A_81 = vector.load %arg12[%swap3A_78, %swap3A_79, %swap3A_80] : memref<1x1024x128xf32, #tpu.memory_space<vmem>>, vector<1x1024x128xf32>
    %swap3A_82 = vector.shape_cast %swap3A_81 : vector<1x1024x128xf32> to vector<1024x128xf32>
    %swap3A_83 = vector.shape_cast %dot_general3A_77 : vector<1024x128xf32> to vector<1x1024x128xf32>
    tpu.vector_store %arg12[%swap3A_78, %swap3A_79, %swap3A_80], %swap3A_83 {strides = array<i32>} : memref<1x1024x128xf32, #tpu.memory_space<vmem>>, vector<1x1024x128xf32>,
    return
  }
  func.func @transform_0(%arg0: i32) -> (i32, i32, i32) {
    %jit3A = arith.constant 10 : i32
    %div3A = arith.divsi %arg0, %jit3A : i32
    %sign3A = arith.constant 0 : i32
    %sign3A_0 = arith.cmpi sgt, %arg0, %sign3A : i32
    %sign3A_1 = arith.extui %sign3A_0 : i1 to i32
    %sign3A_2 = arith.constant 0 : i32
    %sign3A_3 = arith.cmpi slt, %arg0, %sign3A_2 : i32
    %sign3A_4 = arith.extui %sign3A_3 : i1 to i32
    %sign3A_5 = arith.subi %sign3A_1, %sign3A_4 : i32
    %sign3A_6 = arith.constant 0 : i32
    %sign3A_7 = arith.cmpi sgt, %jit3A, %sign3A_6 : i32
    %sign3A_8 = arith.extui %sign3A_7 : i1 to i32
    %sign3A_9 = arith.constant 0 : i32
    %sign3A_10 = arith.cmpi slt, %jit3A, %sign3A_9 : i32
    %sign3A_11 = arith.extui %sign3A_10 : i1 to i32
    %sign3A_12 = arith.subi %sign3A_8, %sign3A_11 : i32
    %ne3A = arith.cmpi ne, %sign3A_5, %sign3A_12 : i32
    %rem3A = arith.remsi %arg0, %jit3A : i32
    %ne3A_13 = arith.constant 0 : i32
    %ne3A_14 = arith.cmpi ne, %rem3A, %ne3A_13 : i32
    %and3A = arith.andi %ne3A, %ne3A_14 : i1
    %sub3A = arith.constant 1 : i32
    %sub3A_15 = arith.subi %div3A, %sub3A : i32
    %select_n3A = arith.select %and3A, %sub3A_15, %div3A : i32
    %jit3A_16 = arith.constant 10 : i32
    %eq3A = arith.constant 0 : i32
    %eq3A_17 = arith.cmpi eq, %jit3A_16, %eq3A : i32
    %jit3A_18 = arith.constant 1 : i32
    %select_n3A_19 = arith.select %eq3A_17, %jit3A_18, %jit3A_16 : i32
    %rem3A_20 = arith.remsi %arg0, %select_n3A_19 : i32
    %ne3A_21 = arith.constant 0 : i32
    %ne3A_22 = arith.cmpi ne, %rem3A_20, %ne3A_21 : i32
    %lt3A = arith.constant 0 : i32
    %lt3A_23 = arith.cmpi slt, %rem3A_20, %lt3A : i32
    %lt3A_24 = arith.constant 0 : i32
    %lt3A_25 = arith.cmpi slt, %select_n3A_19, %lt3A_24 : i32
    %ne3A_26 = arith.xori %lt3A_23, %lt3A_25 : i1
    %and3A_27 = arith.andi %ne3A_26, %ne3A_22 : i1
    %add3A = arith.addi %rem3A_20, %select_n3A_19 : i32
    %select_n3A_28 = arith.select %and3A_27, %add3A, %rem3A_20 : i32
    %c0_i32 = arith.constant 0 : i32
    %c0_i32_29 = arith.constant 0 : i32
    return %select_n3A, %select_n3A_28, %c0_i32 : i32, i32, i32
  }
  func.func @transform_1(%arg0: i32) -> (i32, i32, i32) {
    %jit3A = arith.constant 10 : i32
    %div3A = arith.divsi %arg0, %jit3A : i32
    %sign3A = arith.constant 0 : i32
    %sign3A_0 = arith.cmpi sgt, %arg0, %sign3A : i32
    %sign3A_1 = arith.extui %sign3A_0 : i1 to i32
    %sign3A_2 = arith.constant 0 : i32
    %sign3A_3 = arith.cmpi slt, %arg0, %sign3A_2 : i32
    %sign3A_4 = arith.extui %sign3A_3 : i1 to i32
    %sign3A_5 = arith.subi %sign3A_1, %sign3A_4 : i32
    %sign3A_6 = arith.constant 0 : i32
    %sign3A_7 = arith.cmpi sgt, %jit3A, %sign3A_6 : i32
    %sign3A_8 = arith.extui %sign3A_7 : i1 to i32
    %sign3A_9 = arith.constant 0 : i32
    %sign3A_10 = arith.cmpi slt, %jit3A, %sign3A_9 : i32
    %sign3A_11 = arith.extui %sign3A_10 : i1 to i32
    %sign3A_12 = arith.subi %sign3A_8, %sign3A_11 : i32
    %ne3A = arith.cmpi ne, %sign3A_5, %sign3A_12 : i32
    %rem3A = arith.remsi %arg0, %jit3A : i32
    %ne3A_13 = arith.constant 0 : i32
    %ne3A_14 = arith.cmpi ne, %rem3A, %ne3A_13 : i32
    %and3A = arith.andi %ne3A, %ne3A_14 : i1
    %sub3A = arith.constant 1 : i32
    %sub3A_15 = arith.subi %div3A, %sub3A : i32
    %select_n3A = arith.select %and3A, %sub3A_15, %div3A : i32
    %jit3A_16 = arith.constant 10 : i32
    %eq3A = arith.constant 0 : i32
    %eq3A_17 = arith.cmpi eq, %jit3A_16, %eq3A : i32
    %jit3A_18 = arith.constant 1 : i32
    %select_n3A_19 = arith.select %eq3A_17, %jit3A_18, %jit3A_16 : i32
    %rem3A_20 = arith.remsi %arg0, %select_n3A_19 : i32
    %ne3A_21 = arith.constant 0 : i32
    %ne3A_22 = arith.cmpi ne, %rem3A_20, %ne3A_21 : i32
    %lt3A = arith.constant 0 : i32
    %lt3A_23 = arith.cmpi slt, %rem3A_20, %lt3A : i32
    %lt3A_24 = arith.constant 0 : i32
    %lt3A_25 = arith.cmpi slt, %select_n3A_19, %lt3A_24 : i32
    %ne3A_26 = arith.xori %lt3A_23, %lt3A_25 : i1
    %and3A_27 = arith.andi %ne3A_26, %ne3A_22 : i1
    %add3A = arith.addi %rem3A_20, %select_n3A_19 : i32
    %select_n3A_28 = arith.select %and3A_27, %add3A, %rem3A_20 : i32
    %c0_i32 = arith.constant 0 : i32
    %c0_i32_29 = arith.constant 0 : i32
    return %select_n3A, %select_n3A_28, %c0_i32 : i32, i32, i32
  }
  func.func @transform_2(%arg0: i32) -> (i32, i32, i32) {
    %jit3A = arith.constant 10 : i32
    %div3A = arith.divsi %arg0, %jit3A : i32
    %sign3A = arith.constant 0 : i32
    %sign3A_0 = arith.cmpi sgt, %arg0, %sign3A : i32
    %sign3A_1 = arith.extui %sign3A_0 : i1 to i32
    %sign3A_2 = arith.constant 0 : i32
    %sign3A_3 = arith.cmpi slt, %arg0, %sign3A_2 : i32
    %sign3A_4 = arith.extui %sign3A_3 : i1 to i32
    %sign3A_5 = arith.subi %sign3A_1, %sign3A_4 : i32
    %sign3A_6 = arith.constant 0 : i32
    %sign3A_7 = arith.cmpi sgt, %jit3A, %sign3A_6 : i32
    %sign3A_8 = arith.extui %sign3A_7 : i1 to i32
    %sign3A_9 = arith.constant 0 : i32
    %sign3A_10 = arith.cmpi slt, %jit3A, %sign3A_9 : i32
    %sign3A_11 = arith.extui %sign3A_10 : i1 to i32
    %sign3A_12 = arith.subi %sign3A_8, %sign3A_11 : i32
    %ne3A = arith.cmpi ne, %sign3A_5, %sign3A_12 : i32
    %rem3A = arith.remsi %arg0, %jit3A : i32
    %ne3A_13 = arith.constant 0 : i32
    %ne3A_14 = arith.cmpi ne, %rem3A, %ne3A_13 : i32
    %and3A = arith.andi %ne3A, %ne3A_14 : i1
    %sub3A = arith.constant 1 : i32
    %sub3A_15 = arith.subi %div3A, %sub3A : i32
    %select_n3A = arith.select %and3A, %sub3A_15, %div3A : i32
    %sub3A_16 = arith.constant 1 : i32
    %sub3A_17 = arith.subi %sub3A_16, %select_n3A : i32
    %jit3A_18 = arith.constant 10 : i32
    %eq3A = arith.constant 0 : i32
    %eq3A_19 = arith.cmpi eq, %jit3A_18, %eq3A : i32
    %jit3A_20 = arith.constant 1 : i32
    %select_n3A_21 = arith.select %eq3A_19, %jit3A_20, %jit3A_18 : i32
    %rem3A_22 = arith.remsi %arg0, %select_n3A_21 : i32
    %ne3A_23 = arith.constant 0 : i32
    %ne3A_24 = arith.cmpi ne, %rem3A_22, %ne3A_23 : i32
    %lt3A = arith.constant 0 : i32
    %lt3A_25 = arith.cmpi slt, %rem3A_22, %lt3A : i32
    %lt3A_26 = arith.constant 0 : i32
    %lt3A_27 = arith.cmpi slt, %select_n3A_21, %lt3A_26 : i32
    %ne3A_28 = arith.xori %lt3A_25, %lt3A_27 : i1
    %and3A_29 = arith.andi %ne3A_28, %ne3A_24 : i1
    %add3A = arith.addi %rem3A_22, %select_n3A_21 : i32
    %select_n3A_30 = arith.select %and3A_29, %add3A, %rem3A_22 : i32
    %c0_i32 = arith.constant 0 : i32
    %c0_i32_31 = arith.constant 0 : i32
    return %sub3A_17, %select_n3A_30, %c0_i32 : i32, i32, i32
  }
  func.func @transform_3(%arg0: i32) -> (i32, i32, i32) {
    %jit3A = arith.constant 10 : i32
    %div3A = arith.divsi %arg0, %jit3A : i32
    %sign3A = arith.constant 0 : i32
    %sign3A_0 = arith.cmpi sgt, %arg0, %sign3A : i32
    %sign3A_1 = arith.extui %sign3A_0 : i1 to i32
    %sign3A_2 = arith.constant 0 : i32
    %sign3A_3 = arith.cmpi slt, %arg0, %sign3A_2 : i32
    %sign3A_4 = arith.extui %sign3A_3 : i1 to i32
    %sign3A_5 = arith.subi %sign3A_1, %sign3A_4 : i32
    %sign3A_6 = arith.constant 0 : i32
    %sign3A_7 = arith.cmpi sgt, %jit3A, %sign3A_6 : i32
    %sign3A_8 = arith.extui %sign3A_7 : i1 to i32
    %sign3A_9 = arith.constant 0 : i32
    %sign3A_10 = arith.cmpi slt, %jit3A, %sign3A_9 : i32
    %sign3A_11 = arith.extui %sign3A_10 : i1 to i32
    %sign3A_12 = arith.subi %sign3A_8, %sign3A_11 : i32
    %ne3A = arith.cmpi ne, %sign3A_5, %sign3A_12 : i32
    %rem3A = arith.remsi %arg0, %jit3A : i32
    %ne3A_13 = arith.constant 0 : i32
    %ne3A_14 = arith.cmpi ne, %rem3A, %ne3A_13 : i32
    %and3A = arith.andi %ne3A, %ne3A_14 : i1
    %sub3A = arith.constant 1 : i32
    %sub3A_15 = arith.subi %div3A, %sub3A : i32
    %select_n3A = arith.select %and3A, %sub3A_15, %div3A : i32
    %c0_i32 = arith.constant 0 : i32
    %c0_i32_16 = arith.constant 0 : i32
    %c0_i32_17 = arith.constant 0 : i32
    return %select_n3A, %c0_i32, %c0_i32_16 : i32, i32, i32
  }
  func.func @transform_4(%arg0: i32) -> (i32, i32, i32) {
    %jit3A = arith.constant 10 : i32
    %div3A = arith.divsi %arg0, %jit3A : i32
    %sign3A = arith.constant 0 : i32
    %sign3A_0 = arith.cmpi sgt, %arg0, %sign3A : i32
    %sign3A_1 = arith.extui %sign3A_0 : i1 to i32
    %sign3A_2 = arith.constant 0 : i32
    %sign3A_3 = arith.cmpi slt, %arg0, %sign3A_2 : i32
    %sign3A_4 = arith.extui %sign3A_3 : i1 to i32
    %sign3A_5 = arith.subi %sign3A_1, %sign3A_4 : i32
    %sign3A_6 = arith.constant 0 : i32
    %sign3A_7 = arith.cmpi sgt, %jit3A, %sign3A_6 : i32
    %sign3A_8 = arith.extui %sign3A_7 : i1 to i32
    %sign3A_9 = arith.constant 0 : i32
    %sign3A_10 = arith.cmpi slt, %jit3A, %sign3A_9 : i32
    %sign3A_11 = arith.extui %sign3A_10 : i1 to i32
    %sign3A_12 = arith.subi %sign3A_8, %sign3A_11 : i32
    %ne3A = arith.cmpi ne, %sign3A_5, %sign3A_12 : i32
    %rem3A = arith.remsi %arg0, %jit3A : i32
    %ne3A_13 = arith.constant 0 : i32
    %ne3A_14 = arith.cmpi ne, %rem3A, %ne3A_13 : i32
    %and3A = arith.andi %ne3A, %ne3A_14 : i1
    %sub3A = arith.constant 1 : i32
    %sub3A_15 = arith.subi %div3A, %sub3A : i32
    %select_n3A = arith.select %and3A, %sub3A_15, %div3A : i32
    %c0_i32 = arith.constant 0 : i32
    %c0_i32_16 = arith.constant 0 : i32
    %c0_i32_17 = arith.constant 0 : i32
    return %select_n3A, %c0_i32, %c0_i32_16 : i32, i32, i32
  }
  func.func @transform_5(%arg0: i32) -> (i32, i32, i32) {
    %jit3A = arith.constant 10 : i32
    %div3A = arith.divsi %arg0, %jit3A : i32
    %sign3A = arith.constant 0 : i32
    %sign3A_0 = arith.cmpi sgt, %arg0, %sign3A : i32
    %sign3A_1 = arith.extui %sign3A_0 : i1 to i32
    %sign3A_2 = arith.constant 0 : i32
    %sign3A_3 = arith.cmpi slt, %arg0, %sign3A_2 : i32
    %sign3A_4 = arith.extui %sign3A_3 : i1 to i32
    %sign3A_5 = arith.subi %sign3A_1, %sign3A_4 : i32
    %sign3A_6 = arith.constant 0 : i32
    %sign3A_7 = arith.cmpi sgt, %jit3A, %sign3A_6 : i32
    %sign3A_8 = arith.extui %sign3A_7 : i1 to i32
    %sign3A_9 = arith.constant 0 : i32
    %sign3A_10 = arith.cmpi slt, %jit3A, %sign3A_9 : i32
    %sign3A_11 = arith.extui %sign3A_10 : i1 to i32
    %sign3A_12 = arith.subi %sign3A_8, %sign3A_11 : i32
    %ne3A = arith.cmpi ne, %sign3A_5, %sign3A_12 : i32
    %rem3A = arith.remsi %arg0, %jit3A : i32
    %ne3A_13 = arith.constant 0 : i32
    %ne3A_14 = arith.cmpi ne, %rem3A, %ne3A_13 : i32
    %and3A = arith.andi %ne3A, %ne3A_14 : i1
    %sub3A = arith.constant 1 : i32
    %sub3A_15 = arith.subi %div3A, %sub3A : i32
    %select_n3A = arith.select %and3A, %sub3A_15, %div3A : i32
    %c0_i32 = arith.constant 0 : i32
    %c0_i32_16 = arith.constant 0 : i32
    %c0_i32_17 = arith.constant 0 : i32
    return %select_n3A, %c0_i32, %c0_i32_16 : i32, i32, i32
  }
  func.func @transform_6(%arg0: i32) -> (i32, i32, i32) {
    %jit3A = arith.constant 10 : i32
    %div3A = arith.divsi %arg0, %jit3A : i32
    %sign3A = arith.constant 0 : i32
    %sign3A_0 = arith.cmpi sgt, %arg0, %sign3A : i32
    %sign3A_1 = arith.extui %sign3A_0 : i1 to i32
    %sign3A_2 = arith.constant 0 : i32
    %sign3A_3 = arith.cmpi slt, %arg0, %sign3A_2 : i32
    %sign3A_4 = arith.extui %sign3A_3 : i1 to i32
    %sign3A_5 = arith.subi %sign3A_1, %sign3A_4 : i32
    %sign3A_6 = arith.constant 0 : i32
    %sign3A_7 = arith.cmpi sgt, %jit3A, %sign3A_6 : i32
    %sign3A_8 = arith.extui %sign3A_7 : i1 to i32
    %sign3A_9 = arith.constant 0 : i32
    %sign3A_10 = arith.cmpi slt, %jit3A, %sign3A_9 : i32
    %sign3A_11 = arith.extui %sign3A_10 : i1 to i32
    %sign3A_12 = arith.subi %sign3A_8, %sign3A_11 : i32
    %ne3A = arith.cmpi ne, %sign3A_5, %sign3A_12 : i32
    %rem3A = arith.remsi %arg0, %jit3A : i32
    %ne3A_13 = arith.constant 0 : i32
    %ne3A_14 = arith.cmpi ne, %rem3A, %ne3A_13 : i32
    %and3A = arith.andi %ne3A, %ne3A_14 : i1
    %sub3A = arith.constant 1 : i32
    %sub3A_15 = arith.subi %div3A, %sub3A : i32
    %select_n3A = arith.select %and3A, %sub3A_15, %div3A : i32
    %c0_i32 = arith.constant 0 : i32
    %c0_i32_16 = arith.constant 0 : i32
    %c0_i32_17 = arith.constant 0 : i32
    return %select_n3A, %c0_i32, %c0_i32_16 : i32, i32, i32
  }
  func.func @transform_7(%arg0: i32) -> (i32, i32, i32) {
    %jit3A = arith.constant 10 : i32
    %div3A = arith.divsi %arg0, %jit3A : i32
    %sign3A = arith.constant 0 : i32
    %sign3A_0 = arith.cmpi sgt, %arg0, %sign3A : i32
    %sign3A_1 = arith.extui %sign3A_0 : i1 to i32
    %sign3A_2 = arith.constant 0 : i32
    %sign3A_3 = arith.cmpi slt, %arg0, %sign3A_2 : i32
    %sign3A_4 = arith.extui %sign3A_3 : i1 to i32
    %sign3A_5 = arith.subi %sign3A_1, %sign3A_4 : i32
    %sign3A_6 = arith.constant 0 : i32
    %sign3A_7 = arith.cmpi sgt, %jit3A, %sign3A_6 : i32
    %sign3A_8 = arith.extui %sign3A_7 : i1 to i32
    %sign3A_9 = arith.constant 0 : i32
    %sign3A_10 = arith.cmpi slt, %jit3A, %sign3A_9 : i32
    %sign3A_11 = arith.extui %sign3A_10 : i1 to i32
    %sign3A_12 = arith.subi %sign3A_8, %sign3A_11 : i32
    %ne3A = arith.cmpi ne, %sign3A_5, %sign3A_12 : i32
    %rem3A = arith.remsi %arg0, %jit3A : i32
    %ne3A_13 = arith.constant 0 : i32
    %ne3A_14 = arith.cmpi ne, %rem3A, %ne3A_13 : i32
    %and3A = arith.andi %ne3A, %ne3A_14 : i1
    %sub3A = arith.constant 1 : i32
    %sub3A_15 = arith.subi %div3A, %sub3A : i32
    %select_n3A = arith.select %and3A, %sub3A_15, %div3A : i32
    %c0_i32 = arith.constant 0 : i32
    %c0_i32_16 = arith.constant 0 : i32
    %c0_i32_17 = arith.constant 0 : i32
    return %select_n3A, %c0_i32, %c0_i32_16 : i32, i32, i32
  }
  func.func @transform_8(%arg0: i32) -> (i32, i32, i32) {
    %jit3A = arith.constant 10 : i32
    %div3A = arith.divsi %arg0, %jit3A : i32
    %sign3A = arith.constant 0 : i32
    %sign3A_0 = arith.cmpi sgt, %arg0, %sign3A : i32
    %sign3A_1 = arith.extui %sign3A_0 : i1 to i32
    %sign3A_2 = arith.constant 0 : i32
    %sign3A_3 = arith.cmpi slt, %arg0, %sign3A_2 : i32
    %sign3A_4 = arith.extui %sign3A_3 : i1 to i32
    %sign3A_5 = arith.subi %sign3A_1, %sign3A_4 : i32
    %sign3A_6 = arith.constant 0 : i32
    %sign3A_7 = arith.cmpi sgt, %jit3A, %sign3A_6 : i32
    %sign3A_8 = arith.extui %sign3A_7 : i1 to i32
    %sign3A_9 = arith.constant 0 : i32
    %sign3A_10 = arith.cmpi slt, %jit3A, %sign3A_9 : i32
    %sign3A_11 = arith.extui %sign3A_10 : i1 to i32
    %sign3A_12 = arith.subi %sign3A_8, %sign3A_11 : i32
    %ne3A = arith.cmpi ne, %sign3A_5, %sign3A_12 : i32
    %rem3A = arith.remsi %arg0, %jit3A : i32
    %ne3A_13 = arith.constant 0 : i32
    %ne3A_14 = arith.cmpi ne, %rem3A, %ne3A_13 : i32
    %and3A = arith.andi %ne3A, %ne3A_14 : i1
    %sub3A = arith.constant 1 : i32
    %sub3A_15 = arith.subi %div3A, %sub3A : i32
    %select_n3A = arith.select %and3A, %sub3A_15, %div3A : i32
    %c0_i32 = arith.constant 0 : i32
    %c0_i32_16 = arith.constant 0 : i32
    %c0_i32_17 = arith.constant 0 : i32
    return %select_n3A, %c0_i32, %c0_i32_16 : i32, i32, i32
  }
  func.func @transform_9(%arg0: i32) -> (i32, i32, i32) {
    %jit3A = arith.constant 10 : i32
    %div3A = arith.divsi %arg0, %jit3A : i32
    %sign3A = arith.constant 0 : i32
    %sign3A_0 = arith.cmpi sgt, %arg0, %sign3A : i32
    %sign3A_1 = arith.extui %sign3A_0 : i1 to i32
    %sign3A_2 = arith.constant 0 : i32
    %sign3A_3 = arith.cmpi slt, %arg0, %sign3A_2 : i32
    %sign3A_4 = arith.extui %sign3A_3 : i1 to i32
    %sign3A_5 = arith.subi %sign3A_1, %sign3A_4 : i32
    %sign3A_6 = arith.constant 0 : i32
    %sign3A_7 = arith.cmpi sgt, %jit3A, %sign3A_6 : i32
    %sign3A_8 = arith.extui %sign3A_7 : i1 to i32
    %sign3A_9 = arith.constant 0 : i32
    %sign3A_10 = arith.cmpi slt, %jit3A, %sign3A_9 : i32
    %sign3A_11 = arith.extui %sign3A_10 : i1 to i32
    %sign3A_12 = arith.subi %sign3A_8, %sign3A_11 : i32
    %ne3A = arith.cmpi ne, %sign3A_5, %sign3A_12 : i32
    %rem3A = arith.remsi %arg0, %jit3A : i32
    %ne3A_13 = arith.constant 0 : i32
    %ne3A_14 = arith.cmpi ne, %rem3A, %ne3A_13 : i32
    %and3A = arith.andi %ne3A, %ne3A_14 : i1
    %sub3A = arith.constant 1 : i32
    %sub3A_15 = arith.subi %div3A, %sub3A : i32
    %select_n3A = arith.select %and3A, %sub3A_15, %div3A : i32
    %sub3A_16 = arith.constant 1 : i32
    %sub3A_17 = arith.subi %sub3A_16, %select_n3A : i32
    %jit3A_18 = arith.constant 10 : i32
    %eq3A = arith.constant 0 : i32
    %eq3A_19 = arith.cmpi eq, %jit3A_18, %eq3A : i32
    %jit3A_20 = arith.constant 1 : i32
    %select_n3A_21 = arith.select %eq3A_19, %jit3A_20, %jit3A_18 : i32
    %rem3A_22 = arith.remsi %arg0, %select_n3A_21 : i32
    %ne3A_23 = arith.constant 0 : i32
    %ne3A_24 = arith.cmpi ne, %rem3A_22, %ne3A_23 : i32
    %lt3A = arith.constant 0 : i32
    %lt3A_25 = arith.cmpi slt, %rem3A_22, %lt3A : i32
    %lt3A_26 = arith.constant 0 : i32
    %lt3A_27 = arith.cmpi slt, %select_n3A_21, %lt3A_26 : i32
    %ne3A_28 = arith.xori %lt3A_25, %lt3A_27 : i1
    %and3A_29 = arith.andi %ne3A_28, %ne3A_24 : i1
    %add3A = arith.addi %rem3A_22, %select_n3A_21 : i32
    %select_n3A_30 = arith.select %and3A_29, %add3A, %rem3A_22 : i32
    %c0_i32 = arith.constant 0 : i32
    %c0_i32_31 = arith.constant 0 : i32
    return %sub3A_17, %select_n3A_30, %c0_i32 : i32, i32, i32
  }
  func.func @transform_10(%arg0: i32) -> (i32, i32, i32) {
    %jit3A = arith.constant 10 : i32
    %div3A = arith.divsi %arg0, %jit3A : i32
    %sign3A = arith.constant 0 : i32
    %sign3A_0 = arith.cmpi sgt, %arg0, %sign3A : i32
    %sign3A_1 = arith.extui %sign3A_0 : i1 to i32
    %sign3A_2 = arith.constant 0 : i32
    %sign3A_3 = arith.cmpi slt, %arg0, %sign3A_2 : i32
    %sign3A_4 = arith.extui %sign3A_3 : i1 to i32
    %sign3A_5 = arith.subi %sign3A_1, %sign3A_4 : i32
    %sign3A_6 = arith.constant 0 : i32
    %sign3A_7 = arith.cmpi sgt, %jit3A, %sign3A_6 : i32
    %sign3A_8 = arith.extui %sign3A_7 : i1 to i32
    %sign3A_9 = arith.constant 0 : i32
    %sign3A_10 = arith.cmpi slt, %jit3A, %sign3A_9 : i32
    %sign3A_11 = arith.extui %sign3A_10 : i1 to i32
    %sign3A_12 = arith.subi %sign3A_8, %sign3A_11 : i32
    %ne3A = arith.cmpi ne, %sign3A_5, %sign3A_12 : i32
    %rem3A = arith.remsi %arg0, %jit3A : i32
    %ne3A_13 = arith.constant 0 : i32
    %ne3A_14 = arith.cmpi ne, %rem3A, %ne3A_13 : i32
    %and3A = arith.andi %ne3A, %ne3A_14 : i1
    %sub3A = arith.constant 1 : i32
    %sub3A_15 = arith.subi %div3A, %sub3A : i32
    %select_n3A = arith.select %and3A, %sub3A_15, %div3A : i32
    %jit3A_16 = arith.constant 10 : i32
    %eq3A = arith.constant 0 : i32
    %eq3A_17 = arith.cmpi eq, %jit3A_16, %eq3A : i32
    %jit3A_18 = arith.constant 1 : i32
    %select_n3A_19 = arith.select %eq3A_17, %jit3A_18, %jit3A_16 : i32
    %rem3A_20 = arith.remsi %arg0, %select_n3A_19 : i32
    %ne3A_21 = arith.constant 0 : i32
    %ne3A_22 = arith.cmpi ne, %rem3A_20, %ne3A_21 : i32
    %lt3A = arith.constant 0 : i32
    %lt3A_23 = arith.cmpi slt, %rem3A_20, %lt3A : i32
    %lt3A_24 = arith.constant 0 : i32
    %lt3A_25 = arith.cmpi slt, %select_n3A_19, %lt3A_24 : i32
    %ne3A_26 = arith.xori %lt3A_23, %lt3A_25 : i1
    %and3A_27 = arith.andi %ne3A_26, %ne3A_22 : i1
    %add3A = arith.addi %rem3A_20, %select_n3A_19 : i32
    %select_n3A_28 = arith.select %and3A_27, %add3A, %rem3A_20 : i32
    %c0_i32 = arith.constant 0 : i32
    %c0_i32_29 = arith.constant 0 : i32
    return %select_n3A, %select_n3A_28, %c0_i32 : i32, i32, i32
  }
  func.func @transform_11(%arg0: i32) -> (i32, i32, i32) {
    %jit3A = arith.constant 10 : i32
    %div3A = arith.divsi %arg0, %jit3A : i32
    %sign3A = arith.constant 0 : i32
    %sign3A_0 = arith.cmpi sgt, %arg0, %sign3A : i32
    %sign3A_1 = arith.extui %sign3A_0 : i1 to i32
    %sign3A_2 = arith.constant 0 : i32
    %sign3A_3 = arith.cmpi slt, %arg0, %sign3A_2 : i32
    %sign3A_4 = arith.extui %sign3A_3 : i1 to i32
    %sign3A_5 = arith.subi %sign3A_1, %sign3A_4 : i32
    %sign3A_6 = arith.constant 0 : i32
    %sign3A_7 = arith.cmpi sgt, %jit3A, %sign3A_6 : i32
    %sign3A_8 = arith.extui %sign3A_7 : i1 to i32
    %sign3A_9 = arith.constant 0 : i32
    %sign3A_10 = arith.cmpi slt, %jit3A, %sign3A_9 : i32
    %sign3A_11 = arith.extui %sign3A_10 : i1 to i32
    %sign3A_12 = arith.subi %sign3A_8, %sign3A_11 : i32
    %ne3A = arith.cmpi ne, %sign3A_5, %sign3A_12 : i32
    %rem3A = arith.remsi %arg0, %jit3A : i32
    %ne3A_13 = arith.constant 0 : i32
    %ne3A_14 = arith.cmpi ne, %rem3A, %ne3A_13 : i32
    %and3A = arith.andi %ne3A, %ne3A_14 : i1
    %sub3A = arith.constant 1 : i32
    %sub3A_15 = arith.subi %div3A, %sub3A : i32
    %select_n3A = arith.select %and3A, %sub3A_15, %div3A : i32
    %jit3A_16 = arith.constant 10 : i32
    %eq3A = arith.constant 0 : i32
    %eq3A_17 = arith.cmpi eq, %jit3A_16, %eq3A : i32
    %jit3A_18 = arith.constant 1 : i32
    %select_n3A_19 = arith.select %eq3A_17, %jit3A_18, %jit3A_16 : i32
    %rem3A_20 = arith.remsi %arg0, %select_n3A_19 : i32
    %ne3A_21 = arith.constant 0 : i32
    %ne3A_22 = arith.cmpi ne, %rem3A_20, %ne3A_21 : i32
    %lt3A = arith.constant 0 : i32
    %lt3A_23 = arith.cmpi slt, %rem3A_20, %lt3A : i32
    %lt3A_24 = arith.constant 0 : i32
    %lt3A_25 = arith.cmpi slt, %select_n3A_19, %lt3A_24 : i32
    %ne3A_26 = arith.xori %lt3A_23, %lt3A_25 : i1
    %and3A_27 = arith.andi %ne3A_26, %ne3A_22 : i1
    %add3A = arith.addi %rem3A_20, %select_n3A_19 : i32
    %select_n3A_28 = arith.select %and3A_27, %add3A, %rem3A_20 : i32
    %c0_i32 = arith.constant 0 : i32
    %c0_i32_29 = arith.constant 0 : i32
    return %select_n3A, %select_n3A_28, %c0_i32 : i32, i32, i32
  }
}

module attributes {stable_mosaic.version = 14 : i64} {
  func.func @sage_layer2(%arg0: i32, %arg1: memref<1x1024x128xf32, #tpu.memory_space<vmem>>, %arg2: memref<1x1024x16xf32, #tpu.memory_space<vmem>>, %arg3: memref<1x1024x128xf32, #tpu.memory_space<vmem>>, %arg4: memref<1x1024x128xf32, #tpu.memory_space<vmem>>, %arg5: memref<1x1x128xf32, #tpu.memory_space<vmem>>, %arg6: memref<1x1x128xf32, #tpu.memory_space<vmem>>, %arg7: memref<1x1024x128xf32, #tpu.memory_space<vmem>>) attributes {dimension_semantics = [#tpu.dimension_semantics<arbitrary>], iteration_bounds = array<i64: 20>, scalar_prefetch = 0 : i64, scratch_operands = 0 : i64, tpu.core_type = #tpu.core_type<tc>, window_params = [{transform_indices = @transform_0, window_bounds = array<i64: 1, 1024, 128>}, {transform_indices = @transform_1, window_bounds = array<i64: 1, 1024, 16>}, {transform_indices = @transform_2, window_bounds = array<i64: 1, 1024, 128>}, {transform_indices = @transform_3, window_bounds = array<i64: 1, 1024, 128>}, {transform_indices = @transform_4, window_bounds = array<i64: 1, 1, 128>}, {transform_indices = @transform_5, window_bounds = array<i64: 1, 1, 128>}, {transform_indices = @transform_6, window_bounds = array<i64: 1, 1024, 128>}]} {
    %get3A = arith.constant 0 : index
    %get3A_0 = arith.constant 0 : index
    %get3A_1 = arith.constant 0 : index
    %get3A_2 = vector.load %arg2[%get3A, %get3A_0, %get3A_1] : memref<1x1024x16xf32, #tpu.memory_space<vmem>>, vector<1x1024x16xf32>
    %get3A_3 = vector.shape_cast %get3A_2 : vector<1x1024x16xf32> to vector<1024x16xf32>
    %slice3A = vector.extract_strided_slice %get3A_3 {offsets = [0, 0], sizes = [1024, 1], strides = [1, 1]} : vector<1024x16xf32> to vector<1024x1xf32>
    %max3A = arith.constant 1.000000e+00 : f32
    %max3A_4 = vector.broadcast %max3A : f32 to vector<1024x1xf32>
    %max3A_5 = arith.maximumf %slice3A, %max3A_4 : vector<1024x1xf32>
    %get3A_6 = arith.constant 0 : index
    %get3A_7 = arith.constant 0 : index
    %get3A_8 = arith.constant 0 : index
    %get3A_9 = vector.load %arg1[%get3A_6, %get3A_7, %get3A_8] : memref<1x1024x128xf32, #tpu.memory_space<vmem>>, vector<1x1024x128xf32>
    %get3A_10 = vector.shape_cast %get3A_9 : vector<1x1024x128xf32> to vector<1024x128xf32>
    %div3A = vector.broadcast %max3A_5 : vector<1024x1xf32> to vector<1024x128xf32>
    %div3A_11 = arith.divf %get3A_10, %div3A : vector<1024x128xf32>
    %get3A_12 = arith.constant 0 : index
    %get3A_13 = arith.constant 0 : index
    %get3A_14 = arith.constant 0 : index
    %get3A_15 = vector.load %arg5[%get3A_12, %get3A_13, %get3A_14] : memref<1x1x128xf32, #tpu.memory_space<vmem>>, vector<1x1x128xf32>
    %get3A_16 = vector.shape_cast %get3A_15 : vector<1x1x128xf32> to vector<1x128xf32>
    %add3A = vector.broadcast %get3A_16 : vector<1x128xf32> to vector<1024x128xf32>
    %add3A_17 = arith.addf %div3A_11, %add3A : vector<1024x128xf32>
    %get3A_18 = arith.constant 0 : index
    %get3A_19 = arith.constant 0 : index
    %get3A_20 = arith.constant 0 : index
    %get3A_21 = vector.load %arg3[%get3A_18, %get3A_19, %get3A_20] : memref<1x1024x128xf32, #tpu.memory_space<vmem>>, vector<1x1024x128xf32>
    %get3A_22 = vector.shape_cast %get3A_21 : vector<1x1024x128xf32> to vector<1024x128xf32>
    %add3A_23 = arith.addf %add3A_17, %get3A_22 : vector<1024x128xf32>
    %mul3A = arith.mulf %add3A_23, %add3A_23 : vector<1024x128xf32>
    %reduce_sum3A = arith.constant dense<0.000000e+00> : vector<1024xf32>
    %reduce_sum3A_24 = vector.multi_reduction <add>, %mul3A, %reduce_sum3A [1] : vector<1024x128xf32> to vector<1024xf32>
    %broadcast_in_dim3A = vector.shape_cast %reduce_sum3A_24 : vector<1024xf32> to vector<1024x1xf32>
    %sqrt3A = math.sqrt %broadcast_in_dim3A : vector<1024x1xf32>
    %max3A_25 = arith.constant 9.99999996E-13 : f32
    %max3A_26 = vector.broadcast %max3A_25 : f32 to vector<1024x1xf32>
    %max3A_27 = arith.maximumf %sqrt3A, %max3A_26 : vector<1024x1xf32>
    %div3A_28 = vector.broadcast %max3A_27 : vector<1024x1xf32> to vector<1024x128xf32>
    %div3A_29 = arith.divf %add3A_23, %div3A_28 : vector<1024x128xf32>
    %get3A_30 = arith.constant 0 : index
    %get3A_31 = arith.constant 0 : index
    %get3A_32 = arith.constant 0 : index
    %get3A_33 = vector.load %arg4[%get3A_30, %get3A_31, %get3A_32] : memref<1x1024x128xf32, #tpu.memory_space<vmem>>, vector<1x1024x128xf32>
    %get3A_34 = vector.shape_cast %get3A_33 : vector<1x1024x128xf32> to vector<1024x128xf32>
    %add3A_35 = arith.addf %div3A_29, %get3A_34 : vector<1024x128xf32>
    %get3A_36 = arith.constant 0 : index
    %get3A_37 = arith.constant 0 : index
    %get3A_38 = arith.constant 0 : index
    %get3A_39 = vector.load %arg6[%get3A_36, %get3A_37, %get3A_38] : memref<1x1x128xf32, #tpu.memory_space<vmem>>, vector<1x1x128xf32>
    %get3A_40 = vector.shape_cast %get3A_39 : vector<1x1x128xf32> to vector<1x128xf32>
    %add3A_41 = vector.broadcast %get3A_40 : vector<1x128xf32> to vector<1024x128xf32>
    %add3A_42 = arith.addf %add3A_35, %add3A_41 : vector<1024x128xf32>
    %swap3A = arith.constant 0 : index
    %swap3A_43 = arith.constant 0 : index
    %swap3A_44 = arith.constant 0 : index
    %swap3A_45 = vector.load %arg7[%swap3A, %swap3A_43, %swap3A_44] : memref<1x1024x128xf32, #tpu.memory_space<vmem>>, vector<1x1024x128xf32>
    %swap3A_46 = vector.shape_cast %swap3A_45 : vector<1x1024x128xf32> to vector<1024x128xf32>
    %swap3A_47 = vector.shape_cast %add3A_42 : vector<1024x128xf32> to vector<1x1024x128xf32>
    tpu.vector_store %arg7[%swap3A, %swap3A_43, %swap3A_44], %swap3A_47 {strides = array<i32>} : memref<1x1024x128xf32, #tpu.memory_space<vmem>>, vector<1x1024x128xf32>,
    return
  }
  func.func @transform_0(%arg0: i32) -> (i32, i32, i32) {
    %jit3A = arith.constant 10 : i32
    %div3A = arith.divsi %arg0, %jit3A : i32
    %sign3A = arith.constant 0 : i32
    %sign3A_0 = arith.cmpi sgt, %arg0, %sign3A : i32
    %sign3A_1 = arith.extui %sign3A_0 : i1 to i32
    %sign3A_2 = arith.constant 0 : i32
    %sign3A_3 = arith.cmpi slt, %arg0, %sign3A_2 : i32
    %sign3A_4 = arith.extui %sign3A_3 : i1 to i32
    %sign3A_5 = arith.subi %sign3A_1, %sign3A_4 : i32
    %sign3A_6 = arith.constant 0 : i32
    %sign3A_7 = arith.cmpi sgt, %jit3A, %sign3A_6 : i32
    %sign3A_8 = arith.extui %sign3A_7 : i1 to i32
    %sign3A_9 = arith.constant 0 : i32
    %sign3A_10 = arith.cmpi slt, %jit3A, %sign3A_9 : i32
    %sign3A_11 = arith.extui %sign3A_10 : i1 to i32
    %sign3A_12 = arith.subi %sign3A_8, %sign3A_11 : i32
    %ne3A = arith.cmpi ne, %sign3A_5, %sign3A_12 : i32
    %rem3A = arith.remsi %arg0, %jit3A : i32
    %ne3A_13 = arith.constant 0 : i32
    %ne3A_14 = arith.cmpi ne, %rem3A, %ne3A_13 : i32
    %and3A = arith.andi %ne3A, %ne3A_14 : i1
    %sub3A = arith.constant 1 : i32
    %sub3A_15 = arith.subi %div3A, %sub3A : i32
    %select_n3A = arith.select %and3A, %sub3A_15, %div3A : i32
    %jit3A_16 = arith.constant 10 : i32
    %eq3A = arith.constant 0 : i32
    %eq3A_17 = arith.cmpi eq, %jit3A_16, %eq3A : i32
    %jit3A_18 = arith.constant 1 : i32
    %select_n3A_19 = arith.select %eq3A_17, %jit3A_18, %jit3A_16 : i32
    %rem3A_20 = arith.remsi %arg0, %select_n3A_19 : i32
    %ne3A_21 = arith.constant 0 : i32
    %ne3A_22 = arith.cmpi ne, %rem3A_20, %ne3A_21 : i32
    %lt3A = arith.constant 0 : i32
    %lt3A_23 = arith.cmpi slt, %rem3A_20, %lt3A : i32
    %lt3A_24 = arith.constant 0 : i32
    %lt3A_25 = arith.cmpi slt, %select_n3A_19, %lt3A_24 : i32
    %ne3A_26 = arith.xori %lt3A_23, %lt3A_25 : i1
    %and3A_27 = arith.andi %ne3A_26, %ne3A_22 : i1
    %add3A = arith.addi %rem3A_20, %select_n3A_19 : i32
    %select_n3A_28 = arith.select %and3A_27, %add3A, %rem3A_20 : i32
    %c0_i32 = arith.constant 0 : i32
    %c0_i32_29 = arith.constant 0 : i32
    return %select_n3A, %select_n3A_28, %c0_i32 : i32, i32, i32
  }
  func.func @transform_1(%arg0: i32) -> (i32, i32, i32) {
    %jit3A = arith.constant 10 : i32
    %div3A = arith.divsi %arg0, %jit3A : i32
    %sign3A = arith.constant 0 : i32
    %sign3A_0 = arith.cmpi sgt, %arg0, %sign3A : i32
    %sign3A_1 = arith.extui %sign3A_0 : i1 to i32
    %sign3A_2 = arith.constant 0 : i32
    %sign3A_3 = arith.cmpi slt, %arg0, %sign3A_2 : i32
    %sign3A_4 = arith.extui %sign3A_3 : i1 to i32
    %sign3A_5 = arith.subi %sign3A_1, %sign3A_4 : i32
    %sign3A_6 = arith.constant 0 : i32
    %sign3A_7 = arith.cmpi sgt, %jit3A, %sign3A_6 : i32
    %sign3A_8 = arith.extui %sign3A_7 : i1 to i32
    %sign3A_9 = arith.constant 0 : i32
    %sign3A_10 = arith.cmpi slt, %jit3A, %sign3A_9 : i32
    %sign3A_11 = arith.extui %sign3A_10 : i1 to i32
    %sign3A_12 = arith.subi %sign3A_8, %sign3A_11 : i32
    %ne3A = arith.cmpi ne, %sign3A_5, %sign3A_12 : i32
    %rem3A = arith.remsi %arg0, %jit3A : i32
    %ne3A_13 = arith.constant 0 : i32
    %ne3A_14 = arith.cmpi ne, %rem3A, %ne3A_13 : i32
    %and3A = arith.andi %ne3A, %ne3A_14 : i1
    %sub3A = arith.constant 1 : i32
    %sub3A_15 = arith.subi %div3A, %sub3A : i32
    %select_n3A = arith.select %and3A, %sub3A_15, %div3A : i32
    %jit3A_16 = arith.constant 10 : i32
    %eq3A = arith.constant 0 : i32
    %eq3A_17 = arith.cmpi eq, %jit3A_16, %eq3A : i32
    %jit3A_18 = arith.constant 1 : i32
    %select_n3A_19 = arith.select %eq3A_17, %jit3A_18, %jit3A_16 : i32
    %rem3A_20 = arith.remsi %arg0, %select_n3A_19 : i32
    %ne3A_21 = arith.constant 0 : i32
    %ne3A_22 = arith.cmpi ne, %rem3A_20, %ne3A_21 : i32
    %lt3A = arith.constant 0 : i32
    %lt3A_23 = arith.cmpi slt, %rem3A_20, %lt3A : i32
    %lt3A_24 = arith.constant 0 : i32
    %lt3A_25 = arith.cmpi slt, %select_n3A_19, %lt3A_24 : i32
    %ne3A_26 = arith.xori %lt3A_23, %lt3A_25 : i1
    %and3A_27 = arith.andi %ne3A_26, %ne3A_22 : i1
    %add3A = arith.addi %rem3A_20, %select_n3A_19 : i32
    %select_n3A_28 = arith.select %and3A_27, %add3A, %rem3A_20 : i32
    %c0_i32 = arith.constant 0 : i32
    %c0_i32_29 = arith.constant 0 : i32
    return %select_n3A, %select_n3A_28, %c0_i32 : i32, i32, i32
  }
  func.func @transform_2(%arg0: i32) -> (i32, i32, i32) {
    %jit3A = arith.constant 10 : i32
    %div3A = arith.divsi %arg0, %jit3A : i32
    %sign3A = arith.constant 0 : i32
    %sign3A_0 = arith.cmpi sgt, %arg0, %sign3A : i32
    %sign3A_1 = arith.extui %sign3A_0 : i1 to i32
    %sign3A_2 = arith.constant 0 : i32
    %sign3A_3 = arith.cmpi slt, %arg0, %sign3A_2 : i32
    %sign3A_4 = arith.extui %sign3A_3 : i1 to i32
    %sign3A_5 = arith.subi %sign3A_1, %sign3A_4 : i32
    %sign3A_6 = arith.constant 0 : i32
    %sign3A_7 = arith.cmpi sgt, %jit3A, %sign3A_6 : i32
    %sign3A_8 = arith.extui %sign3A_7 : i1 to i32
    %sign3A_9 = arith.constant 0 : i32
    %sign3A_10 = arith.cmpi slt, %jit3A, %sign3A_9 : i32
    %sign3A_11 = arith.extui %sign3A_10 : i1 to i32
    %sign3A_12 = arith.subi %sign3A_8, %sign3A_11 : i32
    %ne3A = arith.cmpi ne, %sign3A_5, %sign3A_12 : i32
    %rem3A = arith.remsi %arg0, %jit3A : i32
    %ne3A_13 = arith.constant 0 : i32
    %ne3A_14 = arith.cmpi ne, %rem3A, %ne3A_13 : i32
    %and3A = arith.andi %ne3A, %ne3A_14 : i1
    %sub3A = arith.constant 1 : i32
    %sub3A_15 = arith.subi %div3A, %sub3A : i32
    %select_n3A = arith.select %and3A, %sub3A_15, %div3A : i32
    %jit3A_16 = arith.constant 10 : i32
    %eq3A = arith.constant 0 : i32
    %eq3A_17 = arith.cmpi eq, %jit3A_16, %eq3A : i32
    %jit3A_18 = arith.constant 1 : i32
    %select_n3A_19 = arith.select %eq3A_17, %jit3A_18, %jit3A_16 : i32
    %rem3A_20 = arith.remsi %arg0, %select_n3A_19 : i32
    %ne3A_21 = arith.constant 0 : i32
    %ne3A_22 = arith.cmpi ne, %rem3A_20, %ne3A_21 : i32
    %lt3A = arith.constant 0 : i32
    %lt3A_23 = arith.cmpi slt, %rem3A_20, %lt3A : i32
    %lt3A_24 = arith.constant 0 : i32
    %lt3A_25 = arith.cmpi slt, %select_n3A_19, %lt3A_24 : i32
    %ne3A_26 = arith.xori %lt3A_23, %lt3A_25 : i1
    %and3A_27 = arith.andi %ne3A_26, %ne3A_22 : i1
    %add3A = arith.addi %rem3A_20, %select_n3A_19 : i32
    %select_n3A_28 = arith.select %and3A_27, %add3A, %rem3A_20 : i32
    %c0_i32 = arith.constant 0 : i32
    %c0_i32_29 = arith.constant 0 : i32
    return %select_n3A, %select_n3A_28, %c0_i32 : i32, i32, i32
  }
  func.func @transform_3(%arg0: i32) -> (i32, i32, i32) {
    %jit3A = arith.constant 10 : i32
    %div3A = arith.divsi %arg0, %jit3A : i32
    %sign3A = arith.constant 0 : i32
    %sign3A_0 = arith.cmpi sgt, %arg0, %sign3A : i32
    %sign3A_1 = arith.extui %sign3A_0 : i1 to i32
    %sign3A_2 = arith.constant 0 : i32
    %sign3A_3 = arith.cmpi slt, %arg0, %sign3A_2 : i32
    %sign3A_4 = arith.extui %sign3A_3 : i1 to i32
    %sign3A_5 = arith.subi %sign3A_1, %sign3A_4 : i32
    %sign3A_6 = arith.constant 0 : i32
    %sign3A_7 = arith.cmpi sgt, %jit3A, %sign3A_6 : i32
    %sign3A_8 = arith.extui %sign3A_7 : i1 to i32
    %sign3A_9 = arith.constant 0 : i32
    %sign3A_10 = arith.cmpi slt, %jit3A, %sign3A_9 : i32
    %sign3A_11 = arith.extui %sign3A_10 : i1 to i32
    %sign3A_12 = arith.subi %sign3A_8, %sign3A_11 : i32
    %ne3A = arith.cmpi ne, %sign3A_5, %sign3A_12 : i32
    %rem3A = arith.remsi %arg0, %jit3A : i32
    %ne3A_13 = arith.constant 0 : i32
    %ne3A_14 = arith.cmpi ne, %rem3A, %ne3A_13 : i32
    %and3A = arith.andi %ne3A, %ne3A_14 : i1
    %sub3A = arith.constant 1 : i32
    %sub3A_15 = arith.subi %div3A, %sub3A : i32
    %select_n3A = arith.select %and3A, %sub3A_15, %div3A : i32
    %jit3A_16 = arith.constant 10 : i32
    %eq3A = arith.constant 0 : i32
    %eq3A_17 = arith.cmpi eq, %jit3A_16, %eq3A : i32
    %jit3A_18 = arith.constant 1 : i32
    %select_n3A_19 = arith.select %eq3A_17, %jit3A_18, %jit3A_16 : i32
    %rem3A_20 = arith.remsi %arg0, %select_n3A_19 : i32
    %ne3A_21 = arith.constant 0 : i32
    %ne3A_22 = arith.cmpi ne, %rem3A_20, %ne3A_21 : i32
    %lt3A = arith.constant 0 : i32
    %lt3A_23 = arith.cmpi slt, %rem3A_20, %lt3A : i32
    %lt3A_24 = arith.constant 0 : i32
    %lt3A_25 = arith.cmpi slt, %select_n3A_19, %lt3A_24 : i32
    %ne3A_26 = arith.xori %lt3A_23, %lt3A_25 : i1
    %and3A_27 = arith.andi %ne3A_26, %ne3A_22 : i1
    %add3A = arith.addi %rem3A_20, %select_n3A_19 : i32
    %select_n3A_28 = arith.select %and3A_27, %add3A, %rem3A_20 : i32
    %c0_i32 = arith.constant 0 : i32
    %c0_i32_29 = arith.constant 0 : i32
    return %select_n3A, %select_n3A_28, %c0_i32 : i32, i32, i32
  }
  func.func @transform_4(%arg0: i32) -> (i32, i32, i32) {
    %jit3A = arith.constant 10 : i32
    %div3A = arith.divsi %arg0, %jit3A : i32
    %sign3A = arith.constant 0 : i32
    %sign3A_0 = arith.cmpi sgt, %arg0, %sign3A : i32
    %sign3A_1 = arith.extui %sign3A_0 : i1 to i32
    %sign3A_2 = arith.constant 0 : i32
    %sign3A_3 = arith.cmpi slt, %arg0, %sign3A_2 : i32
    %sign3A_4 = arith.extui %sign3A_3 : i1 to i32
    %sign3A_5 = arith.subi %sign3A_1, %sign3A_4 : i32
    %sign3A_6 = arith.constant 0 : i32
    %sign3A_7 = arith.cmpi sgt, %jit3A, %sign3A_6 : i32
    %sign3A_8 = arith.extui %sign3A_7 : i1 to i32
    %sign3A_9 = arith.constant 0 : i32
    %sign3A_10 = arith.cmpi slt, %jit3A, %sign3A_9 : i32
    %sign3A_11 = arith.extui %sign3A_10 : i1 to i32
    %sign3A_12 = arith.subi %sign3A_8, %sign3A_11 : i32
    %ne3A = arith.cmpi ne, %sign3A_5, %sign3A_12 : i32
    %rem3A = arith.remsi %arg0, %jit3A : i32
    %ne3A_13 = arith.constant 0 : i32
    %ne3A_14 = arith.cmpi ne, %rem3A, %ne3A_13 : i32
    %and3A = arith.andi %ne3A, %ne3A_14 : i1
    %sub3A = arith.constant 1 : i32
    %sub3A_15 = arith.subi %div3A, %sub3A : i32
    %select_n3A = arith.select %and3A, %sub3A_15, %div3A : i32
    %c0_i32 = arith.constant 0 : i32
    %c0_i32_16 = arith.constant 0 : i32
    %c0_i32_17 = arith.constant 0 : i32
    return %select_n3A, %c0_i32, %c0_i32_16 : i32, i32, i32
  }
  func.func @transform_5(%arg0: i32) -> (i32, i32, i32) {
    %jit3A = arith.constant 10 : i32
    %div3A = arith.divsi %arg0, %jit3A : i32
    %sign3A = arith.constant 0 : i32
    %sign3A_0 = arith.cmpi sgt, %arg0, %sign3A : i32
    %sign3A_1 = arith.extui %sign3A_0 : i1 to i32
    %sign3A_2 = arith.constant 0 : i32
    %sign3A_3 = arith.cmpi slt, %arg0, %sign3A_2 : i32
    %sign3A_4 = arith.extui %sign3A_3 : i1 to i32
    %sign3A_5 = arith.subi %sign3A_1, %sign3A_4 : i32
    %sign3A_6 = arith.constant 0 : i32
    %sign3A_7 = arith.cmpi sgt, %jit3A, %sign3A_6 : i32
    %sign3A_8 = arith.extui %sign3A_7 : i1 to i32
    %sign3A_9 = arith.constant 0 : i32
    %sign3A_10 = arith.cmpi slt, %jit3A, %sign3A_9 : i32
    %sign3A_11 = arith.extui %sign3A_10 : i1 to i32
    %sign3A_12 = arith.subi %sign3A_8, %sign3A_11 : i32
    %ne3A = arith.cmpi ne, %sign3A_5, %sign3A_12 : i32
    %rem3A = arith.remsi %arg0, %jit3A : i32
    %ne3A_13 = arith.constant 0 : i32
    %ne3A_14 = arith.cmpi ne, %rem3A, %ne3A_13 : i32
    %and3A = arith.andi %ne3A, %ne3A_14 : i1
    %sub3A = arith.constant 1 : i32
    %sub3A_15 = arith.subi %div3A, %sub3A : i32
    %select_n3A = arith.select %and3A, %sub3A_15, %div3A : i32
    %c0_i32 = arith.constant 0 : i32
    %c0_i32_16 = arith.constant 0 : i32
    %c0_i32_17 = arith.constant 0 : i32
    return %select_n3A, %c0_i32, %c0_i32_16 : i32, i32, i32
  }
  func.func @transform_6(%arg0: i32) -> (i32, i32, i32) {
    %jit3A = arith.constant 10 : i32
    %div3A = arith.divsi %arg0, %jit3A : i32
    %sign3A = arith.constant 0 : i32
    %sign3A_0 = arith.cmpi sgt, %arg0, %sign3A : i32
    %sign3A_1 = arith.extui %sign3A_0 : i1 to i32
    %sign3A_2 = arith.constant 0 : i32
    %sign3A_3 = arith.cmpi slt, %arg0, %sign3A_2 : i32
    %sign3A_4 = arith.extui %sign3A_3 : i1 to i32
    %sign3A_5 = arith.subi %sign3A_1, %sign3A_4 : i32
    %sign3A_6 = arith.constant 0 : i32
    %sign3A_7 = arith.cmpi sgt, %jit3A, %sign3A_6 : i32
    %sign3A_8 = arith.extui %sign3A_7 : i1 to i32
    %sign3A_9 = arith.constant 0 : i32
    %sign3A_10 = arith.cmpi slt, %jit3A, %sign3A_9 : i32
    %sign3A_11 = arith.extui %sign3A_10 : i1 to i32
    %sign3A_12 = arith.subi %sign3A_8, %sign3A_11 : i32
    %ne3A = arith.cmpi ne, %sign3A_5, %sign3A_12 : i32
    %rem3A = arith.remsi %arg0, %jit3A : i32
    %ne3A_13 = arith.constant 0 : i32
    %ne3A_14 = arith.cmpi ne, %rem3A, %ne3A_13 : i32
    %and3A = arith.andi %ne3A, %ne3A_14 : i1
    %sub3A = arith.constant 1 : i32
    %sub3A_15 = arith.subi %div3A, %sub3A : i32
    %select_n3A = arith.select %and3A, %sub3A_15, %div3A : i32
    %jit3A_16 = arith.constant 10 : i32
    %eq3A = arith.constant 0 : i32
    %eq3A_17 = arith.cmpi eq, %jit3A_16, %eq3A : i32
    %jit3A_18 = arith.constant 1 : i32
    %select_n3A_19 = arith.select %eq3A_17, %jit3A_18, %jit3A_16 : i32
    %rem3A_20 = arith.remsi %arg0, %select_n3A_19 : i32
    %ne3A_21 = arith.constant 0 : i32
    %ne3A_22 = arith.cmpi ne, %rem3A_20, %ne3A_21 : i32
    %lt3A = arith.constant 0 : i32
    %lt3A_23 = arith.cmpi slt, %rem3A_20, %lt3A : i32
    %lt3A_24 = arith.constant 0 : i32
    %lt3A_25 = arith.cmpi slt, %select_n3A_19, %lt3A_24 : i32
    %ne3A_26 = arith.xori %lt3A_23, %lt3A_25 : i1
    %and3A_27 = arith.andi %ne3A_26, %ne3A_22 : i1
    %add3A = arith.addi %rem3A_20, %select_n3A_19 : i32
    %select_n3A_28 = arith.select %and3A_27, %add3A, %rem3A_20 : i32
    %c0_i32 = arith.constant 0 : i32
    %c0_i32_29 = arith.constant 0 : i32
    return %select_n3A, %select_n3A_28, %c0_i32 : i32, i32, i32
  }
}

</mosaic_0001>

<sc_bundles>
// kernel: seg_cnt.3.cloned.1.call-start
scs
__scs_entry_jumppad:
0x0: {  	(pc) =	sbr.rel $0x88, $3  }
0x1: {  	(tag) =	ssettag $0x0;
	lr =	simm.s32 $0x1  }
0x2: {  	[smem:$0x3F8D] =	sst lr;
	_ =	strace $0xD0000000  }
0x3: {  	_ = 	snop  }
0x4: {  	_ = 	snop  }
0x5: {  	_ = 	snop  }
0x6: {  	_ = 	snop  }
0x7: {  	_ = 	snop  }
__scs_overlays_trampoline_lowered:
0x8: {  	[smem:$0x3F9C] =	sst s0  }
0x9: {  	[smem:$0x3F9D] =	sst s1  }
0xa: {  	[smem:$0x3F9E] =	sst s2  }
0xb: {  	[smem:$0x3F9F] =	sst s3  }
0xc: {  	[smem:$0x3FA0] =	sst s4  }
0xd: {  	[smem:$0x3FA1] =	sst s5  }
0xe: {  	[smem:$0x3FA2] =	sst s6  }
0xf: {  	[smem:$0x3FA3] =	sst s7  }
0x10: {  	[smem:$0x3FA4] =	sst s8  }
0x11: {  	[smem:$0x3FA5] =	sst s9;
	s0 =	simm.s32 @!p0 $0x0  }
0x12: {  	s1 =	sld [smem:$0x3F8B];
	s0 =	simm.s32 @p0 $0x1  }
0x13: {  	[smem:$0x3FA6] =	sst s0;
	s0 =	simm.s32 @!p1 $0x0  }
0x14: {  	s2 =	sld [smem:$0x3F8A];
	s0 =	simm.s32 @p1 $0x1  }
0x15: {  	[smem:$0x3FA7] =	sst s0;
	s0 =	simm.s32 @!p2 $0x0  }
0x16: {  	s3 =	sld [smem:$0x3FDB];
	s0 =	simm.s32 @p2 $0x1  }
0x17: {  	s4 =	simm.s32 $0x1BF5;
	[smem:$0x3FA9] =	sst s0  }
0x18: {  	s0 =	sld [smem:$0x3F8C];
	_ =	swait.ge [sflag:s4], $0x0  }
0x19: {  	s7 =	sld [smem:$0x3F8D]  }
0x1a: {  	s8 =	sadd.s32 $0xFFFFE003, lr  }
0x1b: {  	s9 =	sadd.s32 $0xFFFFFEF7, lr;
	s5 =	simm.s32 $0xFFFFFFFF;
	p2 =	slt.u32 s8, $0xFFFFF086  }
0x1c: {  	p1 =	slt.u32 s9, $0xF7A;
	s5 =	simm.s32 @!p2 $0x0  }
0x1d: {  	s5 =	simm.s32 @p1 $0x1;
	p0 =	seq.s32 s7, s2  }
0x1e: {  	s7 =	smul.u32 @!p0 $0xF7A, s2;
	p2 =	seq.s32 @!p0 s5, $0x0  }
0x1f: {  	s9 =	smul.u32 $0xF7A, s1;
	s8 =	simm.s32 @!p0 $0x1BF5;
	p2 =	por !p2, p0  }
0x20: {  	[sflag:s8] =	ssyncset.s32 @!p0 $0xFFFFF086;
	s6 =	sadd.s32 @!p0 s3, s7;
	s7 =	simm.s32 @!p0 $0x108  }
0x21: {  	s3 =	sadd.s32 s3, s9;
	s6 =	sadd.s32 @!p0 $0x88, s6;
	s7 =	simm.s32 @p2 $0x1082  }
0x22: {  	[simem:s7], [sflag:s8] =	dma.local @!p0 [hbm:s6], $0xF7A  }
0x23: {  	s9 =	sor.u32 $0xD0000000, s2;
	s6 =	simm.s32 $0x108;
	_ =	swait.ge @!p0 [sflag:s8], $0x0  }
0x24: {  	s3 =	sadd.s32 $0x88, s3;
	s6 =	simm.s32 @!p1 $0x1082;
	[sflag:s4] =	ssyncset.s32 $0xFFFFF086  }
0x25: {  	[simem:s6], [sflag:s4] =	dma.local [hbm:s3], $0xF7A  }
0x26: {  	[smem:$0x3F8D] =	sst s1;
	(tag) =	ssettag s2;
	_ =	strace s9  }
0x27: {  	s1 =	sld [smem:$0x3F9D]  }
0x28: {  	s2 =	sld [smem:$0x3F9E]  }
0x29: {  	s4 =	sld [smem:$0x3FA0]  }
0x2a: {  	p0 =	seq.s32 s5, $0x0;
	s5 =	sld [smem:$0x3FA1]  }
0x2b: {  	s6 =	sld [smem:$0x3FA2]  }
0x2c: {  	s7 =	sld [smem:$0x3FA3]  }
0x2d: {  	s3 =	simm.s32 $0x108;
	s8 =	sld [smem:$0x3FA4]  }
0x2e: {  	s3 =	simm.s32 @!p0 $0x1082;
	s9 =	sld [smem:$0x3FA5]  }
0x2f: {  	lr =	sadd.s32 s0, s3;
	s0 =	sld [smem:$0x3F9C]  }
0x30: {  	s3 =	sld [smem:$0x3F9F]  }
0x31: {  	[smem:$0x3FA8] =	sst s10  }
0x32: {  	s10 =	sld [smem:$0x3FA6];
	_ =	sdelay $0x3  }
0x33: {  	p0 =	seq.s32 s10, $0x1;
	s10 =	sld [smem:$0x3FA8];
	_ =	sdelay $0x3  }
0x34: {  	[smem:$0x3FA8] =	sst s10  }
0x35: {  	s10 =	sld [smem:$0x3FA7];
	_ =	sdelay $0x3  }
0x36: {  	p1 =	seq.s32 s10, $0x1;
	s10 =	sld [smem:$0x3FA8];
	_ =	sdelay $0x3  }
0x37: {  	[smem:$0x3FA8] =	sst s10  }
0x38: {  	s10 =	sld [smem:$0x3FA9]  }
0x39: {  	_ = 	snop;
	(pc) =	sbr.ind lr, $3  }
0x3a: {  	_ = 	snop  }
0x3b: {  	_ = 	snop  }
0x3c: {  	p2 =	seq.s32 s10, $0x1;
	s10 =	sld [smem:$0x3FA8]  }
0x3d: {  	_ =	shalt  }
0x3e: {  	_ =	shalt  }
0x3f: {  	_ =	shalt  }
0x40: {  	_ =	shalt  }
0x41: {  	_ =	shalt  }
0x42: {  	_ =	shalt  }
0x43: {  	_ =	shalt  }
0x44: {  	_ =	shalt  }
0x45: {  	_ =	shalt  }
0x46: {  	_ =	shalt  }
0x47: {  	_ =	shalt  }
0x48: {  	_ =	shalt  }
0x49: {  	_ =	shalt  }
0x4a: {  	_ =	shalt  }
0x4b: {  	_ =	shalt  }
0x4c: {  	_ =	shalt  }
0x4d: {  	_ =	shalt  }
0x4e: {  	_ =	shalt  }
0x4f: {  	_ =	shalt  }
0x50: {  	_ =	shalt  }
0x51: {  	_ =	shalt  }
0x52: {  	_ =	shalt  }
0x53: {  	_ =	shalt  }
0x54: {  	_ =	shalt  }
0x55: {  	_ =	shalt  }
0x56: {  	_ =	shalt  }
0x57: {  	_ =	shalt  }
0x58: {  	_ =	shalt  }
0x59: {  	_ =	shalt  }
0x5a: {  	_ =	shalt  }
0x5b: {  	_ =	shalt  }
0x5c: {  	_ =	shalt  }
0x5d: {  	_ =	shalt  }
0x5e: {  	_ =	shalt  }
0x5f: {  	_ =	shalt  }
0x60: {  	_ =	shalt  }
0x61: {  	_ =	shalt  }
0x62: {  	_ =	shalt  }
0x63: {  	_ =	shalt  }
0x64: {  	_ =	shalt  }
0x65: {  	_ =	shalt  }
0x66: {  	_ =	shalt  }
0x67: {  	_ =	shalt  }
0x68: {  	_ =	shalt  }
0x69: {  	_ =	shalt  }
0x6a: {  	_ =	shalt  }
0x6b: {  	_ =	shalt  }
0x6c: {  	_ =	shalt  }
0x6d: {  	_ =	shalt  }
0x6e: {  	_ =	shalt  }
0x6f: {  	_ =	shalt  }
0x70: {  	_ =	shalt  }
0x71: {  	_ =	shalt  }
0x72: {  	_ =	shalt  }
0x73: {  	_ =	shalt  }
0x74: {  	_ =	shalt  }
0x75: {  	_ =	shalt  }
0x76: {  	_ =	shalt  }
0x77: {  	_ =	shalt  }
0x78: {  	_ =	shalt  }
0x79: {  	_ =	shalt  }
0x7a: {  	_ =	shalt  }
0x7b: {  	_ =	shalt  }
0x7c: {  	_ =	shalt  }
0x7d: {  	_ =	shalt  }
0x7e: {  	_ =	shalt  }
0x7f: {  	_ =	shalt  }
0x80: {  	_ =	shalt  }
0x81: {  	_ =	shalt  }
0x82: {  	_ =	shalt  }
0x83: {  	_ =	shalt  }
0x84: {  	_ =	shalt  }
0x85: {  	_ =	shalt  }
0x86: {  	_ =	shalt  }
0x87: {  	_ =	shalt  }
.Lfunc_end0:
.L_simem_size_0:
called_computation_lowered:
.L_overlay_start_0:
0x88: {  	s2 =	sld [smem:$0x3FD9]  }
0x89: {  	s3 =	sld [smem:$0x3FFE];
	_ =	sdelay $0x1  }
0x8a: {  	s1 =	srdreg.scid  }
0x8b: {  	s0 =	sand.u32 $0x1, s1  }
0x8c: {  	s14 =	sshll.u32 s0, $0xA;
	s2 =	sadd.s32 s3, s2  }
0x8d: {  	s2 =	sadd.s32 s2, s14  }
0x8e: {  	[smem:$0x3FB4] =	sst s2  }
0x8f: {  	_ = 	snop  }
0x90: {  	s2 =	sld [smem:$0x3FD0];
	_ =	sdelay $0x2  }
0x91: {  	s15 =	simm.s32 $0xB;
	s4 =	simm.s32 $0x10  }
0x92: {  	[smem:s4], [sflag:s15] =	dma.local [hbm:s2], $0x1  }
0x93: {  	_ =	swait.eq [sflag:s15], $0x1  }
0x94: {  	[sflag:s15] =	ssyncset.done $0x0  }
0x95: {  	[sflag:s15] =	ssyncadd.s32 $0xFFFFFFFF  }
0x96: {  	s16 =	sld [smem:$0x11];
	(tm) =	ssettm $0x1  }
0x97: {  	s17 =	sld [smem:$0x3FFB];
	_ =	sdelay $0x3  }
0x98: {  	_ =	strace s17  }
0x99: {  	s3 =	sld [smem:$0x3FFC];
	_ =	sdelay $0x3  }
0x9a: {  	_ =	strace s3  }
0x9b: {  	s3 =	sld [smem:$0x3FFD];
	_ =	sdelay $0x3  }
0x9c: {  	_ =	strace s3  }
0x9d: {  	_ =	strace $0x8FFFFFFF  }
0x9e: {  	s18 =	sld [smem:$0x3FDB];
	_ =	sdelay $0x1  }
0x9f: {  	s19 =	simm.s32 $_scs_section_size  }
0xa0: {  	s5 =	simm.s32 $_size__tile_overlayer_lowered;
	s6 =	simm.s32 $_tile_overlayer_lowered  }
0xa1: {  	s22 =	simm.s32 $0x1BFF;
	s21 =	sshll.u32 s6, $0x1;
	s3 =	sadd.s32 s19, s18  }
0xa2: {  	s7 =	simm.s32 $0x0;
	s20 =	sshll.u32 s5, $0x1;
	s5 =	sadd.s32 s21, s3  }
0xa3: {  	[timem:s7], [sflag:s22] =	dma.local [hbm:s5], s20  }
0xa4: {  	_ =	swait.ge [sflag:s22], s20  }
0xa5: {  	s4 =	ssub.s32 $0x0, s20;
	[sflag:s22] =	ssyncset.done $0x0  }
0xa6: {  	[sflag:s22] =	ssyncadd.s32 s4;
	_ =	sdelay $0x1  }
0xa7: {  	s23 =	simm.s32 $0x1B8B  }
0xa8: {  	_ =	swait.ge [sflag:s23], $0x1  }
0xa9: {  	[sflag:s23] =	ssyncset.done $0x0  }
0xaa: {  	s25 =	simm.s32 $0x1B8E;
	s24 =	sld [smem:$0x3FFE];
	[sflag:s23] =	ssyncadd.s32 $0xFFFFFFFF  }
0xab: {  	s26 =	simm.s32 $execute0_lowered;
	[smem:$0x3FD2] =	sst s25  }
0xac: {  	s5 =	sshll.u32 s26, $0x1;
	_ =	strace $0x80000046;
	[dreg:$0x1] =	wrdreg $0xFFFFFFFF  }
0xad: {  	s28 =	simm.s32 $_size_execute0_lowered;
	s3 =	sadd.s32 s3, s5;
	[dreg:$0x0] =	wrdreg $0x0  }
0xae: {  	s5 =	sshll.u32 s28, $0x1;
	[dreg:$0x2] =	wrdreg s3  }
0xaf: {  	[dreg:$0x3] =	wrdreg s5  }
0xb0: {  	[dreg:$0x4] =	wrdreg $0xC0  }
0xb1: {  	_ =	task [dreg:s7], $0x5FFFF  }
0xb2: {  	[dreg:$0x1] =	wrdreg $0xFFFFFFFF  }
0xb3: {  	[dreg:$0x0] =	wrdreg $0x60  }
0xb4: {  	[dreg:$0x2] =	wrdreg s16  }
0xb5: {  	[dreg:$0x3] =	wrdreg s24  }
0xb6: {  	[dreg:$0x4] =	wrdreg $0x7B200  }
0xb7: {  	[dreg:$0x5] =	wrdreg $0x9  }
0xb8: {  	_ =	task.clear_ibuf [dreg:s7], $0x6FFFF;
	_ =	strace $0x90000046  }
0xb9: {  	s29 =	simm.s32 $0x9;
	_ =	strace $0x80000048  }
0xba: {  	_ =	swait.ge [sflag:s29], $0x1  }
0xbb: {  	[sflag:s29] =	ssyncadd.s32 $0xFFFFFFFF  }
0xbc: {  	_ =	strace $0x90000048  }
0xbd: {  	_ =	sfence  }
0xbe: {  	s30 =	sld [smem:$0x0];
	_ =	sdelay $0x2  }
0xbf: {  	s31 =	sshll.u32 s1, $0xD;
	s1 =	sshrl.u32 s1, $0x2  }
0xc0: {  	s3 =	sand.u32 $0x4000, s31;
	s1 =	sadd.s32 s1, s30  }
0xc1: {  	s0 =	sor.u32 s3, s0;
	s1 =	sshll.u32 s1, $0x11  }
0xc2: {  	s0 =	sor.u32 s1, s0  }
0xc3: {  	s0 =	sadd.s32 $0x8F2B, s0  }
0xc4: {  	[sflag:s0] =	ssyncadd.remote.s32 $0x1  }
0xc5: {  	_ =	sfence.sel $0xFFFF  }
0xc6: {  	[dreg:$0x0] =	wrdreg $0xFFFFFFFF;
	(pc) =	sbr.abs _section_cstart, $3  }
0xc7: {  	[dreg:$0x1] =	wrdreg $0xFFFFFFFF  }
0xc8: {  	_ =	task.clear_ibuf [dreg:s7], $0x2FFFF;
	_ =	strace $0x9FFFFFFF  }
0xc9: {  	(tm) =	ssettm $0x7FFFFFFF  }
tec
execute0_lowered:
.L_overlay_start_1:
0x0: {  	(tag) =	ssettag $0x1  }
0x1: {  	s5 =	rddreg [dreg:$0x0];
	s1 =	srdreg.scid  }
0x2: {  	s0 =	stileid.u32;
	s4 =	rddreg [dreg:$0x1]  }
0x3: {  	s2 =	rddreg [dreg:$0x2];
	s7 =	smul.u32 $0x2800, s0  }
0x4: {  	s3 =	simm.s32 $0x0;
	s6 =	sand.u32 $0x1, s1;
	s10 =	smul.u32 $0x4E20, s0  }
0x5: {  	s11 =	simm.s32 $0x4E20;
	s1 =	rddreg [dreg:$0x3];
	s8 =	smul.u32 $0x28000, s6  }
0x6: {  	[smem:$0x7FF] =	sst s3;
	s12 =	sshll.u32 s0, $0x6;
	s9 =	smul.u32 $0x4E200, s6  }
0x7: {  	_ =	strace $0x80000047;
	s6 =	ssub.s32 $0x2, s6;
	s12 =	sor.u32 $0x1C01, s12  }
0x8: {  	s30 =	sshrl.u32 s6, $0x1;
	s8 =	sadd.s32 s7, s8;
	s9 =	sadd.s32 s10, s9  }
0x9: {  	s31 =	ssub.s32 s6, s30;
	s10 =	simm.s32 $0x50;
	s8 =	sshrl.u32 s8, $0x3  }
0xa: {  	s9 =	sshrl.u32 s9, $0x3;
	s8 =	sadd.s32 s8, s4;
	s4 =	sadd.s32 s7, s2  }
0xb: {  	s5 =	sadd.s32 s5, s9;
	s7 =	smax.u32 s31, $0x1;
	s9 =	simm.s32 $0x1  }
0xc: {  	v0 =	vimm.f32 $1.000000000e+00;
	v1 =	vimm.f32 $0.0e+00;
	s6 =	sadd.s32 $0x5400, s8;
	s8 =	simm.s32 $0x5320;
	s13 =	sshrl.u32 s4, $0x3  }
.LBB2_1:
0xd: {  	s14 =	simm.s32 $0x0  }
.LBB2_2:
0xe: {  	p0 =	sne.s32 s14, $0x13C0  }
.Ltmp0:
0xf: {  	_ = 	snop;
	(pc) =	sbr.rel @p0 .LBB2_2-.Ltmp0, $3  }
0x10: {  	_ =	sdelay $0x1  }
0x11: {  	s15 =	sshra.s32 s14, $0x2  }
0x12: {  	s14 =	sadd.s32 $0x40, s14;
	[tilespmem:s15+$0x4E20] =	vst v0  }
0x13: {  	s14 =	simm.s32 $0x40;
	s15 =	simm.s32 $0x0  }
.LBB2_4:
0x14: {  	p0 =	sne.s32 s14, $0x9FC0;
	[tilespmem:s15+$0x5320] =	vst v1;
	s15 =	smov.u32 s14;
	s14 =	sadd.s32 $0x40, s14  }
.Ltmp1:
0x15: {  	(pc) =	sbr.rel @p0 .LBB2_4-.Ltmp1, $2  }
0x16: {  	_ =	sdelay $0x2  }
0x17: {  	s15 =	sshra.s32 s15, $0x2  }
0x18: {  	[tilespmem:s15+$0x5320] =	vst v1  }
0x19: {  	[spmem:s4] =	stream.linear.scatter [tilespmem:s8], [sflag:$0x1], $0x2800, $0x38;
	[tilespmem:$0xA320] =	vst v63  }
0x1a: {  	_ =	swait.ge [sflag:s9], $0x2800  }
0x1b: {  	[sflag:s9] =	ssyncset.done $0x0  }
0x1c: {  	[sflag:s9] =	ssyncadd.s32 $0xFFFFD800  }
0x1d: {  	s14 =	simm.s32 $0x0;
	[bflag:$0x0] =	sbarrier.arrive $0xFFFF  }
0x1e: {  	[tilespmem:s14], [sflag:$0x1] =	stream.linear.gather [hbm4b:s5+s14], $0x4E20, $0x38;
	[tilespmem:$0xA320] =	vst v63  }
0x1f: {  	_ =	swait.ge [sflag:s9], $0x4E20  }
0x20: {  	[sflag:s9] =	ssyncset.done $0x0  }
0x21: {  	s31 =	simm.s32 $0x0;
	[sflag:s9] =	ssyncadd.s32 $0xFFFFB1E0  }
0x22: {  	[spmem:s2] =	stream.indirect.scatter.add.f32 [tilespmem:s11], [sflag:$0x1], $0x10, s31, s10, $0xb8;
	[tilespmem:$0xA320] =	vst v63  }
0x23: {  	_ =	swait.ge [sflag:s9], $0x500  }
0x24: {  	s14 =	simm.s32 $0x140;
	[sflag:s9] =	ssyncset.done $0x0  }
.LBB2_6:
0x25: {  	s15 =	sshra.s32 s14, $0x2;
	[sflag:s9] =	ssyncadd.s32 $0xFFFFFB00;
	p0 =	sne.s32 s14, $0x13740  }
0x26: {  	[spmem:s2] =	stream.indirect.scatter.add.f32 [tilespmem:s11], [sflag:$0x1], $0x10, s15, s10, $0xb8;
	[tilespmem:$0xA320] =	vst v63  }
.Ltmp2:
0x27: {  	_ = 	snop;
	(pc) =	sbr.rel @p0 .LBB2_6-.Ltmp2, $4  }
0x28: {  	_ = 	snop  }
0x29: {  	s14 =	sadd.s32 $0x140, s14  }
0x2a: {  	_ =	swait.ge [sflag:s9], $0x500  }
0x2b: {  	[sflag:s9] =	ssyncset.done $0x0  }
0x2c: {  	s3 =	sadd.s32 $0x1, s3  }
0x2d: {  	[sflag:s9] =	ssyncadd.s32 $0xFFFFFB00;
	p0 =	sne.s32 s3, s7  }
.Ltmp3:
0x2e: {  	[bflag:$0x0] =	sbarrier.arrive $0xFFFF;
	(pc) =	sbr.rel @p0 .LBB2_1-.Ltmp3, $4  }
0x2f: {  	[hbm:s6], [sflag:s12] =	dma.local [spmem:s13], $0x500  }
0x30: {  	_ =	swait.ge [sflag:s9], $0x500  }
0x31: {  	[sflag:s9] =	ssyncset.done $0x0  }
0x32: {  	[sflag:s9] =	ssyncadd.s32 $0xFFFFFB00  }
0x33: {  	_ =	sfence.sel $0x180000  }
0x34: {  	[bflag:$0x0] =	sbarrier.arrive $0xFFFF  }
0x35: {  	p0 =	sne.s32 s0, $0x0;
	_ =	strace $0x90000047  }
0x36: {  	s0 =	sadd.s32 @!p0 $0x100000, s1;
	[bflag:$0x2] =	sbarrier.arrive $0xFFFF  }
0x37: {  	[sflag:s0] =	ssyncadd.tile.s32 @!p0 $0x1;
	_ =	shalt  }
.Lfunc_end2:
_tile_overlayer_lowered:
.L_overlay_start_2:
0x38: {  	(tag) =	ssettag $0x2  }
0x39: {  	s0 =	rddreg [dreg:$0x0];
	s2 =	stileid.u32  }
0x3a: {  	s1 =	rddreg [dreg:$0x1];
	p0 =	sne.s32 s2, $0x0  }
0x3b: {  	s3 =	rddreg [dreg:$0x2];
	[bflag:$0x3] =	sbarrier.arrive $0xFFFF;
	s2 =	simm.s32 @!p0 $0x1C01  }
0x3c: {  	[timem:s3], [sflag:s2] =	dma.local @!p0 [hbm:s0], s1  }
0x3d: {  	s0 =	simm.s32 @!p0 $0x1  }
0x3e: {  	_ =	swait.ge @!p0 [sflag:s0], s1  }
0x3f: {  	s1 =	ssub.s32 @!p0 $0x0, s1;
	[sflag:s0] =	ssyncset.done @!p0 $0x0  }
0x40: {  	[sflag:s0] =	ssyncadd.s32 @!p0 s1  }
0x41: {  	[bflag:$0x3] =	sbarrier.arrive $0xFFFF  }
0x42: {  	_ =	shalt  }

// kernel: seg_sum.4.cloned.1.call-start
scs
__scs_entry_jumppad:
0x0: {  	(pc) =	sbr.rel $0x88, $3  }
0x1: {  	(tag) =	ssettag $0x0;
	lr =	simm.s32 $0x1  }
0x2: {  	[smem:$0x3F8D] =	sst lr;
	_ =	strace $0xD0000000  }
0x3: {  	_ = 	snop  }
0x4: {  	_ = 	snop  }
0x5: {  	_ = 	snop  }
0x6: {  	_ = 	snop  }
0x7: {  	_ = 	snop  }
__scs_overlays_trampoline_lowered:
0x8: {  	[smem:$0x3F9C] =	sst s0  }
0x9: {  	[smem:$0x3F9D] =	sst s1  }
0xa: {  	[smem:$0x3F9E] =	sst s2  }
0xb: {  	[smem:$0x3F9F] =	sst s3  }
0xc: {  	[smem:$0x3FA0] =	sst s4  }
0xd: {  	[smem:$0x3FA1] =	sst s5  }
0xe: {  	[smem:$0x3FA2] =	sst s6  }
0xf: {  	[smem:$0x3FA3] =	sst s7  }
0x10: {  	[smem:$0x3FA4] =	sst s8  }
0x11: {  	[smem:$0x3FA5] =	sst s9;
	s0 =	simm.s32 @!p0 $0x0  }
0x12: {  	s1 =	sld [smem:$0x3F8B];
	s0 =	simm.s32 @p0 $0x1  }
0x13: {  	[smem:$0x3FA6] =	sst s0;
	s0 =	simm.s32 @!p1 $0x0  }
0x14: {  	s2 =	sld [smem:$0x3F8A];
	s0 =	simm.s32 @p1 $0x1  }
0x15: {  	[smem:$0x3FA7] =	sst s0;
	s0 =	simm.s32 @!p2 $0x0  }
0x16: {  	s3 =	sld [smem:$0x3FDB];
	s0 =	simm.s32 @p2 $0x1  }
0x17: {  	s4 =	simm.s32 $0x1BF5;
	[smem:$0x3FA9] =	sst s0  }
0x18: {  	s0 =	sld [smem:$0x3F8C];
	_ =	swait.ge [sflag:s4], $0x0  }
0x19: {  	s7 =	sld [smem:$0x3F8D]  }
0x1a: {  	s8 =	sadd.s32 $0xFFFFE003, lr  }
0x1b: {  	s9 =	sadd.s32 $0xFFFFFEF7, lr;
	s5 =	simm.s32 $0xFFFFFFFF;
	p2 =	slt.u32 s8, $0xFFFFF086  }
0x1c: {  	p1 =	slt.u32 s9, $0xF7A;
	s5 =	simm.s32 @!p2 $0x0  }
0x1d: {  	s5 =	simm.s32 @p1 $0x1;
	p0 =	seq.s32 s7, s2  }
0x1e: {  	s7 =	smul.u32 @!p0 $0xF7A, s2;
	p2 =	seq.s32 @!p0 s5, $0x0  }
0x1f: {  	s9 =	smul.u32 $0xF7A, s1;
	s8 =	simm.s32 @!p0 $0x1BF5;
	p2 =	por !p2, p0  }
0x20: {  	[sflag:s8] =	ssyncset.s32 @!p0 $0xFFFFF086;
	s6 =	sadd.s32 @!p0 s3, s7;
	s7 =	simm.s32 @!p0 $0x108  }
0x21: {  	s3 =	sadd.s32 s3, s9;
	s6 =	sadd.s32 @!p0 $0x88, s6;
	s7 =	simm.s32 @p2 $0x1082  }
0x22: {  	[simem:s7], [sflag:s8] =	dma.local @!p0 [hbm:s6], $0xF7A  }
0x23: {  	s9 =	sor.u32 $0xD0000000, s2;
	s6 =	simm.s32 $0x108;
	_ =	swait.ge @!p0 [sflag:s8], $0x0  }
0x24: {  	s3 =	sadd.s32 $0x88, s3;
	s6 =	simm.s32 @!p1 $0x1082;
	[sflag:s4] =	ssyncset.s32 $0xFFFFF086  }
0x25: {  	[simem:s6], [sflag:s4] =	dma.local [hbm:s3], $0xF7A  }
0x26: {  	[smem:$0x3F8D] =	sst s1;
	(tag) =	ssettag s2;
	_ =	strace s9  }
0x27: {  	s1 =	sld [smem:$0x3F9D]  }
0x28: {  	s2 =	sld [smem:$0x3F9E]  }
0x29: {  	s4 =	sld [smem:$0x3FA0]  }
0x2a: {  	p0 =	seq.s32 s5, $0x0;
	s5 =	sld [smem:$0x3FA1]  }
0x2b: {  	s6 =	sld [smem:$0x3FA2]  }
0x2c: {  	s7 =	sld [smem:$0x3FA3]  }
0x2d: {  	s3 =	simm.s32 $0x108;
	s8 =	sld [smem:$0x3FA4]  }
0x2e: {  	s3 =	simm.s32 @!p0 $0x1082;
	s9 =	sld [smem:$0x3FA5]  }
0x2f: {  	lr =	sadd.s32 s0, s3;
	s0 =	sld [smem:$0x3F9C]  }
0x30: {  	s3 =	sld [smem:$0x3F9F]  }
0x31: {  	[smem:$0x3FA8] =	sst s10  }
0x32: {  	s10 =	sld [smem:$0x3FA6];
	_ =	sdelay $0x3  }
0x33: {  	p0 =	seq.s32 s10, $0x1;
	s10 =	sld [smem:$0x3FA8];
	_ =	sdelay $0x3  }
0x34: {  	[smem:$0x3FA8] =	sst s10  }
0x35: {  	s10 =	sld [smem:$0x3FA7];
	_ =	sdelay $0x3  }
0x36: {  	p1 =	seq.s32 s10, $0x1;
	s10 =	sld [smem:$0x3FA8];
	_ =	sdelay $0x3  }
0x37: {  	[smem:$0x3FA8] =	sst s10  }
0x38: {  	s10 =	sld [smem:$0x3FA9]  }
0x39: {  	_ = 	snop;
	(pc) =	sbr.ind lr, $3  }
0x3a: {  	_ = 	snop  }
0x3b: {  	_ = 	snop  }
0x3c: {  	p2 =	seq.s32 s10, $0x1;
	s10 =	sld [smem:$0x3FA8]  }
0x3d: {  	_ =	shalt  }
0x3e: {  	_ =	shalt  }
0x3f: {  	_ =	shalt  }
0x40: {  	_ =	shalt  }
0x41: {  	_ =	shalt  }
0x42: {  	_ =	shalt  }
0x43: {  	_ =	shalt  }
0x44: {  	_ =	shalt  }
0x45: {  	_ =	shalt  }
0x46: {  	_ =	shalt  }
0x47: {  	_ =	shalt  }
0x48: {  	_ =	shalt  }
0x49: {  	_ =	shalt  }
0x4a: {  	_ =	shalt  }
0x4b: {  	_ =	shalt  }
0x4c: {  	_ =	shalt  }
0x4d: {  	_ =	shalt  }
0x4e: {  	_ =	shalt  }
0x4f: {  	_ =	shalt  }
0x50: {  	_ =	shalt  }
0x51: {  	_ =	shalt  }
0x52: {  	_ =	shalt  }
0x53: {  	_ =	shalt  }
0x54: {  	_ =	shalt  }
0x55: {  	_ =	shalt  }
0x56: {  	_ =	shalt  }
0x57: {  	_ =	shalt  }
0x58: {  	_ =	shalt  }
0x59: {  	_ =	shalt  }
0x5a: {  	_ =	shalt  }
0x5b: {  	_ =	shalt  }
0x5c: {  	_ =	shalt  }
0x5d: {  	_ =	shalt  }
0x5e: {  	_ =	shalt  }
0x5f: {  	_ =	shalt  }
0x60: {  	_ =	shalt  }
0x61: {  	_ =	shalt  }
0x62: {  	_ =	shalt  }
0x63: {  	_ =	shalt  }
0x64: {  	_ =	shalt  }
0x65: {  	_ =	shalt  }
0x66: {  	_ =	shalt  }
0x67: {  	_ =	shalt  }
0x68: {  	_ =	shalt  }
0x69: {  	_ =	shalt  }
0x6a: {  	_ =	shalt  }
0x6b: {  	_ =	shalt  }
0x6c: {  	_ =	shalt  }
0x6d: {  	_ =	shalt  }
0x6e: {  	_ =	shalt  }
0x6f: {  	_ =	shalt  }
0x70: {  	_ =	shalt  }
0x71: {  	_ =	shalt  }
0x72: {  	_ =	shalt  }
0x73: {  	_ =	shalt  }
0x74: {  	_ =	shalt  }
0x75: {  	_ =	shalt  }
0x76: {  	_ =	shalt  }
0x77: {  	_ =	shalt  }
0x78: {  	_ =	shalt  }
0x79: {  	_ =	shalt  }
0x7a: {  	_ =	shalt  }
0x7b: {  	_ =	shalt  }
0x7c: {  	_ =	shalt  }
0x7d: {  	_ =	shalt  }
0x7e: {  	_ =	shalt  }
0x7f: {  	_ =	shalt  }
0x80: {  	_ =	shalt  }
0x81: {  	_ =	shalt  }
0x82: {  	_ =	shalt  }
0x83: {  	_ =	shalt  }
0x84: {  	_ =	shalt  }
0x85: {  	_ =	shalt  }
0x86: {  	_ =	shalt  }
0x87: {  	_ =	shalt  }
.Lfunc_end0:
.L_simem_size_0:
called_computation.1_lowered:
.L_overlay_start_0:
0x88: {  	s2 =	sld [smem:$0x3FD9]  }
0x89: {  	s3 =	sld [smem:$0x3FFE];
	_ =	sdelay $0x1  }
0x8a: {  	s1 =	srdreg.scid  }
0x8b: {  	s0 =	sand.u32 $0x1, s1  }
0x8c: {  	s15 =	sshll.u32 s0, $0xA;
	s2 =	sadd.s32 s3, s2  }
0x8d: {  	s2 =	sadd.s32 s2, s15  }
0x8e: {  	[smem:$0x3FB4] =	sst s2  }
0x8f: {  	_ = 	snop  }
0x90: {  	s2 =	sld [smem:$0x3FD0];
	_ =	sdelay $0x2  }
0x91: {  	s4 =	simm.s32 $0xB;
	s16 =	simm.s32 $0x10  }
0x92: {  	[smem:s16], [sflag:s4] =	dma.local [hbm:s2], $0x1  }
0x93: {  	_ =	swait.eq [sflag:s4], $0x1  }
0x94: {  	[sflag:s4] =	ssyncset.done $0x0  }
0x95: {  	s17 =	sld [smem:$0x10];
	[sflag:s4] =	ssyncadd.s32 $0xFFFFFFFF  }
0x96: {  	s18 =	sld [smem:$0x11];
	(tm) =	ssettm $0x1  }
0x97: {  	s19 =	sld [smem:$0x3FFB];
	_ =	sdelay $0x3  }
0x98: {  	_ =	strace s19  }
0x99: {  	s2 =	sld [smem:$0x3FFC];
	_ =	sdelay $0x3  }
0x9a: {  	_ =	strace s2  }
0x9b: {  	s2 =	sld [smem:$0x3FFD];
	_ =	sdelay $0x3  }
0x9c: {  	_ =	strace s2  }
0x9d: {  	_ =	strace $0x8FFFFFFF  }
0x9e: {  	s20 =	sld [smem:$0x3FDB];
	_ =	sdelay $0x1  }
0x9f: {  	s5 =	simm.s32 $_scs_section_size  }
0xa0: {  	s6 =	simm.s32 $_size__tile_overlayer_lowered;
	s7 =	simm.s32 $_tile_overlayer_lowered  }
0xa1: {  	s8 =	simm.s32 $0x1BFF;
	s21 =	sshll.u32 s7, $0x1;
	s5 =	sadd.s32 s5, s20  }
0xa2: {  	s22 =	simm.s32 $0x0;
	s6 =	sshll.u32 s6, $0x1;
	s7 =	sadd.s32 s21, s5  }
0xa3: {  	[timem:s22], [sflag:s8] =	dma.local [hbm:s7], s6  }
0xa4: {  	_ =	swait.ge [sflag:s8], s6  }
0xa5: {  	s6 =	ssub.s32 $0x0, s6;
	[sflag:s8] =	ssyncset.done $0x0  }
0xa6: {  	[sflag:s8] =	ssyncadd.s32 s6;
	_ =	sdelay $0x1  }
0xa7: {  	s23 =	simm.s32 $0x1B8B  }
0xa8: {  	_ =	swait.ge [sflag:s23], $0x1  }
0xa9: {  	[sflag:s23] =	ssyncset.done $0x0  }
0xaa: {  	[sflag:s23] =	ssyncadd.s32 $0xFFFFFFFF  }
0xab: {  	s6 =	sld [smem:$0x0]  }
0xac: {  	s7 =	sand.u32 $0xFFFFFFFE, s1  }
0xad: {  	p0 =	sne.s32 s1, s7  }
0xae: {  	s7 =	sshll.u32 @p0 s7, $0xE  }
0xaf: {  	s7 =	sadd.s32 @p0 $0x11B8D, s7;
	s8 =	sshll.u32 @p0 s6, $0x11  }
0xb0: {  	s7 =	sor.u32 @p0 s8, s7  }
0xb1: {  	[sflag:s7] =	ssyncadd.remote.s32 @p0 $0x1;
	_ =	sdelay $0x1  }
0xb2: {  	s7 =	simm.s32 @p0 $0x1B8D  }
0xb3: {  	_ =	swait.eq @p0 [sflag:s7], $0x1  }
0xb4: {  	[sflag:s7] =	ssyncadd.s32 @p0 $0xFFFFFFFF  }
0xb5: {  	s8 =	sshll.u32 @!p0 s1, $0xE  }
0xb6: {  	s8 =	sor.u32 @!p0 $0x4000, s8;
	s7 =	simm.s32 @!p0 $0x1B8D  }
0xb7: {  	s6 =	sshll.u32 @!p0 s6, $0x11;
	s8 =	sadd.s32 @!p0 $0x11B8D, s8;
	_ =	swait.eq @!p0 [sflag:s7], $0x1  }
0xb8: {  	s6 =	sor.u32 @!p0 s6, s8;
	[sflag:s7] =	ssyncadd.s32 @!p0 $0xFFFFFFFF  }
0xb9: {  	s25 =	simm.s32 $0x1B8E;
	s24 =	sld [smem:$0x3FFE];
	[sflag:s6] =	ssyncadd.remote.s32 @!p0 $0x1  }
0xba: {  	s26 =	simm.s32 $execute0_lowered;
	[smem:$0x3FD2] =	sst s25  }
0xbb: {  	s7 =	sshll.u32 s26, $0x1;
	_ =	strace $0x80000049;
	[dreg:$0x1] =	wrdreg $0xFFFFFFFF  }
0xbc: {  	s28 =	simm.s32 $_size_execute0_lowered;
	s5 =	sadd.s32 s5, s7;
	[dreg:$0x0] =	wrdreg $0x0  }
0xbd: {  	s7 =	sshll.u32 s28, $0x1;
	[dreg:$0x2] =	wrdreg s5  }
0xbe: {  	[dreg:$0x3] =	wrdreg s7  }
0xbf: {  	[dreg:$0x4] =	wrdreg $0xC0  }
0xc0: {  	_ =	task [dreg:s22], $0x5FFFF  }
0xc1: {  	[dreg:$0x1] =	wrdreg $0xFFFFFFFF  }
0xc2: {  	[dreg:$0x0] =	wrdreg $0x60  }
0xc3: {  	[dreg:$0x2] =	wrdreg s24  }
0xc4: {  	[dreg:$0x3] =	wrdreg s17  }
0xc5: {  	[dreg:$0x4] =	wrdreg s18  }
0xc6: {  	[dreg:$0x5] =	wrdreg $0xAF400  }
0xc7: {  	[dreg:$0x6] =	wrdreg $0xA  }
0xc8: {  	_ =	task.clear_ibuf [dreg:s22], $0x7FFFF;
	_ =	strace $0x90000049  }
0xc9: {  	s29 =	simm.s32 $0xA;
	_ =	strace $0x8000004B  }
0xca: {  	_ =	swait.ge [sflag:s29], $0x1  }
0xcb: {  	[sflag:s29] =	ssyncadd.s32 $0xFFFFFFFF  }
0xcc: {  	_ =	strace $0x9000004B  }
0xcd: {  	_ =	sfence  }
0xce: {  	s30 =	sld [smem:$0x0];
	_ =	sdelay $0x2  }
0xcf: {  	s31 =	sshll.u32 s1, $0xD;
	s1 =	sshrl.u32 s1, $0x2  }
0xd0: {  	s4 =	sand.u32 $0x4000, s31;
	s1 =	sadd.s32 s1, s30  }
0xd1: {  	s0 =	sor.u32 s4, s0;
	s1 =	sshll.u32 s1, $0x11  }
0xd2: {  	s0 =	sor.u32 s1, s0  }
0xd3: {  	s0 =	sadd.s32 $0x8F2B, s0  }
0xd4: {  	[sflag:s0] =	ssyncadd.remote.s32 $0x1  }
0xd5: {  	_ =	sfence.sel $0xFFFF  }
0xd6: {  	[dreg:$0x0] =	wrdreg $0xFFFFFFFF;
	(pc) =	sbr.abs _section_cstart, $3  }
0xd7: {  	[dreg:$0x1] =	wrdreg $0xFFFFFFFF  }
0xd8: {  	_ =	task.clear_ibuf [dreg:s22], $0x2FFFF;
	_ =	strace $0x9FFFFFFF  }
0xd9: {  	(tm) =	ssettm $0x7FFFFFFF  }
tec
execute0_lowered:
.L_overlay_start_1:
0x0: {  	(tag) =	ssettag $0x1  }
0x1: {  	s6 =	rddreg [dreg:$0x0]  }
0x2: {  	s1 =	rddreg [dreg:$0x1]  }
0x3: {  	s2 =	srdreg.scid;
	s3 =	rddreg [dreg:$0x2]  }
0x4: {  	s0 =	stileid.u32;
	s4 =	rddreg [dreg:$0x3];
	s5 =	simm.s32 $0x0  }
0x5: {  	s16 =	simm.s32 $0x3;
	s17 =	simm.s32 $0xFA0;
	s18 =	simm.s32 $0x50  }
0x6: {  	s19 =	simm.s32 $0x1F40;
	s20 =	simm.s32 $0x4740;
	s8 =	smul.u32 $0x14000, s0  }
0x7: {  	s21 =	simm.s32 $0x2;
	s22 =	simm.s32 $0x1;
	s11 =	smul.u32 $0x50000, s0  }
0x8: {  	s23 =	simm.s32 $0xF00;
	s7 =	sand.u32 $0x1, s2;
	s15 =	smul.u32 $0x4E20, s0  }
0x9: {  	s24 =	simm.s32 $0xF50;
	s25 =	simm.s32 $0x1EA0;
	s9 =	smul.u32 $0x140000, s7  }
0xa: {  	s26 =	simm.s32 $0x1EF0;
	[smem:$0x7FF] =	sst s5;
	s10 =	smul.u32 $0x28000, s7  }
0xb: {  	_ =	strace $0x8000004A;
	s28 =	ssub.s32 $0x2, s7;
	s31 =	smul.u32 $0x4E200, s7  }
0xc: {  	s29 =	sshrl.u32 s28, $0x1;
	s30 =	sshrl.u32 s11, $0x2;
	s9 =	sadd.s32 s8, s9  }
0xd: {  	s12 =	sadd.s32 s10, s6;
	s14 =	ssub.s32 s28, s29;
	s10 =	sadd.s32 s30, s4  }
0xe: {  	s11 =	sadd.s32 s15, s31;
	s15 =	simm.s32 $0x6F40;
	s9 =	sshrl.u32 s9, $0x3  }
0xf: {  	s7 =	sadd.s32 $0x4000, s10;
	s12 =	sadd.s32 $0xF400, s12;
	s14 =	smax.u32 s14, $0x1  }
0x10: {  	s13 =	sadd.s32 s9, s6;
	s6 =	sadd.s32 s8, s4;
	s8 =	sadd.s32 $0x8000, s10  }
0x11: {  	v0 =	vimm.f32 $0.0e+00;
	s9 =	sadd.s32 $0xC000, s10;
	s10 =	sadd.s32 $0x10000, s10;
	s13 =	sadd.s32 $0x5F400, s13  }
.LBB2_1:
0x12: {  	s28 =	simm.s32 $0x0;
	s29 =	simm.s32 $0x200  }
.LBB2_2:
0x13: {  	p0 =	sne.s32 s29, $0xFE00;
	[tilespmem:s28+$0x6FB0] =	vst v0  }
0x14: {  	[tilespmem:s28+$0x6F40] =	vst v0  }
0x15: {  	[tilespmem:s28+$0x6F50] =	vst v0  }
.Ltmp0:
0x16: {  	[tilespmem:s28+$0x6F60] =	vst v0;
	(pc) =	sbr.rel @p0 .LBB2_2-.Ltmp0, $4  }
0x17: {  	[tilespmem:s28+$0x6F70] =	vst v0  }
0x18: {  	[tilespmem:s28+$0x6F80] =	vst v0  }
0x19: {  	[tilespmem:s28+$0x6F90] =	vst v0  }
0x1a: {  	[tilespmem:s28+$0x6FA0] =	vst v0;
	s28 =	sshra.s32 s29, $0x2;
	s29 =	sadd.s32 $0x200, s29  }
0x1b: {  	[tilespmem:s28+$0x6FB0] =	vst v0  }
0x1c: {  	[tilespmem:s28+$0x6F40] =	vst v0  }
0x1d: {  	[tilespmem:s28+$0x6F50] =	vst v0  }
0x1e: {  	[tilespmem:s28+$0x6F60] =	vst v0  }
0x1f: {  	[tilespmem:s28+$0x6F70] =	vst v0  }
0x20: {  	[tilespmem:s28+$0x6F80] =	vst v0  }
0x21: {  	[tilespmem:s28+$0x6F90] =	vst v0  }
0x22: {  	[tilespmem:s28+$0x6FA0] =	vst v0  }
0x23: {  	[spmem:s6] =	stream.linear.scatter [tilespmem:s15], [sflag:$0x3], $0x4000, $0x38;
	[tilespmem:$0x1EF40] =	vst v63  }
0x24: {  	_ =	swait.ge [sflag:s16], $0x4000  }
0x25: {  	[sflag:s16] =	ssyncset.done $0x0  }
0x26: {  	[sflag:s16] =	ssyncadd.s32 $0xFFFFC000  }
0x27: {  	[spmem:s7] =	stream.linear.scatter [tilespmem:s15], [sflag:$0x3], $0x4000, $0x38;
	[tilespmem:$0x1EF40] =	vst v63  }
0x28: {  	_ =	swait.ge [sflag:s16], $0x4000  }
0x29: {  	[sflag:s16] =	ssyncset.done $0x0  }
0x2a: {  	[sflag:s16] =	ssyncadd.s32 $0xFFFFC000  }
0x2b: {  	[spmem:s8] =	stream.linear.scatter [tilespmem:s15], [sflag:$0x3], $0x4000, $0x38;
	[tilespmem:$0x1EF40] =	vst v63  }
0x2c: {  	_ =	swait.ge [sflag:s16], $0x4000  }
0x2d: {  	[sflag:s16] =	ssyncset.done $0x0  }
0x2e: {  	[sflag:s16] =	ssyncadd.s32 $0xFFFFC000  }
0x2f: {  	[spmem:s9] =	stream.linear.scatter [tilespmem:s15], [sflag:$0x3], $0x4000, $0x38;
	[tilespmem:$0x1EF40] =	vst v63  }
0x30: {  	_ =	swait.ge [sflag:s16], $0x4000  }
0x31: {  	[sflag:s16] =	ssyncset.done $0x0  }
0x32: {  	[sflag:s16] =	ssyncadd.s32 $0xFFFFC000  }
0x33: {  	[spmem:s10] =	stream.linear.scatter [tilespmem:s15], [sflag:$0x3], $0x4000, $0x38;
	[tilespmem:$0x1EF40] =	vst v63  }
0x34: {  	_ =	swait.ge [sflag:s16], $0x4000  }
0x35: {  	[sflag:s16] =	ssyncset.done $0x0  }
0x36: {  	[sflag:s16] =	ssyncadd.s32 $0xFFFFC000  }
0x37: {  	s28 =	simm.s32 $0x0;
	s29 =	simm.s32 $0x0;
	[bflag:$0x0] =	sbarrier.arrive $0xFFFF  }
.LBB2_4:
0x38: {  	s30 =	smul.u32 $0xFA0, s29;
	_ =	sdelay $0x1  }
0x39: {  	s30 =	sadd.s32 s30, s11  }
0x3a: {  	s30 =	sshrl.u32 s30, $0x3  }
0x3b: {  	s31 =	sadd.s32 s1, s30  }
0x3c: {  	[tilespmem:s28], [sflag:$0x3] =	stream.linear.gather [hbm4b:s31+s28], $0xFA0, $0x38;
	[tilespmem:$0x1EF40] =	vst v63  }
0x3d: {  	_ =	swait.ge [sflag:s16], $0xFA0  }
0x3e: {  	[sflag:s16] =	ssyncset.done $0x0  }
0x3f: {  	s30 =	sadd.s32 s3, s30;
	[sflag:s16] =	ssyncadd.s32 $0xFFFFF060  }
0x40: {  	[tilespmem:s17], [sflag:$0x3] =	stream.linear.gather [hbm4b:s30+s28], $0xFA0, $0x38;
	[tilespmem:$0x1EF40] =	vst v63  }
0x41: {  	_ =	swait.ge [sflag:s16], $0xFA0  }
0x42: {  	[sflag:s16] =	ssyncset.done $0x0  }
0x43: {  	[sflag:s16] =	ssyncadd.s32 $0xFFFFF060  }
0x44: {  	[tilespmem:s19], [sflag:$0x2] =	stream.indirect.gather [hbm4b:s12+s18], $0x80, s28, s18, $0xb8;
	[tilespmem:$0x1EF40] =	vst v63  }
0x45: {  	_ = 	snop  }
0x46: {  	[tilespmem:s20], [sflag:$0x2] =	stream.indirect.gather [hbm4b:s12+s18], $0x80, s18, s18, $0xb8;
	[tilespmem:$0x1EF40] =	vst v63  }
0x47: {  	_ =	swait.ge [sflag:s21], $0x2800  }
0x48: {  	[sflag:s21] =	ssyncset.done $0x0  }
0x49: {  	s30 =	simm.s32 $0xFA0;
	[sflag:s21] =	ssyncadd.s32 $0xFFFFD800  }
0x4a: {  	[spmem:s4] =	stream.indirect.scatter.add.f32 [tilespmem:s19], [sflag:$0x1], $0x80, s30, s18, $0xb8;
	[tilespmem:$0x1EF40] =	vst v63  }
0x4b: {  	_ =	swait.ge [sflag:s21], $0x2800  }
0x4c: {  	[sflag:s21] =	ssyncset.done $0x0  }
0x4d: {  	s30 =	simm.s32 $0xFF0;
	[sflag:s21] =	ssyncadd.s32 $0xFFFFD800  }
0x4e: {  	[spmem:s4] =	stream.indirect.scatter.add.f32 [tilespmem:s20], [sflag:$0x1], $0x80, s30, s18, $0xb8;
	[tilespmem:$0x1EF40] =	vst v63  }
0x4f: {  	_ =	swait.ge [sflag:s22], $0x2800  }
0x50: {  	[sflag:s22] =	ssyncset.done $0x0  }
0x51: {  	s30 =	simm.s32 $0xA0;
	[sflag:s22] =	ssyncadd.s32 $0xFFFFD800  }
0x52: {  	[tilespmem:s19], [sflag:$0x2] =	stream.indirect.gather [hbm4b:s12+s18], $0x80, s30, s18, $0xb8;
	[tilespmem:$0x1EF40] =	vst v63  }
0x53: {  	_ =	swait.ge [sflag:s22], $0x2800  }
0x54: {  	[sflag:s22] =	ssyncset.done $0x0  }
0x55: {  	s31 =	simm.s32 $0xF0;
	s30 =	simm.s32 $0x280;
	[sflag:s22] =	ssyncadd.s32 $0xFFFFD800  }
.LBB2_5:
0x56: {  	[tilespmem:s20], [sflag:$0x2] =	stream.indirect.gather [hbm4b:s12+s18], $0x80, s31, s18, $0xb8;
	[tilespmem:$0x1EF40] =	vst v63  }
0x57: {  	s31 =	smov.u32 s30;
	s30 =	sadd.s32 $0x280, s30;
	_ =	swait.ge [sflag:s21], $0x2800  }
0x58: {  	s31 =	sshra.s32 s31, $0x2;
	p0 =	sne.s32 s30, $0x3980;
	[sflag:s21] =	ssyncset.done $0x0  }
0x59: {  	s2 =	sadd.s32 $0xFA0, s31;
	[sflag:s21] =	ssyncadd.s32 $0xFFFFD800  }
0x5a: {  	[spmem:s4] =	stream.indirect.scatter.add.f32 [tilespmem:s19], [sflag:$0x1], $0x80, s2, s18, $0xb8;
	[tilespmem:$0x1EF40] =	vst v63  }
0x5b: {  	_ =	swait.ge [sflag:s21], $0x2800  }
0x5c: {  	[sflag:s21] =	ssyncset.done $0x0  }
0x5d: {  	s2 =	sadd.s32 $0xFF0, s31;
	[sflag:s21] =	ssyncadd.s32 $0xFFFFD800  }
0x5e: {  	[spmem:s4] =	stream.indirect.scatter.add.f32 [tilespmem:s20], [sflag:$0x1], $0x80, s2, s18, $0xb8;
	[tilespmem:$0x1EF40] =	vst v63  }
0x5f: {  	_ =	swait.ge [sflag:s22], $0x2800  }
0x60: {  	[sflag:s22] =	ssyncset.done $0x0  }
.Ltmp1:
0x61: {  	s2 =	sadd.s32 $0xA0, s31;
	[sflag:s22] =	ssyncadd.s32 $0xFFFFD800;
	(pc) =	sbr.rel @p0 .LBB2_5-.Ltmp1, $4  }
0x62: {  	[tilespmem:s19], [sflag:$0x2] =	stream.indirect.gather [hbm4b:s12+s18], $0x80, s2, s18, $0xb8;
	[tilespmem:$0x1EF40] =	vst v63  }
0x63: {  	_ =	swait.ge [sflag:s22], $0x2800  }
0x64: {  	[sflag:s22] =	ssyncset.done $0x0  }
0x65: {  	s31 =	sadd.s32 $0xF0, s31;
	[sflag:s22] =	ssyncadd.s32 $0xFFFFD800  }
0x66: {  	[tilespmem:s20], [sflag:$0x2] =	stream.indirect.gather [hbm4b:s12+s18], $0x80, s31, s18, $0xb8;
	[tilespmem:$0x1EF40] =	vst v63  }
0x67: {  	_ =	swait.ge [sflag:s21], $0x2800  }
0x68: {  	s2 =	sshra.s32 s30, $0x2;
	[sflag:s21] =	ssyncset.done $0x0  }
0x69: {  	s30 =	sadd.s32 $0xFA0, s2;
	[sflag:s21] =	ssyncadd.s32 $0xFFFFD800  }
0x6a: {  	[spmem:s4] =	stream.indirect.scatter.add.f32 [tilespmem:s19], [sflag:$0x1], $0x80, s30, s18, $0xb8;
	[tilespmem:$0x1EF40] =	vst v63  }
0x6b: {  	_ =	swait.ge [sflag:s21], $0x2800  }
0x6c: {  	[sflag:s21] =	ssyncset.done $0x0  }
0x6d: {  	s2 =	sadd.s32 $0xFF0, s2;
	[sflag:s21] =	ssyncadd.s32 $0xFFFFD800  }
0x6e: {  	[spmem:s4] =	stream.indirect.scatter.add.f32 [tilespmem:s20], [sflag:$0x1], $0x80, s2, s18, $0xb8;
	[tilespmem:$0x1EF40] =	vst v63  }
0x6f: {  	_ =	swait.ge [sflag:s22], $0x2800  }
0x70: {  	[sflag:s22] =	ssyncset.done $0x0  }
0x71: {  	[sflag:s22] =	ssyncadd.s32 $0xFFFFD800  }
0x72: {  	[tilespmem:s19], [sflag:$0x2] =	stream.indirect.gather [hbm4b:s12+s18], $0x80, s23, s18, $0xb8;
	[tilespmem:$0x1EF40] =	vst v63  }
0x73: {  	_ =	swait.ge [sflag:s22], $0x2800  }
0x74: {  	[sflag:s22] =	ssyncset.done $0x0  }
0x75: {  	[sflag:s22] =	ssyncadd.s32 $0xFFFFD800  }
0x76: {  	[tilespmem:s20], [sflag:$0x2] =	stream.indirect.gather [hbm4b:s12+s18], $0x80, s24, s18, $0xb8;
	[tilespmem:$0x1EF40] =	vst v63  }
0x77: {  	_ =	swait.ge [sflag:s21], $0x2800  }
0x78: {  	[sflag:s21] =	ssyncset.done $0x0  }
0x79: {  	[sflag:s21] =	ssyncadd.s32 $0xFFFFD800  }
0x7a: {  	[spmem:s4] =	stream.indirect.scatter.add.f32 [tilespmem:s19], [sflag:$0x1], $0x80, s25, s18, $0xb8;
	[tilespmem:$0x1EF40] =	vst v63  }
0x7b: {  	_ =	swait.ge [sflag:s21], $0x2800  }
0x7c: {  	[sflag:s21] =	ssyncset.done $0x0  }
0x7d: {  	[sflag:s21] =	ssyncadd.s32 $0xFFFFD800  }
0x7e: {  	[spmem:s4] =	stream.indirect.scatter.add.f32 [tilespmem:s20], [sflag:$0x1], $0x80, s26, s18, $0xb8;
	[tilespmem:$0x1EF40] =	vst v63  }
0x7f: {  	_ =	swait.ge [sflag:s22], $0x2800  }
0x80: {  	[sflag:s22] =	ssyncset.done $0x0  }
0x81: {  	[sflag:s22] =	ssyncadd.s32 $0xFFFFD800  }
0x82: {  	[tilespmem:s19], [sflag:$0x2] =	stream.indirect.gather [hbm4b:s12+s18], $0x80, s24, s18, $0xb8;
	[tilespmem:$0x1EF40] =	vst v63  }
0x83: {  	_ =	swait.ge [sflag:s22], $0x2800  }
0x84: {  	[sflag:s22] =	ssyncset.done $0x0  }
0x85: {  	s29 =	sadd.s32 $0x1, s29;
	[sflag:s22] =	ssyncadd.s32 $0xFFFFD800  }
0x86: {  	[tilespmem:s20], [sflag:$0x2] =	stream.indirect.gather [hbm4b:s12+s18], $0x80, s24, s18, $0xb8;
	[tilespmem:$0x1EF40] =	vst v63  }
0x87: {  	p0 =	sne.s32 s29, $0x5;
	_ =	swait.ge [sflag:s21], $0x2800  }
.Ltmp2:
0x88: {  	[sflag:s21] =	ssyncset.done $0x0;
	(pc) =	sbr.rel @p0 .LBB2_4-.Ltmp2, $4  }
0x89: {  	[sflag:s21] =	ssyncadd.s32 $0xFFFFD800  }
0x8a: {  	_ =	swait.ge [sflag:s21], $0x2800  }
0x8b: {  	[sflag:s21] =	ssyncset.done $0x0  }
0x8c: {  	[sflag:s21] =	ssyncadd.s32 $0xFFFFD800  }
0x8d: {  	s5 =	sadd.s32 $0x1, s5  }
0x8e: {  	s2 =	sshll.u32 s0, $0x6;
	[bflag:$0x0] =	sbarrier.arrive $0xFFFF;
	p0 =	sne.s32 s5, s14  }
.Ltmp3:
0x8f: {  	s28 =	sshrl.u32 s6, $0x3;
	s2 =	sor.u32 $0x1C03, s2;
	(pc) =	sbr.rel @p0 .LBB2_1-.Ltmp3, $4  }
0x90: {  	[hbm:s13], [sflag:s2] =	dma.local [spmem:s28], $0x2800  }
0x91: {  	_ =	swait.ge [sflag:s16], $0x2800  }
0x92: {  	[sflag:s16] =	ssyncset.done $0x0  }
0x93: {  	[sflag:s16] =	ssyncadd.s32 $0xFFFFD800  }
0x94: {  	_ =	sfence.sel $0x180000  }
0x95: {  	[bflag:$0x0] =	sbarrier.arrive $0xFFFF  }
0x96: {  	_ =	strace $0x9000004A  }
0x97: {  	[bflag:$0x2] =	sbarrier.arrive $0xFFFF  }
0x98: {  	p0 =	sne.s32 s0, $0x0;
	s0 =	rddreg [dreg:$0x4]  }
0x99: {  	s0 =	sadd.s32 @!p0 $0x100000, s0  }
0x9a: {  	[sflag:s0] =	ssyncadd.tile.s32 @!p0 $0x1;
	_ =	shalt  }
.Lfunc_end2:
_tile_overlayer_lowered:
.L_overlay_start_2:
0x9b: {  	(tag) =	ssettag $0x2  }
0x9c: {  	s0 =	rddreg [dreg:$0x0];
	s2 =	stileid.u32  }
0x9d: {  	s1 =	rddreg [dreg:$0x1];
	p0 =	sne.s32 s2, $0x0  }
0x9e: {  	s3 =	rddreg [dreg:$0x2];
	[bflag:$0x3] =	sbarrier.arrive $0xFFFF;
	s2 =	simm.s32 @!p0 $0x1C03  }
0x9f: {  	[timem:s3], [sflag:s2] =	dma.local @!p0 [hbm:s0], s1  }
0xa0: {  	s0 =	simm.s32 @!p0 $0x3  }
0xa1: {  	_ =	swait.ge @!p0 [sflag:s0], s1  }
0xa2: {  	s1 =	ssub.s32 @!p0 $0x0, s1;
	[sflag:s0] =	ssyncset.done @!p0 $0x0  }
0xa3: {  	[sflag:s0] =	ssyncadd.s32 @!p0 s1  }
0xa4: {  	[bflag:$0x3] =	sbarrier.arrive $0xFFFF  }
0xa5: {  	_ =	shalt  }

// kernel: seg_sum.7.cloned.1.call-start
scs
__scs_entry_jumppad:
0x0: {  	(pc) =	sbr.rel $0x88, $3  }
0x1: {  	(tag) =	ssettag $0x0;
	lr =	simm.s32 $0x1  }
0x2: {  	[smem:$0x3F8D] =	sst lr;
	_ =	strace $0xD0000000  }
0x3: {  	_ = 	snop  }
0x4: {  	_ = 	snop  }
0x5: {  	_ = 	snop  }
0x6: {  	_ = 	snop  }
0x7: {  	_ = 	snop  }
__scs_overlays_trampoline_lowered:
0x8: {  	[smem:$0x3F9C] =	sst s0  }
0x9: {  	[smem:$0x3F9D] =	sst s1  }
0xa: {  	[smem:$0x3F9E] =	sst s2  }
0xb: {  	[smem:$0x3F9F] =	sst s3  }
0xc: {  	[smem:$0x3FA0] =	sst s4  }
0xd: {  	[smem:$0x3FA1] =	sst s5  }
0xe: {  	[smem:$0x3FA2] =	sst s6  }
0xf: {  	[smem:$0x3FA3] =	sst s7  }
0x10: {  	[smem:$0x3FA4] =	sst s8  }
0x11: {  	[smem:$0x3FA5] =	sst s9;
	s0 =	simm.s32 @!p0 $0x0  }
0x12: {  	s1 =	sld [smem:$0x3F8B];
	s0 =	simm.s32 @p0 $0x1  }
0x13: {  	[smem:$0x3FA6] =	sst s0;
	s0 =	simm.s32 @!p1 $0x0  }
0x14: {  	s2 =	sld [smem:$0x3F8A];
	s0 =	simm.s32 @p1 $0x1  }
0x15: {  	[smem:$0x3FA7] =	sst s0;
	s0 =	simm.s32 @!p2 $0x0  }
0x16: {  	s3 =	sld [smem:$0x3FDB];
	s0 =	simm.s32 @p2 $0x1  }
0x17: {  	s4 =	simm.s32 $0x1BF5;
	[smem:$0x3FA9] =	sst s0  }
0x18: {  	s0 =	sld [smem:$0x3F8C];
	_ =	swait.ge [sflag:s4], $0x0  }
0x19: {  	s7 =	sld [smem:$0x3F8D]  }
0x1a: {  	s8 =	sadd.s32 $0xFFFFE003, lr  }
0x1b: {  	s9 =	sadd.s32 $0xFFFFFEF7, lr;
	s5 =	simm.s32 $0xFFFFFFFF;
	p2 =	slt.u32 s8, $0xFFFFF086  }
0x1c: {  	p1 =	slt.u32 s9, $0xF7A;
	s5 =	simm.s32 @!p2 $0x0  }
0x1d: {  	s5 =	simm.s32 @p1 $0x1;
	p0 =	seq.s32 s7, s2  }
0x1e: {  	s7 =	smul.u32 @!p0 $0xF7A, s2;
	p2 =	seq.s32 @!p0 s5, $0x0  }
0x1f: {  	s9 =	smul.u32 $0xF7A, s1;
	s8 =	simm.s32 @!p0 $0x1BF5;
	p2 =	por !p2, p0  }
0x20: {  	[sflag:s8] =	ssyncset.s32 @!p0 $0xFFFFF086;
	s6 =	sadd.s32 @!p0 s3, s7;
	s7 =	simm.s32 @!p0 $0x108  }
0x21: {  	s3 =	sadd.s32 s3, s9;
	s6 =	sadd.s32 @!p0 $0x88, s6;
	s7 =	simm.s32 @p2 $0x1082  }
0x22: {  	[simem:s7], [sflag:s8] =	dma.local @!p0 [hbm:s6], $0xF7A  }
0x23: {  	s9 =	sor.u32 $0xD0000000, s2;
	s6 =	simm.s32 $0x108;
	_ =	swait.ge @!p0 [sflag:s8], $0x0  }
0x24: {  	s3 =	sadd.s32 $0x88, s3;
	s6 =	simm.s32 @!p1 $0x1082;
	[sflag:s4] =	ssyncset.s32 $0xFFFFF086  }
0x25: {  	[simem:s6], [sflag:s4] =	dma.local [hbm:s3], $0xF7A  }
0x26: {  	[smem:$0x3F8D] =	sst s1;
	(tag) =	ssettag s2;
	_ =	strace s9  }
0x27: {  	s1 =	sld [smem:$0x3F9D]  }
0x28: {  	s2 =	sld [smem:$0x3F9E]  }
0x29: {  	s4 =	sld [smem:$0x3FA0]  }
0x2a: {  	p0 =	seq.s32 s5, $0x0;
	s5 =	sld [smem:$0x3FA1]  }
0x2b: {  	s6 =	sld [smem:$0x3FA2]  }
0x2c: {  	s7 =	sld [smem:$0x3FA3]  }
0x2d: {  	s3 =	simm.s32 $0x108;
	s8 =	sld [smem:$0x3FA4]  }
0x2e: {  	s3 =	simm.s32 @!p0 $0x1082;
	s9 =	sld [smem:$0x3FA5]  }
0x2f: {  	lr =	sadd.s32 s0, s3;
	s0 =	sld [smem:$0x3F9C]  }
0x30: {  	s3 =	sld [smem:$0x3F9F]  }
0x31: {  	[smem:$0x3FA8] =	sst s10  }
0x32: {  	s10 =	sld [smem:$0x3FA6];
	_ =	sdelay $0x3  }
0x33: {  	p0 =	seq.s32 s10, $0x1;
	s10 =	sld [smem:$0x3FA8];
	_ =	sdelay $0x3  }
0x34: {  	[smem:$0x3FA8] =	sst s10  }
0x35: {  	s10 =	sld [smem:$0x3FA7];
	_ =	sdelay $0x3  }
0x36: {  	p1 =	seq.s32 s10, $0x1;
	s10 =	sld [smem:$0x3FA8];
	_ =	sdelay $0x3  }
0x37: {  	[smem:$0x3FA8] =	sst s10  }
0x38: {  	s10 =	sld [smem:$0x3FA9]  }
0x39: {  	_ = 	snop;
	(pc) =	sbr.ind lr, $3  }
0x3a: {  	_ = 	snop  }
0x3b: {  	_ = 	snop  }
0x3c: {  	p2 =	seq.s32 s10, $0x1;
	s10 =	sld [smem:$0x3FA8]  }
0x3d: {  	_ =	shalt  }
0x3e: {  	_ =	shalt  }
0x3f: {  	_ =	shalt  }
0x40: {  	_ =	shalt  }
0x41: {  	_ =	shalt  }
0x42: {  	_ =	shalt  }
0x43: {  	_ =	shalt  }
0x44: {  	_ =	shalt  }
0x45: {  	_ =	shalt  }
0x46: {  	_ =	shalt  }
0x47: {  	_ =	shalt  }
0x48: {  	_ =	shalt  }
0x49: {  	_ =	shalt  }
0x4a: {  	_ =	shalt  }
0x4b: {  	_ =	shalt  }
0x4c: {  	_ =	shalt  }
0x4d: {  	_ =	shalt  }
0x4e: {  	_ =	shalt  }
0x4f: {  	_ =	shalt  }
0x50: {  	_ =	shalt  }
0x51: {  	_ =	shalt  }
0x52: {  	_ =	shalt  }
0x53: {  	_ =	shalt  }
0x54: {  	_ =	shalt  }
0x55: {  	_ =	shalt  }
0x56: {  	_ =	shalt  }
0x57: {  	_ =	shalt  }
0x58: {  	_ =	shalt  }
0x59: {  	_ =	shalt  }
0x5a: {  	_ =	shalt  }
0x5b: {  	_ =	shalt  }
0x5c: {  	_ =	shalt  }
0x5d: {  	_ =	shalt  }
0x5e: {  	_ =	shalt  }
0x5f: {  	_ =	shalt  }
0x60: {  	_ =	shalt  }
0x61: {  	_ =	shalt  }
0x62: {  	_ =	shalt  }
0x63: {  	_ =	shalt  }
0x64: {  	_ =	shalt  }
0x65: {  	_ =	shalt  }
0x66: {  	_ =	shalt  }
0x67: {  	_ =	shalt  }
0x68: {  	_ =	shalt  }
0x69: {  	_ =	shalt  }
0x6a: {  	_ =	shalt  }
0x6b: {  	_ =	shalt  }
0x6c: {  	_ =	shalt  }
0x6d: {  	_ =	shalt  }
0x6e: {  	_ =	shalt  }
0x6f: {  	_ =	shalt  }
0x70: {  	_ =	shalt  }
0x71: {  	_ =	shalt  }
0x72: {  	_ =	shalt  }
0x73: {  	_ =	shalt  }
0x74: {  	_ =	shalt  }
0x75: {  	_ =	shalt  }
0x76: {  	_ =	shalt  }
0x77: {  	_ =	shalt  }
0x78: {  	_ =	shalt  }
0x79: {  	_ =	shalt  }
0x7a: {  	_ =	shalt  }
0x7b: {  	_ =	shalt  }
0x7c: {  	_ =	shalt  }
0x7d: {  	_ =	shalt  }
0x7e: {  	_ =	shalt  }
0x7f: {  	_ =	shalt  }
0x80: {  	_ =	shalt  }
0x81: {  	_ =	shalt  }
0x82: {  	_ =	shalt  }
0x83: {  	_ =	shalt  }
0x84: {  	_ =	shalt  }
0x85: {  	_ =	shalt  }
0x86: {  	_ =	shalt  }
0x87: {  	_ =	shalt  }
.Lfunc_end0:
.L_simem_size_0:
called_computation.2_lowered:
.L_overlay_start_0:
0x88: {  	s2 =	sld [smem:$0x3FD9]  }
0x89: {  	s3 =	sld [smem:$0x3FFE];
	_ =	sdelay $0x1  }
0x8a: {  	s1 =	srdreg.scid  }
0x8b: {  	s0 =	sand.u32 $0x1, s1  }
0x8c: {  	s14 =	sshll.u32 s0, $0xA;
	s2 =	sadd.s32 s3, s2  }
0x8d: {  	s2 =	sadd.s32 s2, s14  }
0x8e: {  	[smem:$0x3FB4] =	sst s2  }
0x8f: {  	_ = 	snop  }
0x90: {  	s2 =	sld [smem:$0x3FD0];
	_ =	sdelay $0x2  }
0x91: {  	s15 =	simm.s32 $0xB;
	s4 =	simm.s32 $0x10  }
0x92: {  	[smem:s4], [sflag:s15] =	dma.local [hbm:s2], $0x1  }
0x93: {  	_ =	swait.eq [sflag:s15], $0x1  }
0x94: {  	[sflag:s15] =	ssyncset.done $0x0  }
0x95: {  	s16 =	sld [smem:$0x10];
	[sflag:s15] =	ssyncadd.s32 $0xFFFFFFFF  }
0x96: {  	s17 =	sld [smem:$0x11];
	(tm) =	ssettm $0x1  }
0x97: {  	s18 =	sld [smem:$0x3FFB];
	_ =	sdelay $0x3  }
0x98: {  	_ =	strace s18  }
0x99: {  	s4 =	sld [smem:$0x3FFC];
	_ =	sdelay $0x3  }
0x9a: {  	_ =	strace s4  }
0x9b: {  	s4 =	sld [smem:$0x3FFD];
	_ =	sdelay $0x3  }
0x9c: {  	_ =	strace s4  }
0x9d: {  	_ =	strace $0x8FFFFFFF  }
0x9e: {  	s19 =	sld [smem:$0x3FDB];
	_ =	sdelay $0x1  }
0x9f: {  	s5 =	simm.s32 $_scs_section_size  }
0xa0: {  	s6 =	simm.s32 $_size__tile_overlayer_lowered;
	s7 =	simm.s32 $_tile_overlayer_lowered  }
0xa1: {  	s22 =	simm.s32 $0x1BFF;
	s21 =	sshll.u32 s7, $0x1;
	s4 =	sadd.s32 s5, s19  }
0xa2: {  	s8 =	simm.s32 $0x0;
	s20 =	sshll.u32 s6, $0x1;
	s6 =	sadd.s32 s21, s4  }
0xa3: {  	[timem:s8], [sflag:s22] =	dma.local [hbm:s6], s20  }
0xa4: {  	_ =	swait.ge [sflag:s22], s20  }
0xa5: {  	s5 =	ssub.s32 $0x0, s20;
	[sflag:s22] =	ssyncset.done $0x0  }
0xa6: {  	[sflag:s22] =	ssyncadd.s32 s5;
	_ =	sdelay $0x1  }
0xa7: {  	s23 =	simm.s32 $0x1B8B  }
0xa8: {  	_ =	swait.ge [sflag:s23], $0x1  }
0xa9: {  	[sflag:s23] =	ssyncset.done $0x0  }
0xaa: {  	s25 =	simm.s32 $0x1B8E;
	s24 =	sld [smem:$0x3FFE];
	[sflag:s23] =	ssyncadd.s32 $0xFFFFFFFF  }
0xab: {  	s26 =	simm.s32 $execute0_lowered;
	[smem:$0x3FD2] =	sst s25  }
0xac: {  	s6 =	sshll.u32 s26, $0x1;
	_ =	strace $0x8000004C;
	[dreg:$0x1] =	wrdreg $0xFFFFFFFF  }
0xad: {  	s28 =	simm.s32 $_size_execute0_lowered;
	s4 =	sadd.s32 s4, s6;
	[dreg:$0x0] =	wrdreg $0x0  }
0xae: {  	s6 =	sshll.u32 s28, $0x1;
	[dreg:$0x2] =	wrdreg s4  }
0xaf: {  	[dreg:$0x3] =	wrdreg s6  }
0xb0: {  	[dreg:$0x4] =	wrdreg $0xC0  }
0xb1: {  	_ =	task [dreg:s8], $0x5FFFF  }
0xb2: {  	[dreg:$0x1] =	wrdreg $0xFFFFFFFF  }
0xb3: {  	[dreg:$0x0] =	wrdreg $0x60  }
0xb4: {  	[dreg:$0x2] =	wrdreg s24  }
0xb5: {  	[dreg:$0x3] =	wrdreg s16  }
0xb6: {  	[dreg:$0x4] =	wrdreg s17  }
0xb7: {  	[dreg:$0x5] =	wrdreg $0xAF400  }
0xb8: {  	[dreg:$0x6] =	wrdreg $0x9  }
0xb9: {  	_ =	task.clear_ibuf [dreg:s8], $0x7FFFF;
	_ =	strace $0x9000004C  }
0xba: {  	s29 =	simm.s32 $0x9;
	_ =	strace $0x8000004E  }
0xbb: {  	_ =	swait.ge [sflag:s29], $0x1  }
0xbc: {  	[sflag:s29] =	ssyncadd.s32 $0xFFFFFFFF  }
0xbd: {  	_ =	strace $0x9000004E  }
0xbe: {  	_ =	sfence  }
0xbf: {  	s30 =	sld [smem:$0x0];
	_ =	sdelay $0x2  }
0xc0: {  	s31 =	sshll.u32 s1, $0xD;
	s1 =	sshrl.u32 s1, $0x2  }
0xc1: {  	s3 =	sand.u32 $0x4000, s31;
	s1 =	sadd.s32 s1, s30  }
0xc2: {  	s0 =	sor.u32 s3, s0;
	s1 =	sshll.u32 s1, $0x11  }
0xc3: {  	s0 =	sor.u32 s1, s0  }
0xc4: {  	s0 =	sadd.s32 $0x8F2B, s0  }
0xc5: {  	[sflag:s0] =	ssyncadd.remote.s32 $0x1  }
0xc6: {  	_ =	sfence.sel $0xFFFF  }
0xc7: {  	[dreg:$0x0] =	wrdreg $0xFFFFFFFF;
	(pc) =	sbr.abs _section_cstart, $3  }
0xc8: {  	[dreg:$0x1] =	wrdreg $0xFFFFFFFF  }
0xc9: {  	_ =	task.clear_ibuf [dreg:s8], $0x2FFFF;
	_ =	strace $0x9FFFFFFF  }
0xca: {  	(tm) =	ssettm $0x7FFFFFFF  }
0xcb: {  	_ =	shalt  }
tec
execute0_lowered:
.L_overlay_start_1:
0x0: {  	(tag) =	ssettag $0x1  }
0x1: {  	s6 =	rddreg [dreg:$0x0]  }
0x2: {  	s1 =	rddreg [dreg:$0x1]  }
0x3: {  	s2 =	srdreg.scid;
	s3 =	rddreg [dreg:$0x2]  }
0x4: {  	s0 =	stileid.u32;
	s4 =	rddreg [dreg:$0x3];
	s5 =	simm.s32 $0x0  }
0x5: {  	s16 =	simm.s32 $0x3;
	s17 =	simm.s32 $0xFA0;
	s18 =	simm.s32 $0x50  }
0x6: {  	s19 =	simm.s32 $0x1F40;
	s20 =	simm.s32 $0x4740;
	s8 =	smul.u32 $0x14000, s0  }
0x7: {  	s21 =	simm.s32 $0x2;
	s22 =	simm.s32 $0x1;
	s11 =	smul.u32 $0x50000, s0  }
0x8: {  	s23 =	simm.s32 $0xF00;
	s7 =	sand.u32 $0x1, s2;
	s15 =	smul.u32 $0x4E20, s0  }
0x9: {  	s24 =	simm.s32 $0xF50;
	s25 =	simm.s32 $0x1EA0;
	s9 =	smul.u32 $0x140000, s7  }
0xa: {  	s26 =	simm.s32 $0x1EF0;
	[smem:$0x7FF] =	sst s5;
	s10 =	smul.u32 $0x28000, s7  }
0xb: {  	_ =	strace $0x8000004D;
	s28 =	ssub.s32 $0x2, s7;
	s31 =	smul.u32 $0x4E200, s7  }
0xc: {  	s29 =	sshrl.u32 s28, $0x1;
	s30 =	sshrl.u32 s11, $0x2;
	s9 =	sadd.s32 s8, s9  }
0xd: {  	s12 =	sadd.s32 s10, s6;
	s14 =	ssub.s32 s28, s29;
	s10 =	sadd.s32 s30, s4  }
0xe: {  	s11 =	sadd.s32 s15, s31;
	s15 =	simm.s32 $0x6F40;
	s9 =	sshrl.u32 s9, $0x3  }
0xf: {  	s7 =	sadd.s32 $0x4000, s10;
	s12 =	sadd.s32 $0x5400, s12;
	s14 =	smax.u32 s14, $0x1  }
0x10: {  	s13 =	sadd.s32 s9, s6;
	s6 =	sadd.s32 s8, s4;
	s8 =	sadd.s32 $0x8000, s10  }
0x11: {  	v0 =	vimm.f32 $0.0e+00;
	s9 =	sadd.s32 $0xC000, s10;
	s10 =	sadd.s32 $0x10000, s10;
	s13 =	sadd.s32 $0x14F400, s13  }
.LBB2_1:
0x12: {  	s28 =	simm.s32 $0x0;
	s29 =	simm.s32 $0x200  }
.LBB2_2:
0x13: {  	p0 =	sne.s32 s29, $0xFE00;
	[tilespmem:s28+$0x6FB0] =	vst v0  }
0x14: {  	[tilespmem:s28+$0x6F40] =	vst v0  }
0x15: {  	[tilespmem:s28+$0x6F50] =	vst v0  }
.Ltmp0:
0x16: {  	[tilespmem:s28+$0x6F60] =	vst v0;
	(pc) =	sbr.rel @p0 .LBB2_2-.Ltmp0, $4  }
0x17: {  	[tilespmem:s28+$0x6F70] =	vst v0  }
0x18: {  	[tilespmem:s28+$0x6F80] =	vst v0  }
0x19: {  	[tilespmem:s28+$0x6F90] =	vst v0  }
0x1a: {  	[tilespmem:s28+$0x6FA0] =	vst v0;
	s28 =	sshra.s32 s29, $0x2;
	s29 =	sadd.s32 $0x200, s29  }
0x1b: {  	[tilespmem:s28+$0x6FB0] =	vst v0  }
0x1c: {  	[tilespmem:s28+$0x6F40] =	vst v0  }
0x1d: {  	[tilespmem:s28+$0x6F50] =	vst v0  }
0x1e: {  	[tilespmem:s28+$0x6F60] =	vst v0  }
0x1f: {  	[tilespmem:s28+$0x6F70] =	vst v0  }
0x20: {  	[tilespmem:s28+$0x6F80] =	vst v0  }
0x21: {  	[tilespmem:s28+$0x6F90] =	vst v0  }
0x22: {  	[tilespmem:s28+$0x6FA0] =	vst v0  }
0x23: {  	[spmem:s6] =	stream.linear.scatter [tilespmem:s15], [sflag:$0x3], $0x4000, $0x38;
	[tilespmem:$0x1EF40] =	vst v63  }
0x24: {  	_ =	swait.ge [sflag:s16], $0x4000  }
0x25: {  	[sflag:s16] =	ssyncset.done $0x0  }
0x26: {  	[sflag:s16] =	ssyncadd.s32 $0xFFFFC000  }
0x27: {  	[spmem:s7] =	stream.linear.scatter [tilespmem:s15], [sflag:$0x3], $0x4000, $0x38;
	[tilespmem:$0x1EF40] =	vst v63  }
0x28: {  	_ =	swait.ge [sflag:s16], $0x4000  }
0x29: {  	[sflag:s16] =	ssyncset.done $0x0  }
0x2a: {  	[sflag:s16] =	ssyncadd.s32 $0xFFFFC000  }
0x2b: {  	[spmem:s8] =	stream.linear.scatter [tilespmem:s15], [sflag:$0x3], $0x4000, $0x38;
	[tilespmem:$0x1EF40] =	vst v63  }
0x2c: {  	_ =	swait.ge [sflag:s16], $0x4000  }
0x2d: {  	[sflag:s16] =	ssyncset.done $0x0  }
0x2e: {  	[sflag:s16] =	ssyncadd.s32 $0xFFFFC000  }
0x2f: {  	[spmem:s9] =	stream.linear.scatter [tilespmem:s15], [sflag:$0x3], $0x4000, $0x38;
	[tilespmem:$0x1EF40] =	vst v63  }
0x30: {  	_ =	swait.ge [sflag:s16], $0x4000  }
0x31: {  	[sflag:s16] =	ssyncset.done $0x0  }
0x32: {  	[sflag:s16] =	ssyncadd.s32 $0xFFFFC000  }
0x33: {  	[spmem:s10] =	stream.linear.scatter [tilespmem:s15], [sflag:$0x3], $0x4000, $0x38;
	[tilespmem:$0x1EF40] =	vst v63  }
0x34: {  	_ =	swait.ge [sflag:s16], $0x4000  }
0x35: {  	[sflag:s16] =	ssyncset.done $0x0  }
0x36: {  	[sflag:s16] =	ssyncadd.s32 $0xFFFFC000  }
0x37: {  	s28 =	simm.s32 $0x0;
	s29 =	simm.s32 $0x0;
	[bflag:$0x0] =	sbarrier.arrive $0xFFFF  }
.LBB2_4:
0x38: {  	s30 =	smul.u32 $0xFA0, s29;
	_ =	sdelay $0x1  }
0x39: {  	s30 =	sadd.s32 s30, s11  }
0x3a: {  	s30 =	sshrl.u32 s30, $0x3  }
0x3b: {  	s31 =	sadd.s32 s1, s30  }
0x3c: {  	[tilespmem:s28], [sflag:$0x3] =	stream.linear.gather [hbm4b:s31+s28], $0xFA0, $0x38;
	[tilespmem:$0x1EF40] =	vst v63  }
0x3d: {  	_ =	swait.ge [sflag:s16], $0xFA0  }
0x3e: {  	[sflag:s16] =	ssyncset.done $0x0  }
0x3f: {  	s30 =	sadd.s32 s3, s30;
	[sflag:s16] =	ssyncadd.s32 $0xFFFFF060  }
0x40: {  	[tilespmem:s17], [sflag:$0x3] =	stream.linear.gather [hbm4b:s30+s28], $0xFA0, $0x38;
	[tilespmem:$0x1EF40] =	vst v63  }
0x41: {  	_ =	swait.ge [sflag:s16], $0xFA0  }
0x42: {  	[sflag:s16] =	ssyncset.done $0x0  }
0x43: {  	[sflag:s16] =	ssyncadd.s32 $0xFFFFF060  }
0x44: {  	[tilespmem:s19], [sflag:$0x2] =	stream.indirect.gather [hbm4b:s12+s18], $0x80, s28, s18, $0xb8;
	[tilespmem:$0x1EF40] =	vst v63  }
0x45: {  	_ = 	snop  }
0x46: {  	[tilespmem:s20], [sflag:$0x2] =	stream.indirect.gather [hbm4b:s12+s18], $0x80, s18, s18, $0xb8;
	[tilespmem:$0x1EF40] =	vst v63  }
0x47: {  	_ =	swait.ge [sflag:s21], $0x2800  }
0x48: {  	[sflag:s21] =	ssyncset.done $0x0  }
0x49: {  	s30 =	simm.s32 $0xFA0;
	[sflag:s21] =	ssyncadd.s32 $0xFFFFD800  }
0x4a: {  	[spmem:s4] =	stream.indirect.scatter.add.f32 [tilespmem:s19], [sflag:$0x1], $0x80, s30, s18, $0xb8;
	[tilespmem:$0x1EF40] =	vst v63  }
0x4b: {  	_ =	swait.ge [sflag:s21], $0x2800  }
0x4c: {  	[sflag:s21] =	ssyncset.done $0x0  }
0x4d: {  	s30 =	simm.s32 $0xFF0;
	[sflag:s21] =	ssyncadd.s32 $0xFFFFD800  }
0x4e: {  	[spmem:s4] =	stream.indirect.scatter.add.f32 [tilespmem:s20], [sflag:$0x1], $0x80, s30, s18, $0xb8;
	[tilespmem:$0x1EF40] =	vst v63  }
0x4f: {  	_ =	swait.ge [sflag:s22], $0x2800  }
0x50: {  	[sflag:s22] =	ssyncset.done $0x0  }
0x51: {  	s30 =	simm.s32 $0xA0;
	[sflag:s22] =	ssyncadd.s32 $0xFFFFD800  }
0x52: {  	[tilespmem:s19], [sflag:$0x2] =	stream.indirect.gather [hbm4b:s12+s18], $0x80, s30, s18, $0xb8;
	[tilespmem:$0x1EF40] =	vst v63  }
0x53: {  	_ =	swait.ge [sflag:s22], $0x2800  }
0x54: {  	[sflag:s22] =	ssyncset.done $0x0  }
0x55: {  	s31 =	simm.s32 $0xF0;
	s30 =	simm.s32 $0x280;
	[sflag:s22] =	ssyncadd.s32 $0xFFFFD800  }
.LBB2_5:
0x56: {  	[tilespmem:s20], [sflag:$0x2] =	stream.indirect.gather [hbm4b:s12+s18], $0x80, s31, s18, $0xb8;
	[tilespmem:$0x1EF40] =	vst v63  }
0x57: {  	s31 =	smov.u32 s30;
	s30 =	sadd.s32 $0x280, s30;
	_ =	swait.ge [sflag:s21], $0x2800  }
0x58: {  	s31 =	sshra.s32 s31, $0x2;
	p0 =	sne.s32 s30, $0x3980;
	[sflag:s21] =	ssyncset.done $0x0  }
0x59: {  	s2 =	sadd.s32 $0xFA0, s31;
	[sflag:s21] =	ssyncadd.s32 $0xFFFFD800  }
0x5a: {  	[spmem:s4] =	stream.indirect.scatter.add.f32 [tilespmem:s19], [sflag:$0x1], $0x80, s2, s18, $0xb8;
	[tilespmem:$0x1EF40] =	vst v63  }
0x5b: {  	_ =	swait.ge [sflag:s21], $0x2800  }
0x5c: {  	[sflag:s21] =	ssyncset.done $0x0  }
0x5d: {  	s2 =	sadd.s32 $0xFF0, s31;
	[sflag:s21] =	ssyncadd.s32 $0xFFFFD800  }
0x5e: {  	[spmem:s4] =	stream.indirect.scatter.add.f32 [tilespmem:s20], [sflag:$0x1], $0x80, s2, s18, $0xb8;
	[tilespmem:$0x1EF40] =	vst v63  }
0x5f: {  	_ =	swait.ge [sflag:s22], $0x2800  }
0x60: {  	[sflag:s22] =	ssyncset.done $0x0  }
.Ltmp1:
0x61: {  	s2 =	sadd.s32 $0xA0, s31;
	[sflag:s22] =	ssyncadd.s32 $0xFFFFD800;
	(pc) =	sbr.rel @p0 .LBB2_5-.Ltmp1, $4  }
0x62: {  	[tilespmem:s19], [sflag:$0x2] =	stream.indirect.gather [hbm4b:s12+s18], $0x80, s2, s18, $0xb8;
	[tilespmem:$0x1EF40] =	vst v63  }
0x63: {  	_ =	swait.ge [sflag:s22], $0x2800  }
0x64: {  	[sflag:s22] =	ssyncset.done $0x0  }
0x65: {  	s31 =	sadd.s32 $0xF0, s31;
	[sflag:s22] =	ssyncadd.s32 $0xFFFFD800  }
0x66: {  	[tilespmem:s20], [sflag:$0x2] =	stream.indirect.gather [hbm4b:s12+s18], $0x80, s31, s18, $0xb8;
	[tilespmem:$0x1EF40] =	vst v63  }
0x67: {  	_ =	swait.ge [sflag:s21], $0x2800  }
0x68: {  	s2 =	sshra.s32 s30, $0x2;
	[sflag:s21] =	ssyncset.done $0x0  }
0x69: {  	s30 =	sadd.s32 $0xFA0, s2;
	[sflag:s21] =	ssyncadd.s32 $0xFFFFD800  }
0x6a: {  	[spmem:s4] =	stream.indirect.scatter.add.f32 [tilespmem:s19], [sflag:$0x1], $0x80, s30, s18, $0xb8;
	[tilespmem:$0x1EF40] =	vst v63  }
0x6b: {  	_ =	swait.ge [sflag:s21], $0x2800  }
0x6c: {  	[sflag:s21] =	ssyncset.done $0x0  }
0x6d: {  	s2 =	sadd.s32 $0xFF0, s2;
	[sflag:s21] =	ssyncadd.s32 $0xFFFFD800  }
0x6e: {  	[spmem:s4] =	stream.indirect.scatter.add.f32 [tilespmem:s20], [sflag:$0x1], $0x80, s2, s18, $0xb8;
	[tilespmem:$0x1EF40] =	vst v63  }
0x6f: {  	_ =	swait.ge [sflag:s22], $0x2800  }
0x70: {  	[sflag:s22] =	ssyncset.done $0x0  }
0x71: {  	[sflag:s22] =	ssyncadd.s32 $0xFFFFD800  }
0x72: {  	[tilespmem:s19], [sflag:$0x2] =	stream.indirect.gather [hbm4b:s12+s18], $0x80, s23, s18, $0xb8;
	[tilespmem:$0x1EF40] =	vst v63  }
0x73: {  	_ =	swait.ge [sflag:s22], $0x2800  }
0x74: {  	[sflag:s22] =	ssyncset.done $0x0  }
0x75: {  	[sflag:s22] =	ssyncadd.s32 $0xFFFFD800  }
0x76: {  	[tilespmem:s20], [sflag:$0x2] =	stream.indirect.gather [hbm4b:s12+s18], $0x80, s24, s18, $0xb8;
	[tilespmem:$0x1EF40] =	vst v63  }
0x77: {  	_ =	swait.ge [sflag:s21], $0x2800  }
0x78: {  	[sflag:s21] =	ssyncset.done $0x0  }
0x79: {  	[sflag:s21] =	ssyncadd.s32 $0xFFFFD800  }
0x7a: {  	[spmem:s4] =	stream.indirect.scatter.add.f32 [tilespmem:s19], [sflag:$0x1], $0x80, s25, s18, $0xb8;
	[tilespmem:$0x1EF40] =	vst v63  }
0x7b: {  	_ =	swait.ge [sflag:s21], $0x2800  }
0x7c: {  	[sflag:s21] =	ssyncset.done $0x0  }
0x7d: {  	[sflag:s21] =	ssyncadd.s32 $0xFFFFD800  }
0x7e: {  	[spmem:s4] =	stream.indirect.scatter.add.f32 [tilespmem:s20], [sflag:$0x1], $0x80, s26, s18, $0xb8;
	[tilespmem:$0x1EF40] =	vst v63  }
0x7f: {  	_ =	swait.ge [sflag:s22], $0x2800  }
0x80: {  	[sflag:s22] =	ssyncset.done $0x0  }
0x81: {  	[sflag:s22] =	ssyncadd.s32 $0xFFFFD800  }
0x82: {  	[tilespmem:s19], [sflag:$0x2] =	stream.indirect.gather [hbm4b:s12+s18], $0x80, s24, s18, $0xb8;
	[tilespmem:$0x1EF40] =	vst v63  }
0x83: {  	_ =	swait.ge [sflag:s22], $0x2800  }
0x84: {  	[sflag:s22] =	ssyncset.done $0x0  }
0x85: {  	s29 =	sadd.s32 $0x1, s29;
	[sflag:s22] =	ssyncadd.s32 $0xFFFFD800  }
0x86: {  	[tilespmem:s20], [sflag:$0x2] =	stream.indirect.gather [hbm4b:s12+s18], $0x80, s24, s18, $0xb8;
	[tilespmem:$0x1EF40] =	vst v63  }
0x87: {  	p0 =	sne.s32 s29, $0x5;
	_ =	swait.ge [sflag:s21], $0x2800  }
.Ltmp2:
0x88: {  	[sflag:s21] =	ssyncset.done $0x0;
	(pc) =	sbr.rel @p0 .LBB2_4-.Ltmp2, $4  }
0x89: {  	[sflag:s21] =	ssyncadd.s32 $0xFFFFD800  }
0x8a: {  	_ =	swait.ge [sflag:s21], $0x2800  }
0x8b: {  	[sflag:s21] =	ssyncset.done $0x0  }
0x8c: {  	[sflag:s21] =	ssyncadd.s32 $0xFFFFD800  }
0x8d: {  	s5 =	sadd.s32 $0x1, s5  }
0x8e: {  	s2 =	sshll.u32 s0, $0x6;
	[bflag:$0x0] =	sbarrier.arrive $0xFFFF;
	p0 =	sne.s32 s5, s14  }
.Ltmp3:
0x8f: {  	s28 =	sshrl.u32 s6, $0x3;
	s2 =	sor.u32 $0x1C03, s2;
	(pc) =	sbr.rel @p0 .LBB2_1-.Ltmp3, $4  }
0x90: {  	[hbm:s13], [sflag:s2] =	dma.local [spmem:s28], $0x2800  }
0x91: {  	_ =	swait.ge [sflag:s16], $0x2800  }
0x92: {  	[sflag:s16] =	ssyncset.done $0x0  }
0x93: {  	[sflag:s16] =	ssyncadd.s32 $0xFFFFD800  }
0x94: {  	_ =	sfence.sel $0x180000  }
0x95: {  	[bflag:$0x0] =	sbarrier.arrive $0xFFFF  }
0x96: {  	_ =	strace $0x9000004D  }
0x97: {  	[bflag:$0x2] =	sbarrier.arrive $0xFFFF  }
0x98: {  	p0 =	sne.s32 s0, $0x0;
	s0 =	rddreg [dreg:$0x4]  }
0x99: {  	s0 =	sadd.s32 @!p0 $0x100000, s0  }
0x9a: {  	[sflag:s0] =	ssyncadd.tile.s32 @!p0 $0x1;
	_ =	shalt  }
.Lfunc_end2:
_tile_overlayer_lowered:
.L_overlay_start_2:
0x9b: {  	(tag) =	ssettag $0x2  }
0x9c: {  	s0 =	rddreg [dreg:$0x0];
	s2 =	stileid.u32  }
0x9d: {  	s1 =	rddreg [dreg:$0x1];
	p0 =	sne.s32 s2, $0x0  }
0x9e: {  	s3 =	rddreg [dreg:$0x2];
	[bflag:$0x3] =	sbarrier.arrive $0xFFFF;
	s2 =	simm.s32 @!p0 $0x1C03  }
0x9f: {  	[timem:s3], [sflag:s2] =	dma.local @!p0 [hbm:s0], s1  }
0xa0: {  	s0 =	simm.s32 @!p0 $0x3  }
0xa1: {  	_ =	swait.ge @!p0 [sflag:s0], s1  }
0xa2: {  	s1 =	ssub.s32 @!p0 $0x0, s1;
	[sflag:s0] =	ssyncset.done @!p0 $0x0  }
0xa3: {  	[sflag:s0] =	ssyncadd.s32 @!p0 s1  }
0xa4: {  	[bflag:$0x3] =	sbarrier.arrive $0xFFFF  }
0xa5: {  	_ =	shalt  }

</sc_bundles>
